<compile_context>
chip_gen: v7x
topology: tpu7x:2x2x1
jax: 0.10.2.dev20260603
libtpu: 0.0.44.dev20260713+nightly
codegen_flags: <defaults>
</compile_context>

<pallas_src>
import functools

import jax
import jax.numpy as jnp
from jax import lax
from jax.experimental import pallas as pl
from jax.experimental.pallas import tpu as pltpu
from jax.experimental.pallas import tpu_sc as plsc

N_NODES = 10000
D = 128

NC = 2
NS = 16
NW = NC * NS

C_OP = 128
N_ACC = 10240
ROWS_PER_TILE = N_ACC // NS


def _fill_f32(ref, nrows, ncols, value):
    def body(r, c):
        for j in range(ncols // 16):
            ref[r, pl.ds(j * 16, 16)] = jnp.full((16,), value, jnp.float32)
        return c
    lax.fori_loop(0, nrows, body, 0)



def _make_deg_kernel(n_ops):
    mesh = plsc.VectorSubcoreMesh(core_axis_name="c", subcore_axis_name="s")

    @functools.partial(
        pl.kernel,
        out_type=jax.ShapeDtypeStruct((NC * N_ACC, D), jnp.float32),
        mesh=mesh,
        scratch_types=[
            pltpu.VMEM((n_ops, C_OP), jnp.int32),
            pltpu.VMEM((C_OP, D), jnp.float32),
            pltpu.VMEM_SHARED((N_ACC, D), jnp.float32),
        ],
    )
    def deg_kernel(dst_hbm, out_hbm, dstv, ones, acc):
        cid = lax.axis_index("c")
        sid = lax.axis_index("s")
        wid = cid * NS + sid
        _fill_f32(ones, C_OP, D, 0.0)
        for t in range(ROWS_PER_TILE // C_OP):
            pltpu.sync_copy(ones, acc.at[pl.ds(sid * ROWS_PER_TILE + t * C_OP, C_OP)])
        plsc.subcore_barrier()
        _fill_f32(ones, C_OP, D, 1.0)
        pltpu.sync_copy(dst_hbm.at[wid], dstv)

        def step(j, c):
            pltpu.sync_copy(ones, acc.at[dstv.at[j]], add=True)
            return c
        lax.fori_loop(0, n_ops, step, 0)
        plsc.subcore_barrier()
        for t in range(ROWS_PER_TILE // C_OP):
            r0 = sid * ROWS_PER_TILE + t * C_OP
            pltpu.sync_copy(acc.at[pl.ds(r0, C_OP)], ones)
            pltpu.sync_copy(ones, out_hbm.at[pl.ds(cid * N_ACC + r0, C_OP)])

    return deg_kernel


def _make_agg_kernel(n0, n1):
    max_ops = max(n0, n1)
    mesh = plsc.VectorSubcoreMesh(core_axis_name="c", subcore_axis_name="s")

    @functools.partial(
        pl.kernel,
        out_type=jax.ShapeDtypeStruct((NC * N_ACC, D), jnp.float32),
        mesh=mesh,
        scratch_types=[
            pltpu.VMEM((max_ops, C_OP), jnp.int32),
            pltpu.VMEM((max_ops, C_OP), jnp.int32),
            pltpu.VMEM((C_OP, D), jnp.float32),
            pltpu.VMEM_SHARED((N_ACC, D), jnp.float32),
            pltpu.SemaphoreType.DMA,
        ],
    )
    def agg_kernel(hs_hbm, src_hbm, dst_hbm, out_hbm, srcv, dstv, rows, acc, sem):
        cid = lax.axis_index("c")
        sid = lax.axis_index("s")
        wid = cid * NS + sid
        _fill_f32(rows, C_OP, D, 0.0)
        for t in range(ROWS_PER_TILE // C_OP):
            pltpu.sync_copy(rows, acc.at[pl.ds(sid * ROWS_PER_TILE + t * C_OP, C_OP)])
        plsc.subcore_barrier()
        pltpu.sync_copy(src_hbm.at[wid], srcv)
        pltpu.sync_copy(dst_hbm.at[wid], dstv)
        my_ops = jnp.where(cid == 0, n0, n1)

        def step(j, c):
            pltpu.async_copy(hs_hbm.at[srcv.at[j]], rows, sem).wait()
            pltpu.sync_copy(rows, acc.at[dstv.at[j]], add=True)
            return c
        lax.fori_loop(0, my_ops, step, 0)
        plsc.subcore_barrier()
        for t in range(ROWS_PER_TILE // C_OP):
            r0 = sid * ROWS_PER_TILE + t * C_OP
            pltpu.sync_copy(acc.at[pl.ds(r0, C_OP)], rows)
            pltpu.sync_copy(rows, out_hbm.at[pl.ds(cid * N_ACC + r0, C_OP)])

    return agg_kernel



def _dis_body(cnt_ref, out_ref):
    d = cnt_ref[0:N_ACC, :] + cnt_ref[N_ACC:2 * N_ACC, :] + 1.0
    out_ref[...] = lax.rsqrt(d)


def _dis_tc(counts):
    return pl.pallas_call(
        _dis_body,
        out_shape=jax.ShapeDtypeStruct((N_ACC, D), jnp.float32),
    )(counts)


_BLK = 1000
_GRID = N_NODES // _BLK


def _mm_scale_body(x_ref, w_ref, dis_ref, out_ref):
    h = jnp.dot(x_ref[...], w_ref[...], preferred_element_type=jnp.float32)
    out_ref[...] = h * dis_ref[...]


def _tc1(x, W, dis):
    return pl.pallas_call(
        _mm_scale_body,
        grid=(_GRID,),
        in_specs=[
            pl.BlockSpec((_BLK, D), lambda i: (i, 0)),
            pl.BlockSpec((D, D), lambda i: (0, 0)),
            pl.BlockSpec((_BLK, 1), lambda i: (i, 0)),
        ],
        out_specs=pl.BlockSpec((_BLK, D), lambda i: (i, 0)),
        out_shape=jax.ShapeDtypeStruct((N_NODES, D), jnp.float32),
    )(x, W, dis)


def _mid_body(a0_ref, a1_ref, hs_ref, dis_ref, b_ref, w_ref, out_ref):
    dis = dis_ref[...]
    v = (a0_ref[...] + a1_ref[...] + hs_ref[...]) * dis + b_ref[...]
    t = jnp.maximum(v, 0.0) * dis
    out_ref[...] = jnp.dot(t, w_ref[...], preferred_element_type=jnp.float32)


def _tc2(a0, a1, hs, dis, b, W):
    return pl.pallas_call(
        _mid_body,
        grid=(_GRID,),
        in_specs=[
            pl.BlockSpec((_BLK, D), lambda i: (i, 0)),
            pl.BlockSpec((_BLK, D), lambda i: (i, 0)),
            pl.BlockSpec((_BLK, D), lambda i: (i, 0)),
            pl.BlockSpec((_BLK, 1), lambda i: (i, 0)),
            pl.BlockSpec((1, D), lambda i: (0, 0)),
            pl.BlockSpec((D, D), lambda i: (0, 0)),
        ],
        out_specs=pl.BlockSpec((_BLK, D), lambda i: (i, 0)),
        out_shape=jax.ShapeDtypeStruct((N_NODES, D), jnp.float32),
    )(a0, a1, hs, dis, b, W)


def _final_body(a0_ref, a1_ref, hs_ref, dis_ref, b_ref, out_ref):
    v = (a0_ref[...] + a1_ref[...] + hs_ref[...]) * dis_ref[...] + b_ref[...]
    m = jnp.max(v, axis=1, keepdims=True)
    z = v - m
    out_ref[...] = z - jnp.log(jnp.sum(jnp.exp(z), axis=1, keepdims=True))


def _tc3(a0, a1, hs, dis, b):
    return pl.pallas_call(
        _final_body,
        grid=(_GRID,),
        in_specs=[
            pl.BlockSpec((_BLK, D), lambda i: (i, 0)),
            pl.BlockSpec((_BLK, D), lambda i: (i, 0)),
            pl.BlockSpec((_BLK, D), lambda i: (i, 0)),
            pl.BlockSpec((_BLK, 1), lambda i: (i, 0)),
            pl.BlockSpec((1, D), lambda i: (0, 0)),
        ],
        out_specs=pl.BlockSpec((_BLK, D), lambda i: (i, 0)),
        out_shape=jax.ShapeDtypeStruct((N_NODES, D), jnp.float32),
    )(a0, a1, hs, dis, b)



_F0 = 0.75


def _pack_tiles(arr, fillval, n0, n1):
    m = max(n0, n1)
    p0 = arr[:NS * n0].reshape(NS, n0, C_OP)
    p1 = arr[NS * n0:].reshape(NS, n1, C_OP)
    p0 = jnp.pad(p0, ((0, 0), (0, m - n0), (0, 0)), constant_values=fillval)
    p1 = jnp.pad(p1, ((0, 0), (0, m - n1), (0, 0)), constant_values=fillval)
    return jnp.concatenate([p0, p1])


def kernel(x, edge_index, W1, b1, W2, b2):
    src = edge_index[0].astype(jnp.int32)
    dst = edge_index[1].astype(jnp.int32)
    E = src.shape[0]
    n_ops = -(-E // (NW * C_OP))
    n_pair = NC * n_ops
    n0 = min(n_pair, max(0, round(n_pair * _F0)))
    n1 = n_pair - n0
    e_pad = NW * C_OP * n_ops
    pad = e_pad - E
    src_f = jnp.concatenate([src, jnp.zeros((pad,), jnp.int32)]).reshape(-1, C_OP)
    dst_f = jnp.concatenate([dst, jnp.full((pad,), N_ACC - 1, jnp.int32)]).reshape(-1, C_OP)
    src_p = _pack_tiles(src_f, 0, n0, n1)
    dst_p = _pack_tiles(dst_f, N_ACC - 1, n0, n1)
    dst_d = dst_f.reshape(NW, n_ops, C_OP)

    counts = _make_deg_kernel(n_ops)(dst_d)
    dis_full = _dis_tc(counts)
    dis = dis_full[:N_NODES, 0:1]

    agg = _make_agg_kernel(n0, n1)

    hs1 = _tc1(x, W1, dis)
    p1 = agg(hs1, src_p, dst_p)
    hs2 = _tc2(p1[:N_NODES], p1[N_ACC:N_ACC + N_NODES], hs1, dis,
               b1.reshape(1, D), W2)
    p2 = agg(hs2, src_p, dst_p)
    return _tc3(p2[:N_NODES], p2[N_ACC:N_ACC + N_NODES], hs2, dis,
                b2.reshape(1, D))

# --- scband reference (transcript-rebuilt; emitter-appended) ---
"""Pipeline reference for scband-gcn-17377437679657 (READ-ONLY COPY).

The authoritative reference and input builder live on the scoring server;
editing this copy changes nothing except your own understanding.
"""

import jax, jax.numpy as jnp
import numpy as np

N_NODES = 10000
N_EDGES = 320000
D_IN = 128
D_HID = 128
D_OUT = 128


def gcn_conv(x, edge_index, W, b):
    N = x.shape[0]
    src = edge_index[0]
    dst = edge_index[1]
    # add self loops (PyG GCNConv default add_self_loops=True)
    loop = jnp.arange(N, dtype=src.dtype)
    src = jnp.concatenate([src, loop])
    dst = jnp.concatenate([dst, loop])
    # linear transform first
    h = x @ W
    # symmetric normalization D^{-1/2} A_hat D^{-1/2}
    deg = jnp.zeros((N,), dtype=h.dtype).at[dst].add(1.0)
    deg_inv_sqrt = jnp.where(deg > 0, 1.0 / jnp.sqrt(deg), 0.0)
    norm = deg_inv_sqrt[src] * deg_inv_sqrt[dst]
    msgs = h[src] * norm[:, None]
    out = jnp.zeros_like(h).at[dst].add(msgs)
    return out + b


def setup_inputs(seed: int = 0) -> dict:
    key = jax.random.key(seed)
    k1, k2, k3, k4, k5 = jax.random.split(key, 5)
    x = jax.random.normal(k1, (N_NODES, D_IN), dtype=jnp.float32)
    edge_index = jax.random.randint(k2, (2, N_EDGES), 0, N_NODES, dtype=jnp.int64)
    W1 = jax.random.normal(k3, (D_IN, D_HID), dtype=jnp.float32) * (1.0 / np.sqrt(D_IN))
    b1 = jnp.zeros((D_HID,), dtype=jnp.float32)
    W2 = jax.random.normal(k4, (D_HID, D_OUT), dtype=jnp.float32) * (1.0 / np.sqrt(D_HID))
    b2 = jnp.zeros((D_OUT,), dtype=jnp.float32)
    return {"x": x, "edge_index": edge_index, "W1": W1, "b1": b1, "W2": W2, "b2": b2}


def reference(x, edge_index, W1, b1, W2, b2):
    h = gcn_conv(x, edge_index, W1, b1)
    h = jax.nn.relu(h)
    h = gcn_conv(h, edge_index, W2, b2)
    return jax.nn.log_softmax(h, axis=1)

if __name__ == "__main__":
    import jax
    _d = setup_inputs()
    print(jax.jit(kernel)(*tuple(_d.values())))

</pallas_src>

<mosaic_0001>
#map = affine_map<(d0, d1) -> (0, 0)>
#map1 = affine_map<(d0, d1) -> (0, 0, 0)>
module attributes {stable_mosaic.version = 14 : i64} {
  func.func @agg_kernel(%arg0: i32, %arg1: i32, %arg2: memref<10000x128xf32, #tpu.memory_space<hbm>>, %arg3: memref<32x118x128xi32, #tpu.memory_space<hbm>>, %arg4: memref<32x118x128xi32, #tpu.memory_space<hbm>>, %arg5: memref<20480x128xf32, #tpu.memory_space<hbm>>, %arg6: memref<118x128xi32, #tpu.memory_space<vmem>>, %arg7: memref<118x128xi32, #tpu.memory_space<vmem>>, %arg8: memref<128x128xf32, #tpu.memory_space<vmem>>, %arg9: memref<10240x128xf32, #tpu.memory_space<vmem_shared>>, %arg10: memref<!tpu.dma_semaphore, #tpu.memory_space<semaphore_mem>>) attributes {dimension_semantics = [#tpu.dimension_semantics<core_parallel>, #tpu.dimension_semantics<subcore_parallel>], iteration_bounds = array<i64: 2, 16>, scalar_prefetch = 0 : i64, scratch_operands = 5 : i64, tpu.core_type = #tpu.core_type<sc_vector_subcore>, window_params = [{transform_indices = #map}, {transform_indices = #map1}, {transform_indices = #map1}, {transform_indices = #map}]} {
    %mul3A = arith.constant 16 : i32
    %mul3A_0 = arith.muli %arg0, %mul3A : i32
    %add3A = arith.addi %mul3A_0, %arg1 : i32
    %scan3A = arith.constant 0 : i32
    %scan3A_1 = arith.constant 0 : i32
    %scan3A_2 = arith.constant 128 : i32
    %scan3A_3 = arith.addi %scan3A_1, %scan3A_2 : i32
    %scan3A_4 = arith.constant 1 : i32
    scf.for %scan3A_73 = %scan3A_1 to %scan3A_3 step %scan3A_4  : i32 {
      %broadcast_in_dim3A = arith.constant 0.000000e+00 : f32
      %broadcast_in_dim3A_74 = vector.broadcast %broadcast_in_dim3A : f32 to vector<16xf32>
      %swap3A = arith.index_cast %scan3A_73 : i32 to index
      %swap3A_75 = arith.constant 0 : index
      %swap3A_76 = tpu.vector_load %arg8[%swap3A, %swap3A_75] {strides = array<i32>} : memref<128x128xf32, #tpu.memory_space<vmem>>, vector<1x16xf32>,
      %swap3A_77 = vector.shape_cast %swap3A_76 : vector<1x16xf32> to vector<16xf32>
      %swap3A_78 = vector.shape_cast %broadcast_in_dim3A_74 : vector<16xf32> to vector<1x16xf32>
      tpu.vector_store %arg8[%swap3A, %swap3A_75], %swap3A_78 {strides = array<i32>} : memref<128x128xf32, #tpu.memory_space<vmem>>, vector<1x16xf32>,
      %broadcast_in_dim3A_79 = arith.constant 0.000000e+00 : f32
      %broadcast_in_dim3A_80 = vector.broadcast %broadcast_in_dim3A_79 : f32 to vector<16xf32>
      %swap3A_81 = arith.index_cast %scan3A_73 : i32 to index
      %swap3A_82 = arith.constant 16 : index
      %swap3A_83 = tpu.vector_load %arg8[%swap3A_81, %swap3A_82] {strides = array<i32>} : memref<128x128xf32, #tpu.memory_space<vmem>>, vector<1x16xf32>,
      %swap3A_84 = vector.shape_cast %swap3A_83 : vector<1x16xf32> to vector<16xf32>
      %swap3A_85 = vector.shape_cast %broadcast_in_dim3A_80 : vector<16xf32> to vector<1x16xf32>
      tpu.vector_store %arg8[%swap3A_81, %swap3A_82], %swap3A_85 {strides = array<i32>} : memref<128x128xf32, #tpu.memory_space<vmem>>, vector<1x16xf32>,
      %broadcast_in_dim3A_86 = arith.constant 0.000000e+00 : f32
      %broadcast_in_dim3A_87 = vector.broadcast %broadcast_in_dim3A_86 : f32 to vector<16xf32>
      %swap3A_88 = arith.index_cast %scan3A_73 : i32 to index
      %swap3A_89 = arith.constant 32 : index
      %swap3A_90 = tpu.vector_load %arg8[%swap3A_88, %swap3A_89] {strides = array<i32>} : memref<128x128xf32, #tpu.memory_space<vmem>>, vector<1x16xf32>,
      %swap3A_91 = vector.shape_cast %swap3A_90 : vector<1x16xf32> to vector<16xf32>
      %swap3A_92 = vector.shape_cast %broadcast_in_dim3A_87 : vector<16xf32> to vector<1x16xf32>
      tpu.vector_store %arg8[%swap3A_88, %swap3A_89], %swap3A_92 {strides = array<i32>} : memref<128x128xf32, #tpu.memory_space<vmem>>, vector<1x16xf32>,
      %broadcast_in_dim3A_93 = arith.constant 0.000000e+00 : f32
      %broadcast_in_dim3A_94 = vector.broadcast %broadcast_in_dim3A_93 : f32 to vector<16xf32>
      %swap3A_95 = arith.index_cast %scan3A_73 : i32 to index
      %swap3A_96 = arith.constant 48 : index
      %swap3A_97 = tpu.vector_load %arg8[%swap3A_95, %swap3A_96] {strides = array<i32>} : memref<128x128xf32, #tpu.memory_space<vmem>>, vector<1x16xf32>,
      %swap3A_98 = vector.shape_cast %swap3A_97 : vector<1x16xf32> to vector<16xf32>
      %swap3A_99 = vector.shape_cast %broadcast_in_dim3A_94 : vector<16xf32> to vector<1x16xf32>
      tpu.vector_store %arg8[%swap3A_95, %swap3A_96], %swap3A_99 {strides = array<i32>} : memref<128x128xf32, #tpu.memory_space<vmem>>, vector<1x16xf32>,
      %broadcast_in_dim3A_100 = arith.constant 0.000000e+00 : f32
      %broadcast_in_dim3A_101 = vector.broadcast %broadcast_in_dim3A_100 : f32 to vector<16xf32>
      %swap3A_102 = arith.index_cast %scan3A_73 : i32 to index
      %swap3A_103 = arith.constant 64 : index
      %swap3A_104 = tpu.vector_load %arg8[%swap3A_102, %swap3A_103] {strides = array<i32>} : memref<128x128xf32, #tpu.memory_space<vmem>>, vector<1x16xf32>,
      %swap3A_105 = vector.shape_cast %swap3A_104 : vector<1x16xf32> to vector<16xf32>
      %swap3A_106 = vector.shape_cast %broadcast_in_dim3A_101 : vector<16xf32> to vector<1x16xf32>
      tpu.vector_store %arg8[%swap3A_102, %swap3A_103], %swap3A_106 {strides = array<i32>} : memref<128x128xf32, #tpu.memory_space<vmem>>, vector<1x16xf32>,
      %broadcast_in_dim3A_107 = arith.constant 0.000000e+00 : f32
      %broadcast_in_dim3A_108 = vector.broadcast %broadcast_in_dim3A_107 : f32 to vector<16xf32>
      %swap3A_109 = arith.index_cast %scan3A_73 : i32 to index
      %swap3A_110 = arith.constant 80 : index
      %swap3A_111 = tpu.vector_load %arg8[%swap3A_109, %swap3A_110] {strides = array<i32>} : memref<128x128xf32, #tpu.memory_space<vmem>>, vector<1x16xf32>,
      %swap3A_112 = vector.shape_cast %swap3A_111 : vector<1x16xf32> to vector<16xf32>
      %swap3A_113 = vector.shape_cast %broadcast_in_dim3A_108 : vector<16xf32> to vector<1x16xf32>
      tpu.vector_store %arg8[%swap3A_109, %swap3A_110], %swap3A_113 {strides = array<i32>} : memref<128x128xf32, #tpu.memory_space<vmem>>, vector<1x16xf32>,
      %broadcast_in_dim3A_114 = arith.constant 0.000000e+00 : f32
      %broadcast_in_dim3A_115 = vector.broadcast %broadcast_in_dim3A_114 : f32 to vector<16xf32>
      %swap3A_116 = arith.index_cast %scan3A_73 : i32 to index
      %swap3A_117 = arith.constant 96 : index
      %swap3A_118 = tpu.vector_load %arg8[%swap3A_116, %swap3A_117] {strides = array<i32>} : memref<128x128xf32, #tpu.memory_space<vmem>>, vector<1x16xf32>,
      %swap3A_119 = vector.shape_cast %swap3A_118 : vector<1x16xf32> to vector<16xf32>
      %swap3A_120 = vector.shape_cast %broadcast_in_dim3A_115 : vector<16xf32> to vector<1x16xf32>
      tpu.vector_store %arg8[%swap3A_116, %swap3A_117], %swap3A_120 {strides = array<i32>} : memref<128x128xf32, #tpu.memory_space<vmem>>, vector<1x16xf32>,
      %broadcast_in_dim3A_121 = arith.constant 0.000000e+00 : f32
      %broadcast_in_dim3A_122 = vector.broadcast %broadcast_in_dim3A_121 : f32 to vector<16xf32>
      %swap3A_123 = arith.index_cast %scan3A_73 : i32 to index
      %swap3A_124 = arith.constant 112 : index
      %swap3A_125 = tpu.vector_load %arg8[%swap3A_123, %swap3A_124] {strides = array<i32>} : memref<128x128xf32, #tpu.memory_space<vmem>>, vector<1x16xf32>,
      %swap3A_126 = vector.shape_cast %swap3A_125 : vector<1x16xf32> to vector<16xf32>
      %swap3A_127 = vector.shape_cast %broadcast_in_dim3A_122 : vector<16xf32> to vector<1x16xf32>
      tpu.vector_store %arg8[%swap3A_123, %swap3A_124], %swap3A_127 {strides = array<i32>} : memref<128x128xf32, #tpu.memory_space<vmem>>, vector<1x16xf32>,
    }
    %scan3A_5 = arith.constant 128 : i32
    %mul3A_6 = arith.constant 640 : i32
    %mul3A_7 = arith.muli %arg1, %mul3A_6 : i32
    %add3A_8 = arith.constant 0 : i32
    %add3A_9 = arith.addi %mul3A_7, %add3A_8 : i32
    "tpu.region"() ({
      %run_scoped3A = tpu.sem_alloc : memref<!tpu.dma_semaphore, #tpu.memory_space<semaphore_mem>>
      %dma_start3A = arith.constant 0 : i32
      %dma_start3A_73 = tpu.memref_slice %arg9[%add3A_9, %dma_start3A] : memref<10240x128xf32, #tpu.memory_space<vmem_shared>> -> memref<128x128xf32, #tpu.memory_space<vmem_shared>>
      %dma_start3A_74 = arith.constant 0 : i32
      %dma_start3A_75 = tpu.memref_slice %arg9[%add3A_9, %dma_start3A_74] : memref<10240x128xf32, #tpu.memory_space<vmem_shared>> -> memref<128x128xf32, #tpu.memory_space<vmem_shared>>
      tpu.enqueue_dma source(%arg8 : memref<128x128xf32, #tpu.memory_space<vmem>>) target(%dma_start3A_75 : memref<128x128xf32, #tpu.memory_space<vmem_shared>>) target_semaphore(%run_scoped3A : memref<!tpu.dma_semaphore, #tpu.memory_space<semaphore_mem>>)
      %dma_wait3A = arith.constant 0 : i32
      %dma_wait3A_76 = tpu.memref_slice %arg9[%add3A_9, %dma_wait3A] : memref<10240x128xf32, #tpu.memory_space<vmem_shared>> -> memref<128x128xf32, #tpu.memory_space<vmem_shared>>
      %dma_wait3A_77 = arith.constant 0 : i32
      %dma_wait3A_78 = tpu.memref_slice %arg9[%add3A_9, %dma_wait3A_77] : memref<10240x128xf32, #tpu.memory_space<vmem_shared>> -> memref<128x128xf32, #tpu.memory_space<vmem_shared>>
      tpu.wait_dma2 semaphore(%run_scoped3A : memref<!tpu.dma_semaphore, #tpu.memory_space<semaphore_mem>>) src(%arg8 : memref<128x128xf32, #tpu.memory_space<vmem>>) dst(%dma_wait3A_78 : memref<128x128xf32, #tpu.memory_space<vmem_shared>>)
      tpu.yield
    }) : () -> ()
    %mul3A_10 = arith.constant 640 : i32
    %mul3A_11 = arith.muli %arg1, %mul3A_10 : i32
    %add3A_12 = arith.constant 128 : i32
    %add3A_13 = arith.addi %mul3A_11, %add3A_12 : i32
    "tpu.region"() ({
      %run_scoped3A = tpu.sem_alloc : memref<!tpu.dma_semaphore, #tpu.memory_space<semaphore_mem>>
      %dma_start3A = arith.constant 0 : i32
      %dma_start3A_73 = tpu.memref_slice %arg9[%add3A_13, %dma_start3A] : memref<10240x128xf32, #tpu.memory_space<vmem_shared>> -> memref<128x128xf32, #tpu.memory_space<vmem_shared>>
      %dma_start3A_74 = arith.constant 0 : i32
      %dma_start3A_75 = tpu.memref_slice %arg9[%add3A_13, %dma_start3A_74] : memref<10240x128xf32, #tpu.memory_space<vmem_shared>> -> memref<128x128xf32, #tpu.memory_space<vmem_shared>>
      tpu.enqueue_dma source(%arg8 : memref<128x128xf32, #tpu.memory_space<vmem>>) target(%dma_start3A_75 : memref<128x128xf32, #tpu.memory_space<vmem_shared>>) target_semaphore(%run_scoped3A : memref<!tpu.dma_semaphore, #tpu.memory_space<semaphore_mem>>)
      %dma_wait3A = arith.constant 0 : i32
      %dma_wait3A_76 = tpu.memref_slice %arg9[%add3A_13, %dma_wait3A] : memref<10240x128xf32, #tpu.memory_space<vmem_shared>> -> memref<128x128xf32, #tpu.memory_space<vmem_shared>>
      %dma_wait3A_77 = arith.constant 0 : i32
      %dma_wait3A_78 = tpu.memref_slice %arg9[%add3A_13, %dma_wait3A_77] : memref<10240x128xf32, #tpu.memory_space<vmem_shared>> -> memref<128x128xf32, #tpu.memory_space<vmem_shared>>
      tpu.wait_dma2 semaphore(%run_scoped3A : memref<!tpu.dma_semaphore, #tpu.memory_space<semaphore_mem>>) src(%arg8 : memref<128x128xf32, #tpu.memory_space<vmem>>) dst(%dma_wait3A_78 : memref<128x128xf32, #tpu.memory_space<vmem_shared>>)
      tpu.yield
    }) : () -> ()
    %mul3A_14 = arith.constant 640 : i32
    %mul3A_15 = arith.muli %arg1, %mul3A_14 : i32
    %add3A_16 = arith.constant 256 : i32
    %add3A_17 = arith.addi %mul3A_15, %add3A_16 : i32
    "tpu.region"() ({
      %run_scoped3A = tpu.sem_alloc : memref<!tpu.dma_semaphore, #tpu.memory_space<semaphore_mem>>
      %dma_start3A = arith.constant 0 : i32
      %dma_start3A_73 = tpu.memref_slice %arg9[%add3A_17, %dma_start3A] : memref<10240x128xf32, #tpu.memory_space<vmem_shared>> -> memref<128x128xf32, #tpu.memory_space<vmem_shared>>
      %dma_start3A_74 = arith.constant 0 : i32
      %dma_start3A_75 = tpu.memref_slice %arg9[%add3A_17, %dma_start3A_74] : memref<10240x128xf32, #tpu.memory_space<vmem_shared>> -> memref<128x128xf32, #tpu.memory_space<vmem_shared>>
      tpu.enqueue_dma source(%arg8 : memref<128x128xf32, #tpu.memory_space<vmem>>) target(%dma_start3A_75 : memref<128x128xf32, #tpu.memory_space<vmem_shared>>) target_semaphore(%run_scoped3A : memref<!tpu.dma_semaphore, #tpu.memory_space<semaphore_mem>>)
      %dma_wait3A = arith.constant 0 : i32
      %dma_wait3A_76 = tpu.memref_slice %arg9[%add3A_17, %dma_wait3A] : memref<10240x128xf32, #tpu.memory_space<vmem_shared>> -> memref<128x128xf32, #tpu.memory_space<vmem_shared>>
      %dma_wait3A_77 = arith.constant 0 : i32
      %dma_wait3A_78 = tpu.memref_slice %arg9[%add3A_17, %dma_wait3A_77] : memref<10240x128xf32, #tpu.memory_space<vmem_shared>> -> memref<128x128xf32, #tpu.memory_space<vmem_shared>>
      tpu.wait_dma2 semaphore(%run_scoped3A : memref<!tpu.dma_semaphore, #tpu.memory_space<semaphore_mem>>) src(%arg8 : memref<128x128xf32, #tpu.memory_space<vmem>>) dst(%dma_wait3A_78 : memref<128x128xf32, #tpu.memory_space<vmem_shared>>)
      tpu.yield
    }) : () -> ()
    %mul3A_18 = arith.constant 640 : i32
    %mul3A_19 = arith.muli %arg1, %mul3A_18 : i32
    %add3A_20 = arith.constant 384 : i32
    %add3A_21 = arith.addi %mul3A_19, %add3A_20 : i32
    "tpu.region"() ({
      %run_scoped3A = tpu.sem_alloc : memref<!tpu.dma_semaphore, #tpu.memory_space<semaphore_mem>>
      %dma_start3A = arith.constant 0 : i32
      %dma_start3A_73 = tpu.memref_slice %arg9[%add3A_21, %dma_start3A] : memref<10240x128xf32, #tpu.memory_space<vmem_shared>> -> memref<128x128xf32, #tpu.memory_space<vmem_shared>>
      %dma_start3A_74 = arith.constant 0 : i32
      %dma_start3A_75 = tpu.memref_slice %arg9[%add3A_21, %dma_start3A_74] : memref<10240x128xf32, #tpu.memory_space<vmem_shared>> -> memref<128x128xf32, #tpu.memory_space<vmem_shared>>
      tpu.enqueue_dma source(%arg8 : memref<128x128xf32, #tpu.memory_space<vmem>>) target(%dma_start3A_75 : memref<128x128xf32, #tpu.memory_space<vmem_shared>>) target_semaphore(%run_scoped3A : memref<!tpu.dma_semaphore, #tpu.memory_space<semaphore_mem>>)
      %dma_wait3A = arith.constant 0 : i32
      %dma_wait3A_76 = tpu.memref_slice %arg9[%add3A_21, %dma_wait3A] : memref<10240x128xf32, #tpu.memory_space<vmem_shared>> -> memref<128x128xf32, #tpu.memory_space<vmem_shared>>
      %dma_wait3A_77 = arith.constant 0 : i32
      %dma_wait3A_78 = tpu.memref_slice %arg9[%add3A_21, %dma_wait3A_77] : memref<10240x128xf32, #tpu.memory_space<vmem_shared>> -> memref<128x128xf32, #tpu.memory_space<vmem_shared>>
      tpu.wait_dma2 semaphore(%run_scoped3A : memref<!tpu.dma_semaphore, #tpu.memory_space<semaphore_mem>>) src(%arg8 : memref<128x128xf32, #tpu.memory_space<vmem>>) dst(%dma_wait3A_78 : memref<128x128xf32, #tpu.memory_space<vmem_shared>>)
      tpu.yield
    }) : () -> ()
    %mul3A_22 = arith.constant 640 : i32
    %mul3A_23 = arith.muli %arg1, %mul3A_22 : i32
    %add3A_24 = arith.constant 512 : i32
    %add3A_25 = arith.addi %mul3A_23, %add3A_24 : i32
    "tpu.region"() ({
      %run_scoped3A = tpu.sem_alloc : memref<!tpu.dma_semaphore, #tpu.memory_space<semaphore_mem>>
      %dma_start3A = arith.constant 0 : i32
      %dma_start3A_73 = tpu.memref_slice %arg9[%add3A_25, %dma_start3A] : memref<10240x128xf32, #tpu.memory_space<vmem_shared>> -> memref<128x128xf32, #tpu.memory_space<vmem_shared>>
      %dma_start3A_74 = arith.constant 0 : i32
      %dma_start3A_75 = tpu.memref_slice %arg9[%add3A_25, %dma_start3A_74] : memref<10240x128xf32, #tpu.memory_space<vmem_shared>> -> memref<128x128xf32, #tpu.memory_space<vmem_shared>>
      tpu.enqueue_dma source(%arg8 : memref<128x128xf32, #tpu.memory_space<vmem>>) target(%dma_start3A_75 : memref<128x128xf32, #tpu.memory_space<vmem_shared>>) target_semaphore(%run_scoped3A : memref<!tpu.dma_semaphore, #tpu.memory_space<semaphore_mem>>)
      %dma_wait3A = arith.constant 0 : i32
      %dma_wait3A_76 = tpu.memref_slice %arg9[%add3A_25, %dma_wait3A] : memref<10240x128xf32, #tpu.memory_space<vmem_shared>> -> memref<128x128xf32, #tpu.memory_space<vmem_shared>>
      %dma_wait3A_77 = arith.constant 0 : i32
      %dma_wait3A_78 = tpu.memref_slice %arg9[%add3A_25, %dma_wait3A_77] : memref<10240x128xf32, #tpu.memory_space<vmem_shared>> -> memref<128x128xf32, #tpu.memory_space<vmem_shared>>
      tpu.wait_dma2 semaphore(%run_scoped3A : memref<!tpu.dma_semaphore, #tpu.memory_space<semaphore_mem>>) src(%arg8 : memref<128x128xf32, #tpu.memory_space<vmem>>) dst(%dma_wait3A_78 : memref<128x128xf32, #tpu.memory_space<vmem_shared>>)
      tpu.yield
    }) : () -> ()
    %barrier3A = arith.constant 0 : index
    tpu.barrier barrier_id(%barrier3A)
    "tpu.region"() ({
      %run_scoped3A = tpu.sem_alloc : memref<!tpu.dma_semaphore, #tpu.memory_space<semaphore_mem>>
      %dma_start3A = arith.constant 0 : i32
      %dma_start3A_73 = arith.constant 0 : i32
      %dma_start3A_74 = tpu.memref_slice %arg3[%add3A, %dma_start3A, %dma_start3A_73] : memref<32x118x128xi32, #tpu.memory_space<hbm>> -> memref<1x118x128xi32, #tpu.memory_space<hbm>>
      %dma_start3A_75 = tpu.memref_squeeze %dma_start3A_74 : memref<1x118x128xi32, #tpu.memory_space<hbm>> -> memref<118x128xi32, #tpu.memory_space<hbm>>
      %dma_start3A_76 = arith.constant 0 : i32
      %dma_start3A_77 = arith.constant 0 : i32
      %dma_start3A_78 = tpu.memref_slice %arg3[%add3A, %dma_start3A_76, %dma_start3A_77] : memref<32x118x128xi32, #tpu.memory_space<hbm>> -> memref<1x118x128xi32, #tpu.memory_space<hbm>>
      %dma_start3A_79 = tpu.memref_squeeze %dma_start3A_78 : memref<1x118x128xi32, #tpu.memory_space<hbm>> -> memref<118x128xi32, #tpu.memory_space<hbm>>
      tpu.enqueue_dma source(%dma_start3A_79 : memref<118x128xi32, #tpu.memory_space<hbm>>) target(%arg6 : memref<118x128xi32, #tpu.memory_space<vmem>>) target_semaphore(%run_scoped3A : memref<!tpu.dma_semaphore, #tpu.memory_space<semaphore_mem>>)
      %dma_wait3A = arith.constant 0 : i32
      %dma_wait3A_80 = arith.constant 0 : i32
      %dma_wait3A_81 = tpu.memref_slice %arg3[%add3A, %dma_wait3A, %dma_wait3A_80] : memref<32x118x128xi32, #tpu.memory_space<hbm>> -> memref<1x118x128xi32, #tpu.memory_space<hbm>>
      %dma_wait3A_82 = tpu.memref_squeeze %dma_wait3A_81 : memref<1x118x128xi32, #tpu.memory_space<hbm>> -> memref<118x128xi32, #tpu.memory_space<hbm>>
      %dma_wait3A_83 = arith.constant 0 : i32
      %dma_wait3A_84 = arith.constant 0 : i32
      %dma_wait3A_85 = tpu.memref_slice %arg3[%add3A, %dma_wait3A_83, %dma_wait3A_84] : memref<32x118x128xi32, #tpu.memory_space<hbm>> -> memref<1x118x128xi32, #tpu.memory_space<hbm>>
      %dma_wait3A_86 = tpu.memref_squeeze %dma_wait3A_85 : memref<1x118x128xi32, #tpu.memory_space<hbm>> -> memref<118x128xi32, #tpu.memory_space<hbm>>
      tpu.wait_dma2 semaphore(%run_scoped3A : memref<!tpu.dma_semaphore, #tpu.memory_space<semaphore_mem>>) src(%dma_wait3A_86 : memref<118x128xi32, #tpu.memory_space<hbm>>) dst(%arg6 : memref<118x128xi32, #tpu.memory_space<vmem>>)
      tpu.yield
    }) : () -> ()
    "tpu.region"() ({
      %run_scoped3A = tpu.sem_alloc : memref<!tpu.dma_semaphore, #tpu.memory_space<semaphore_mem>>
      %dma_start3A = arith.constant 0 : i32
      %dma_start3A_73 = arith.constant 0 : i32
      %dma_start3A_74 = tpu.memref_slice %arg4[%add3A, %dma_start3A, %dma_start3A_73] : memref<32x118x128xi32, #tpu.memory_space<hbm>> -> memref<1x118x128xi32, #tpu.memory_space<hbm>>
      %dma_start3A_75 = tpu.memref_squeeze %dma_start3A_74 : memref<1x118x128xi32, #tpu.memory_space<hbm>> -> memref<118x128xi32, #tpu.memory_space<hbm>>
      %dma_start3A_76 = arith.constant 0 : i32
      %dma_start3A_77 = arith.constant 0 : i32
      %dma_start3A_78 = tpu.memref_slice %arg4[%add3A, %dma_start3A_76, %dma_start3A_77] : memref<32x118x128xi32, #tpu.memory_space<hbm>> -> memref<1x118x128xi32, #tpu.memory_space<hbm>>
      %dma_start3A_79 = tpu.memref_squeeze %dma_start3A_78 : memref<1x118x128xi32, #tpu.memory_space<hbm>> -> memref<118x128xi32, #tpu.memory_space<hbm>>
      tpu.enqueue_dma source(%dma_start3A_79 : memref<118x128xi32, #tpu.memory_space<hbm>>) target(%arg7 : memref<118x128xi32, #tpu.memory_space<vmem>>) target_semaphore(%run_scoped3A : memref<!tpu.dma_semaphore, #tpu.memory_space<semaphore_mem>>)
      %dma_wait3A = arith.constant 0 : i32
      %dma_wait3A_80 = arith.constant 0 : i32
      %dma_wait3A_81 = tpu.memref_slice %arg4[%add3A, %dma_wait3A, %dma_wait3A_80] : memref<32x118x128xi32, #tpu.memory_space<hbm>> -> memref<1x118x128xi32, #tpu.memory_space<hbm>>
      %dma_wait3A_82 = tpu.memref_squeeze %dma_wait3A_81 : memref<1x118x128xi32, #tpu.memory_space<hbm>> -> memref<118x128xi32, #tpu.memory_space<hbm>>
      %dma_wait3A_83 = arith.constant 0 : i32
      %dma_wait3A_84 = arith.constant 0 : i32
      %dma_wait3A_85 = tpu.memref_slice %arg4[%add3A, %dma_wait3A_83, %dma_wait3A_84] : memref<32x118x128xi32, #tpu.memory_space<hbm>> -> memref<1x118x128xi32, #tpu.memory_space<hbm>>
      %dma_wait3A_86 = tpu.memref_squeeze %dma_wait3A_85 : memref<1x118x128xi32, #tpu.memory_space<hbm>> -> memref<118x128xi32, #tpu.memory_space<hbm>>
      tpu.wait_dma2 semaphore(%run_scoped3A : memref<!tpu.dma_semaphore, #tpu.memory_space<semaphore_mem>>) src(%dma_wait3A_86 : memref<118x128xi32, #tpu.memory_space<hbm>>) dst(%arg7 : memref<118x128xi32, #tpu.memory_space<vmem>>)
      tpu.yield
    }) : () -> ()
    %eq3A = arith.constant 0 : i32
    %eq3A_26 = arith.cmpi eq, %arg0, %eq3A : i32
    %jit3A = arith.constant 118 : i32
    %jit3A_27 = arith.constant 40 : i32
    %select_n3A = arith.select %eq3A_26, %jit3A, %jit3A_27 : i32
    %while3A = arith.constant 0 : i32
    %while3A_28 = arith.constant 0 : i32
    %while3A_29 = arith.subi %select_n3A, %while3A_28 : i32
    %while3A_30 = arith.addi %while3A_28, %while3A_29 : i32
    %while3A_31 = arith.constant 1 : i32
    %while3A_32 = arith.divsi %while3A_29, %while3A_31 : i32
    %while3A_33 = arith.muli %while3A_32, %while3A_31 : i32
    %while3A_34 = arith.addi %while3A_28, %while3A_33 : i32
    %while3A_35 = arith.constant 1 : i32
    scf.for %while3A_73 = %while3A_28 to %while3A_34 step %while3A_35  : i32 {
      %dma_start3A = arith.constant 0 : i32
      %dma_start3A_74 = tpu.memref_slice %arg6[%while3A_73, %dma_start3A] : memref<118x128xi32, #tpu.memory_space<vmem>> -> memref<1x128xi32, #tpu.memory_space<vmem>>
      %dma_start3A_75 = tpu.memref_squeeze %dma_start3A_74 : memref<1x128xi32, #tpu.memory_space<vmem>> -> memref<128xi32, #tpu.memory_space<vmem>>
      %dma_start3A_76 = arith.constant 0 : i32
      %dma_start3A_77 = arith.constant 0 : i32
      %dma_start3A_78 = tpu.memref_slice %arg2[%dma_start3A_76, %dma_start3A_77] : memref<10000x128xf32, #tpu.memory_space<hbm>> -> memref<10000x128xf32, #tpu.memory_space<hbm>>
      tpu.enqueue_indirect_dma source(%dma_start3A_78 : memref<10000x128xf32, #tpu.memory_space<hbm>>) target(%arg8 : memref<128x128xf32, #tpu.memory_space<vmem>>) offsets(%dma_start3A_75 : memref<128xi32, #tpu.memory_space<vmem>>) semaphore(%arg10 : memref<!tpu.dma_semaphore, #tpu.memory_space<semaphore_mem>>)
      %dma_wait3A = arith.constant 0 : i32
      %dma_wait3A_79 = tpu.memref_slice %arg6[%while3A_73, %dma_wait3A] : memref<118x128xi32, #tpu.memory_space<vmem>> -> memref<1x128xi32, #tpu.memory_space<vmem>>
      %dma_wait3A_80 = tpu.memref_squeeze %dma_wait3A_79 : memref<1x128xi32, #tpu.memory_space<vmem>> -> memref<128xi32, #tpu.memory_space<vmem>>
      %dma_wait3A_81 = arith.constant 0 : i32
      %dma_wait3A_82 = arith.constant 0 : i32
      %dma_wait3A_83 = tpu.memref_slice %arg2[%dma_wait3A_81, %dma_wait3A_82] : memref<10000x128xf32, #tpu.memory_space<hbm>> -> memref<10000x128xf32, #tpu.memory_space<hbm>>
      tpu.wait_indirect_dma semaphore(%arg10 : memref<!tpu.dma_semaphore, #tpu.memory_space<semaphore_mem>>) src(%dma_wait3A_83 : memref<10000x128xf32, #tpu.memory_space<hbm>>) dst(%arg8 : memref<128x128xf32, #tpu.memory_space<vmem>>)
      "tpu.region"() ({
        %run_scoped3A = tpu.sem_alloc : memref<!tpu.dma_semaphore, #tpu.memory_space<semaphore_mem>>
        %dma_start3A_84 = arith.constant 0 : i32
        %dma_start3A_85 = tpu.memref_slice %arg7[%while3A_73, %dma_start3A_84] : memref<118x128xi32, #tpu.memory_space<vmem>> -> memref<1x128xi32, #tpu.memory_space<vmem>>
        %dma_start3A_86 = tpu.memref_squeeze %dma_start3A_85 : memref<1x128xi32, #tpu.memory_space<vmem>> -> memref<128xi32, #tpu.memory_space<vmem>>
        %dma_start3A_87 = arith.constant 0 : i32
        %dma_start3A_88 = arith.constant 0 : i32
        %dma_start3A_89 = tpu.memref_slice %arg9[%dma_start3A_87, %dma_start3A_88] : memref<10240x128xf32, #tpu.memory_space<vmem_shared>> -> memref<10240x128xf32, #tpu.memory_space<vmem_shared>>
        tpu.enqueue_indirect_dma source(%arg8 : memref<128x128xf32, #tpu.memory_space<vmem>>) target(%dma_start3A_89 : memref<10240x128xf32, #tpu.memory_space<vmem_shared>>) offsets(%dma_start3A_86 : memref<128xi32, #tpu.memory_space<vmem>>) semaphore(%run_scoped3A : memref<!tpu.dma_semaphore, #tpu.memory_space<semaphore_mem>>) {add = true}
        %dma_wait3A_90 = arith.constant 0 : i32
        %dma_wait3A_91 = tpu.memref_slice %arg7[%while3A_73, %dma_wait3A_90] : memref<118x128xi32, #tpu.memory_space<vmem>> -> memref<1x128xi32, #tpu.memory_space<vmem>>
        %dma_wait3A_92 = tpu.memref_squeeze %dma_wait3A_91 : memref<1x128xi32, #tpu.memory_space<vmem>> -> memref<128xi32, #tpu.memory_space<vmem>>
        %dma_wait3A_93 = arith.constant 0 : i32
        %dma_wait3A_94 = arith.constant 0 : i32
        %dma_wait3A_95 = tpu.memref_slice %arg9[%dma_wait3A_93, %dma_wait3A_94] : memref<10240x128xf32, #tpu.memory_space<vmem_shared>> -> memref<10240x128xf32, #tpu.memory_space<vmem_shared>>
        tpu.wait_indirect_dma semaphore(%run_scoped3A : memref<!tpu.dma_semaphore, #tpu.memory_space<semaphore_mem>>) src(%arg8 : memref<128x128xf32, #tpu.memory_space<vmem>>) dst(%dma_wait3A_95 : memref<10240x128xf32, #tpu.memory_space<vmem_shared>>)
        tpu.yield
      }) : () -> ()
    }
    %while3A_36 = arith.constant 1 : i32
    scf.for %while3A_73 = %while3A_34 to %while3A_30 step %while3A_36  : i32 {
      %dma_start3A = arith.constant 0 : i32
      %dma_start3A_74 = tpu.memref_slice %arg6[%while3A_73, %dma_start3A] : memref<118x128xi32, #tpu.memory_space<vmem>> -> memref<1x128xi32, #tpu.memory_space<vmem>>
      %dma_start3A_75 = tpu.memref_squeeze %dma_start3A_74 : memref<1x128xi32, #tpu.memory_space<vmem>> -> memref<128xi32, #tpu.memory_space<vmem>>
      %dma_start3A_76 = arith.constant 0 : i32
      %dma_start3A_77 = arith.constant 0 : i32
      %dma_start3A_78 = tpu.memref_slice %arg2[%dma_start3A_76, %dma_start3A_77] : memref<10000x128xf32, #tpu.memory_space<hbm>> -> memref<10000x128xf32, #tpu.memory_space<hbm>>
      tpu.enqueue_indirect_dma source(%dma_start3A_78 : memref<10000x128xf32, #tpu.memory_space<hbm>>) target(%arg8 : memref<128x128xf32, #tpu.memory_space<vmem>>) offsets(%dma_start3A_75 : memref<128xi32, #tpu.memory_space<vmem>>) semaphore(%arg10 : memref<!tpu.dma_semaphore, #tpu.memory_space<semaphore_mem>>)
      %dma_wait3A = arith.constant 0 : i32
      %dma_wait3A_79 = tpu.memref_slice %arg6[%while3A_73, %dma_wait3A] : memref<118x128xi32, #tpu.memory_space<vmem>> -> memref<1x128xi32, #tpu.memory_space<vmem>>
      %dma_wait3A_80 = tpu.memref_squeeze %dma_wait3A_79 : memref<1x128xi32, #tpu.memory_space<vmem>> -> memref<128xi32, #tpu.memory_space<vmem>>
      %dma_wait3A_81 = arith.constant 0 : i32
      %dma_wait3A_82 = arith.constant 0 : i32
      %dma_wait3A_83 = tpu.memref_slice %arg2[%dma_wait3A_81, %dma_wait3A_82] : memref<10000x128xf32, #tpu.memory_space<hbm>> -> memref<10000x128xf32, #tpu.memory_space<hbm>>
      tpu.wait_indirect_dma semaphore(%arg10 : memref<!tpu.dma_semaphore, #tpu.memory_space<semaphore_mem>>) src(%dma_wait3A_83 : memref<10000x128xf32, #tpu.memory_space<hbm>>) dst(%arg8 : memref<128x128xf32, #tpu.memory_space<vmem>>)
      "tpu.region"() ({
        %run_scoped3A = tpu.sem_alloc : memref<!tpu.dma_semaphore, #tpu.memory_space<semaphore_mem>>
        %dma_start3A_84 = arith.constant 0 : i32
        %dma_start3A_85 = tpu.memref_slice %arg7[%while3A_73, %dma_start3A_84] : memref<118x128xi32, #tpu.memory_space<vmem>> -> memref<1x128xi32, #tpu.memory_space<vmem>>
        %dma_start3A_86 = tpu.memref_squeeze %dma_start3A_85 : memref<1x128xi32, #tpu.memory_space<vmem>> -> memref<128xi32, #tpu.memory_space<vmem>>
        %dma_start3A_87 = arith.constant 0 : i32
        %dma_start3A_88 = arith.constant 0 : i32
        %dma_start3A_89 = tpu.memref_slice %arg9[%dma_start3A_87, %dma_start3A_88] : memref<10240x128xf32, #tpu.memory_space<vmem_shared>> -> memref<10240x128xf32, #tpu.memory_space<vmem_shared>>
        tpu.enqueue_indirect_dma source(%arg8 : memref<128x128xf32, #tpu.memory_space<vmem>>) target(%dma_start3A_89 : memref<10240x128xf32, #tpu.memory_space<vmem_shared>>) offsets(%dma_start3A_86 : memref<128xi32, #tpu.memory_space<vmem>>) semaphore(%run_scoped3A : memref<!tpu.dma_semaphore, #tpu.memory_space<semaphore_mem>>) {add = true}
        %dma_wait3A_90 = arith.constant 0 : i32
        %dma_wait3A_91 = tpu.memref_slice %arg7[%while3A_73, %dma_wait3A_90] : memref<118x128xi32, #tpu.memory_space<vmem>> -> memref<1x128xi32, #tpu.memory_space<vmem>>
        %dma_wait3A_92 = tpu.memref_squeeze %dma_wait3A_91 : memref<1x128xi32, #tpu.memory_space<vmem>> -> memref<128xi32, #tpu.memory_space<vmem>>
        %dma_wait3A_93 = arith.constant 0 : i32
        %dma_wait3A_94 = arith.constant 0 : i32
        %dma_wait3A_95 = tpu.memref_slice %arg9[%dma_wait3A_93, %dma_wait3A_94] : memref<10240x128xf32, #tpu.memory_space<vmem_shared>> -> memref<10240x128xf32, #tpu.memory_space<vmem_shared>>
        tpu.wait_indirect_dma semaphore(%run_scoped3A : memref<!tpu.dma_semaphore, #tpu.memory_space<semaphore_mem>>) src(%arg8 : memref<128x128xf32, #tpu.memory_space<vmem>>) dst(%dma_wait3A_95 : memref<10240x128xf32, #tpu.memory_space<vmem_shared>>)
        tpu.yield
      }) : () -> ()
    }
    %barrier3A_37 = arith.constant 0 : index
    tpu.barrier barrier_id(%barrier3A_37)
    %mul3A_38 = arith.constant 640 : i32
    %mul3A_39 = arith.muli %arg1, %mul3A_38 : i32
    %add3A_40 = arith.constant 0 : i32
    %add3A_41 = arith.addi %mul3A_39, %add3A_40 : i32
    "tpu.region"() ({
      %run_scoped3A = tpu.sem_alloc : memref<!tpu.dma_semaphore, #tpu.memory_space<semaphore_mem>>
      %dma_start3A = arith.constant 0 : i32
      %dma_start3A_73 = tpu.memref_slice %arg9[%add3A_41, %dma_start3A] : memref<10240x128xf32, #tpu.memory_space<vmem_shared>> -> memref<128x128xf32, #tpu.memory_space<vmem_shared>>
      %dma_start3A_74 = arith.constant 0 : i32
      %dma_start3A_75 = tpu.memref_slice %arg9[%add3A_41, %dma_start3A_74] : memref<10240x128xf32, #tpu.memory_space<vmem_shared>> -> memref<128x128xf32, #tpu.memory_space<vmem_shared>>
      tpu.enqueue_dma source(%dma_start3A_75 : memref<128x128xf32, #tpu.memory_space<vmem_shared>>) target(%arg8 : memref<128x128xf32, #tpu.memory_space<vmem>>) target_semaphore(%run_scoped3A : memref<!tpu.dma_semaphore, #tpu.memory_space<semaphore_mem>>)
      %dma_wait3A = arith.constant 0 : i32
      %dma_wait3A_76 = tpu.memref_slice %arg9[%add3A_41, %dma_wait3A] : memref<10240x128xf32, #tpu.memory_space<vmem_shared>> -> memref<128x128xf32, #tpu.memory_space<vmem_shared>>
      %dma_wait3A_77 = arith.constant 0 : i32
      %dma_wait3A_78 = tpu.memref_slice %arg9[%add3A_41, %dma_wait3A_77] : memref<10240x128xf32, #tpu.memory_space<vmem_shared>> -> memref<128x128xf32, #tpu.memory_space<vmem_shared>>
      tpu.wait_dma2 semaphore(%run_scoped3A : memref<!tpu.dma_semaphore, #tpu.memory_space<semaphore_mem>>) src(%dma_wait3A_78 : memref<128x128xf32, #tpu.memory_space<vmem_shared>>) dst(%arg8 : memref<128x128xf32, #tpu.memory_space<vmem>>)
      tpu.yield
    }) : () -> ()
    %mul3A_42 = arith.constant 10240 : i32
    %mul3A_43 = arith.muli %arg0, %mul3A_42 : i32
    %add3A_44 = arith.addi %mul3A_43, %add3A_41 : i32
    "tpu.region"() ({
      %run_scoped3A = tpu.sem_alloc : memref<!tpu.dma_semaphore, #tpu.memory_space<semaphore_mem>>
      %dma_start3A = arith.constant 0 : i32
      %dma_start3A_73 = tpu.memref_slice %arg5[%add3A_44, %dma_start3A] : memref<20480x128xf32, #tpu.memory_space<hbm>> -> memref<128x128xf32, #tpu.memory_space<hbm>>
      %dma_start3A_74 = arith.constant 0 : i32
      %dma_start3A_75 = tpu.memref_slice %arg5[%add3A_44, %dma_start3A_74] : memref<20480x128xf32, #tpu.memory_space<hbm>> -> memref<128x128xf32, #tpu.memory_space<hbm>>
      tpu.enqueue_dma source(%arg8 : memref<128x128xf32, #tpu.memory_space<vmem>>) target(%dma_start3A_75 : memref<128x128xf32, #tpu.memory_space<hbm>>) target_semaphore(%run_scoped3A : memref<!tpu.dma_semaphore, #tpu.memory_space<semaphore_mem>>)
      %dma_wait3A = arith.constant 0 : i32
      %dma_wait3A_76 = tpu.memref_slice %arg5[%add3A_44, %dma_wait3A] : memref<20480x128xf32, #tpu.memory_space<hbm>> -> memref<128x128xf32, #tpu.memory_space<hbm>>
      %dma_wait3A_77 = arith.constant 0 : i32
      %dma_wait3A_78 = tpu.memref_slice %arg5[%add3A_44, %dma_wait3A_77] : memref<20480x128xf32, #tpu.memory_space<hbm>> -> memref<128x128xf32, #tpu.memory_space<hbm>>
      tpu.wait_dma2 semaphore(%run_scoped3A : memref<!tpu.dma_semaphore, #tpu.memory_space<semaphore_mem>>) src(%arg8 : memref<128x128xf32, #tpu.memory_space<vmem>>) dst(%dma_wait3A_78 : memref<128x128xf32, #tpu.memory_space<hbm>>)
      tpu.yield
    }) : () -> ()
    %mul3A_45 = arith.constant 640 : i32
    %mul3A_46 = arith.muli %arg1, %mul3A_45 : i32
    %add3A_47 = arith.constant 128 : i32
    %add3A_48 = arith.addi %mul3A_46, %add3A_47 : i32
    "tpu.region"() ({
      %run_scoped3A = tpu.sem_alloc : memref<!tpu.dma_semaphore, #tpu.memory_space<semaphore_mem>>
      %dma_start3A = arith.constant 0 : i32
      %dma_start3A_73 = tpu.memref_slice %arg9[%add3A_48, %dma_start3A] : memref<10240x128xf32, #tpu.memory_space<vmem_shared>> -> memref<128x128xf32, #tpu.memory_space<vmem_shared>>
      %dma_start3A_74 = arith.constant 0 : i32
      %dma_start3A_75 = tpu.memref_slice %arg9[%add3A_48, %dma_start3A_74] : memref<10240x128xf32, #tpu.memory_space<vmem_shared>> -> memref<128x128xf32, #tpu.memory_space<vmem_shared>>
      tpu.enqueue_dma source(%dma_start3A_75 : memref<128x128xf32, #tpu.memory_space<vmem_shared>>) target(%arg8 : memref<128x128xf32, #tpu.memory_space<vmem>>) target_semaphore(%run_scoped3A : memref<!tpu.dma_semaphore, #tpu.memory_space<semaphore_mem>>)
      %dma_wait3A = arith.constant 0 : i32
      %dma_wait3A_76 = tpu.memref_slice %arg9[%add3A_48, %dma_wait3A] : memref<10240x128xf32, #tpu.memory_space<vmem_shared>> -> memref<128x128xf32, #tpu.memory_space<vmem_shared>>
      %dma_wait3A_77 = arith.constant 0 : i32
      %dma_wait3A_78 = tpu.memref_slice %arg9[%add3A_48, %dma_wait3A_77] : memref<10240x128xf32, #tpu.memory_space<vmem_shared>> -> memref<128x128xf32, #tpu.memory_space<vmem_shared>>
      tpu.wait_dma2 semaphore(%run_scoped3A : memref<!tpu.dma_semaphore, #tpu.memory_space<semaphore_mem>>) src(%dma_wait3A_78 : memref<128x128xf32, #tpu.memory_space<vmem_shared>>) dst(%arg8 : memref<128x128xf32, #tpu.memory_space<vmem>>)
      tpu.yield
    }) : () -> ()
    %mul3A_49 = arith.constant 10240 : i32
    %mul3A_50 = arith.muli %arg0, %mul3A_49 : i32
    %add3A_51 = arith.addi %mul3A_50, %add3A_48 : i32
    "tpu.region"() ({
      %run_scoped3A = tpu.sem_alloc : memref<!tpu.dma_semaphore, #tpu.memory_space<semaphore_mem>>
      %dma_start3A = arith.constant 0 : i32
      %dma_start3A_73 = tpu.memref_slice %arg5[%add3A_51, %dma_start3A] : memref<20480x128xf32, #tpu.memory_space<hbm>> -> memref<128x128xf32, #tpu.memory_space<hbm>>
      %dma_start3A_74 = arith.constant 0 : i32
      %dma_start3A_75 = tpu.memref_slice %arg5[%add3A_51, %dma_start3A_74] : memref<20480x128xf32, #tpu.memory_space<hbm>> -> memref<128x128xf32, #tpu.memory_space<hbm>>
      tpu.enqueue_dma source(%arg8 : memref<128x128xf32, #tpu.memory_space<vmem>>) target(%dma_start3A_75 : memref<128x128xf32, #tpu.memory_space<hbm>>) target_semaphore(%run_scoped3A : memref<!tpu.dma_semaphore, #tpu.memory_space<semaphore_mem>>)
      %dma_wait3A = arith.constant 0 : i32
      %dma_wait3A_76 = tpu.memref_slice %arg5[%add3A_51, %dma_wait3A] : memref<20480x128xf32, #tpu.memory_space<hbm>> -> memref<128x128xf32, #tpu.memory_space<hbm>>
      %dma_wait3A_77 = arith.constant 0 : i32
      %dma_wait3A_78 = tpu.memref_slice %arg5[%add3A_51, %dma_wait3A_77] : memref<20480x128xf32, #tpu.memory_space<hbm>> -> memref<128x128xf32, #tpu.memory_space<hbm>>
      tpu.wait_dma2 semaphore(%run_scoped3A : memref<!tpu.dma_semaphore, #tpu.memory_space<semaphore_mem>>) src(%arg8 : memref<128x128xf32, #tpu.memory_space<vmem>>) dst(%dma_wait3A_78 : memref<128x128xf32, #tpu.memory_space<hbm>>)
      tpu.yield
    }) : () -> ()
    %mul3A_52 = arith.constant 640 : i32
    %mul3A_53 = arith.muli %arg1, %mul3A_52 : i32
    %add3A_54 = arith.constant 256 : i32
    %add3A_55 = arith.addi %mul3A_53, %add3A_54 : i32
    "tpu.region"() ({
      %run_scoped3A = tpu.sem_alloc : memref<!tpu.dma_semaphore, #tpu.memory_space<semaphore_mem>>
      %dma_start3A = arith.constant 0 : i32
      %dma_start3A_73 = tpu.memref_slice %arg9[%add3A_55, %dma_start3A] : memref<10240x128xf32, #tpu.memory_space<vmem_shared>> -> memref<128x128xf32, #tpu.memory_space<vmem_shared>>
      %dma_start3A_74 = arith.constant 0 : i32
      %dma_start3A_75 = tpu.memref_slice %arg9[%add3A_55, %dma_start3A_74] : memref<10240x128xf32, #tpu.memory_space<vmem_shared>> -> memref<128x128xf32, #tpu.memory_space<vmem_shared>>
      tpu.enqueue_dma source(%dma_start3A_75 : memref<128x128xf32, #tpu.memory_space<vmem_shared>>) target(%arg8 : memref<128x128xf32, #tpu.memory_space<vmem>>) target_semaphore(%run_scoped3A : memref<!tpu.dma_semaphore, #tpu.memory_space<semaphore_mem>>)
      %dma_wait3A = arith.constant 0 : i32
      %dma_wait3A_76 = tpu.memref_slice %arg9[%add3A_55, %dma_wait3A] : memref<10240x128xf32, #tpu.memory_space<vmem_shared>> -> memref<128x128xf32, #tpu.memory_space<vmem_shared>>
      %dma_wait3A_77 = arith.constant 0 : i32
      %dma_wait3A_78 = tpu.memref_slice %arg9[%add3A_55, %dma_wait3A_77] : memref<10240x128xf32, #tpu.memory_space<vmem_shared>> -> memref<128x128xf32, #tpu.memory_space<vmem_shared>>
      tpu.wait_dma2 semaphore(%run_scoped3A : memref<!tpu.dma_semaphore, #tpu.memory_space<semaphore_mem>>) src(%dma_wait3A_78 : memref<128x128xf32, #tpu.memory_space<vmem_shared>>) dst(%arg8 : memref<128x128xf32, #tpu.memory_space<vmem>>)
      tpu.yield
    }) : () -> ()
    %mul3A_56 = arith.constant 10240 : i32
    %mul3A_57 = arith.muli %arg0, %mul3A_56 : i32
    %add3A_58 = arith.addi %mul3A_57, %add3A_55 : i32
    "tpu.region"() ({
      %run_scoped3A = tpu.sem_alloc : memref<!tpu.dma_semaphore, #tpu.memory_space<semaphore_mem>>
      %dma_start3A = arith.constant 0 : i32
      %dma_start3A_73 = tpu.memref_slice %arg5[%add3A_58, %dma_start3A] : memref<20480x128xf32, #tpu.memory_space<hbm>> -> memref<128x128xf32, #tpu.memory_space<hbm>>
      %dma_start3A_74 = arith.constant 0 : i32
      %dma_start3A_75 = tpu.memref_slice %arg5[%add3A_58, %dma_start3A_74] : memref<20480x128xf32, #tpu.memory_space<hbm>> -> memref<128x128xf32, #tpu.memory_space<hbm>>
      tpu.enqueue_dma source(%arg8 : memref<128x128xf32, #tpu.memory_space<vmem>>) target(%dma_start3A_75 : memref<128x128xf32, #tpu.memory_space<hbm>>) target_semaphore(%run_scoped3A : memref<!tpu.dma_semaphore, #tpu.memory_space<semaphore_mem>>)
      %dma_wait3A = arith.constant 0 : i32
      %dma_wait3A_76 = tpu.memref_slice %arg5[%add3A_58, %dma_wait3A] : memref<20480x128xf32, #tpu.memory_space<hbm>> -> memref<128x128xf32, #tpu.memory_space<hbm>>
      %dma_wait3A_77 = arith.constant 0 : i32
      %dma_wait3A_78 = tpu.memref_slice %arg5[%add3A_58, %dma_wait3A_77] : memref<20480x128xf32, #tpu.memory_space<hbm>> -> memref<128x128xf32, #tpu.memory_space<hbm>>
      tpu.wait_dma2 semaphore(%run_scoped3A : memref<!tpu.dma_semaphore, #tpu.memory_space<semaphore_mem>>) src(%arg8 : memref<128x128xf32, #tpu.memory_space<vmem>>) dst(%dma_wait3A_78 : memref<128x128xf32, #tpu.memory_space<hbm>>)
      tpu.yield
    }) : () -> ()
    %mul3A_59 = arith.constant 640 : i32
    %mul3A_60 = arith.muli %arg1, %mul3A_59 : i32
    %add3A_61 = arith.constant 384 : i32
    %add3A_62 = arith.addi %mul3A_60, %add3A_61 : i32
    "tpu.region"() ({
      %run_scoped3A = tpu.sem_alloc : memref<!tpu.dma_semaphore, #tpu.memory_space<semaphore_mem>>
      %dma_start3A = arith.constant 0 : i32
      %dma_start3A_73 = tpu.memref_slice %arg9[%add3A_62, %dma_start3A] : memref<10240x128xf32, #tpu.memory_space<vmem_shared>> -> memref<128x128xf32, #tpu.memory_space<vmem_shared>>
      %dma_start3A_74 = arith.constant 0 : i32
      %dma_start3A_75 = tpu.memref_slice %arg9[%add3A_62, %dma_start3A_74] : memref<10240x128xf32, #tpu.memory_space<vmem_shared>> -> memref<128x128xf32, #tpu.memory_space<vmem_shared>>
      tpu.enqueue_dma source(%dma_start3A_75 : memref<128x128xf32, #tpu.memory_space<vmem_shared>>) target(%arg8 : memref<128x128xf32, #tpu.memory_space<vmem>>) target_semaphore(%run_scoped3A : memref<!tpu.dma_semaphore, #tpu.memory_space<semaphore_mem>>)
      %dma_wait3A = arith.constant 0 : i32
      %dma_wait3A_76 = tpu.memref_slice %arg9[%add3A_62, %dma_wait3A] : memref<10240x128xf32, #tpu.memory_space<vmem_shared>> -> memref<128x128xf32, #tpu.memory_space<vmem_shared>>
      %dma_wait3A_77 = arith.constant 0 : i32
      %dma_wait3A_78 = tpu.memref_slice %arg9[%add3A_62, %dma_wait3A_77] : memref<10240x128xf32, #tpu.memory_space<vmem_shared>> -> memref<128x128xf32, #tpu.memory_space<vmem_shared>>
      tpu.wait_dma2 semaphore(%run_scoped3A : memref<!tpu.dma_semaphore, #tpu.memory_space<semaphore_mem>>) src(%dma_wait3A_78 : memref<128x128xf32, #tpu.memory_space<vmem_shared>>) dst(%arg8 : memref<128x128xf32, #tpu.memory_space<vmem>>)
      tpu.yield
    }) : () -> ()
    %mul3A_63 = arith.constant 10240 : i32
    %mul3A_64 = arith.muli %arg0, %mul3A_63 : i32
    %add3A_65 = arith.addi %mul3A_64, %add3A_62 : i32
    "tpu.region"() ({
      %run_scoped3A = tpu.sem_alloc : memref<!tpu.dma_semaphore, #tpu.memory_space<semaphore_mem>>
      %dma_start3A = arith.constant 0 : i32
      %dma_start3A_73 = tpu.memref_slice %arg5[%add3A_65, %dma_start3A] : memref<20480x128xf32, #tpu.memory_space<hbm>> -> memref<128x128xf32, #tpu.memory_space<hbm>>
      %dma_start3A_74 = arith.constant 0 : i32
      %dma_start3A_75 = tpu.memref_slice %arg5[%add3A_65, %dma_start3A_74] : memref<20480x128xf32, #tpu.memory_space<hbm>> -> memref<128x128xf32, #tpu.memory_space<hbm>>
      tpu.enqueue_dma source(%arg8 : memref<128x128xf32, #tpu.memory_space<vmem>>) target(%dma_start3A_75 : memref<128x128xf32, #tpu.memory_space<hbm>>) target_semaphore(%run_scoped3A : memref<!tpu.dma_semaphore, #tpu.memory_space<semaphore_mem>>)
      %dma_wait3A = arith.constant 0 : i32
      %dma_wait3A_76 = tpu.memref_slice %arg5[%add3A_65, %dma_wait3A] : memref<20480x128xf32, #tpu.memory_space<hbm>> -> memref<128x128xf32, #tpu.memory_space<hbm>>
      %dma_wait3A_77 = arith.constant 0 : i32
      %dma_wait3A_78 = tpu.memref_slice %arg5[%add3A_65, %dma_wait3A_77] : memref<20480x128xf32, #tpu.memory_space<hbm>> -> memref<128x128xf32, #tpu.memory_space<hbm>>
      tpu.wait_dma2 semaphore(%run_scoped3A : memref<!tpu.dma_semaphore, #tpu.memory_space<semaphore_mem>>) src(%arg8 : memref<128x128xf32, #tpu.memory_space<vmem>>) dst(%dma_wait3A_78 : memref<128x128xf32, #tpu.memory_space<hbm>>)
      tpu.yield
    }) : () -> ()
    %mul3A_66 = arith.constant 640 : i32
    %mul3A_67 = arith.muli %arg1, %mul3A_66 : i32
    %add3A_68 = arith.constant 512 : i32
    %add3A_69 = arith.addi %mul3A_67, %add3A_68 : i32
    "tpu.region"() ({
      %run_scoped3A = tpu.sem_alloc : memref<!tpu.dma_semaphore, #tpu.memory_space<semaphore_mem>>
      %dma_start3A = arith.constant 0 : i32
      %dma_start3A_73 = tpu.memref_slice %arg9[%add3A_69, %dma_start3A] : memref<10240x128xf32, #tpu.memory_space<vmem_shared>> -> memref<128x128xf32, #tpu.memory_space<vmem_shared>>
      %dma_start3A_74 = arith.constant 0 : i32
      %dma_start3A_75 = tpu.memref_slice %arg9[%add3A_69, %dma_start3A_74] : memref<10240x128xf32, #tpu.memory_space<vmem_shared>> -> memref<128x128xf32, #tpu.memory_space<vmem_shared>>
      tpu.enqueue_dma source(%dma_start3A_75 : memref<128x128xf32, #tpu.memory_space<vmem_shared>>) target(%arg8 : memref<128x128xf32, #tpu.memory_space<vmem>>) target_semaphore(%run_scoped3A : memref<!tpu.dma_semaphore, #tpu.memory_space<semaphore_mem>>)
      %dma_wait3A = arith.constant 0 : i32
      %dma_wait3A_76 = tpu.memref_slice %arg9[%add3A_69, %dma_wait3A] : memref<10240x128xf32, #tpu.memory_space<vmem_shared>> -> memref<128x128xf32, #tpu.memory_space<vmem_shared>>
      %dma_wait3A_77 = arith.constant 0 : i32
      %dma_wait3A_78 = tpu.memref_slice %arg9[%add3A_69, %dma_wait3A_77] : memref<10240x128xf32, #tpu.memory_space<vmem_shared>> -> memref<128x128xf32, #tpu.memory_space<vmem_shared>>
      tpu.wait_dma2 semaphore(%run_scoped3A : memref<!tpu.dma_semaphore, #tpu.memory_space<semaphore_mem>>) src(%dma_wait3A_78 : memref<128x128xf32, #tpu.memory_space<vmem_shared>>) dst(%arg8 : memref<128x128xf32, #tpu.memory_space<vmem>>)
      tpu.yield
    }) : () -> ()
    %mul3A_70 = arith.constant 10240 : i32
    %mul3A_71 = arith.muli %arg0, %mul3A_70 : i32
    %add3A_72 = arith.addi %mul3A_71, %add3A_69 : i32
    "tpu.region"() ({
      %run_scoped3A = tpu.sem_alloc : memref<!tpu.dma_semaphore, #tpu.memory_space<semaphore_mem>>
      %dma_start3A = arith.constant 0 : i32
      %dma_start3A_73 = tpu.memref_slice %arg5[%add3A_72, %dma_start3A] : memref<20480x128xf32, #tpu.memory_space<hbm>> -> memref<128x128xf32, #tpu.memory_space<hbm>>
      %dma_start3A_74 = arith.constant 0 : i32
      %dma_start3A_75 = tpu.memref_slice %arg5[%add3A_72, %dma_start3A_74] : memref<20480x128xf32, #tpu.memory_space<hbm>> -> memref<128x128xf32, #tpu.memory_space<hbm>>
      tpu.enqueue_dma source(%arg8 : memref<128x128xf32, #tpu.memory_space<vmem>>) target(%dma_start3A_75 : memref<128x128xf32, #tpu.memory_space<hbm>>) target_semaphore(%run_scoped3A : memref<!tpu.dma_semaphore, #tpu.memory_space<semaphore_mem>>)
      %dma_wait3A = arith.constant 0 : i32
      %dma_wait3A_76 = tpu.memref_slice %arg5[%add3A_72, %dma_wait3A] : memref<20480x128xf32, #tpu.memory_space<hbm>> -> memref<128x128xf32, #tpu.memory_space<hbm>>
      %dma_wait3A_77 = arith.constant 0 : i32
      %dma_wait3A_78 = tpu.memref_slice %arg5[%add3A_72, %dma_wait3A_77] : memref<20480x128xf32, #tpu.memory_space<hbm>> -> memref<128x128xf32, #tpu.memory_space<hbm>>
      tpu.wait_dma2 semaphore(%run_scoped3A : memref<!tpu.dma_semaphore, #tpu.memory_space<semaphore_mem>>) src(%arg8 : memref<128x128xf32, #tpu.memory_space<vmem>>) dst(%dma_wait3A_78 : memref<128x128xf32, #tpu.memory_space<hbm>>)
      tpu.yield
    }) : () -> ()
    return
  }
}

#map = affine_map<(d0, d1) -> (0, 0, 0)>
#map1 = affine_map<(d0, d1) -> (0, 0)>
module attributes {stable_mosaic.version = 14 : i64} {
  func.func @deg_kernel(%arg0: i32, %arg1: i32, %arg2: memref<32x79x128xi32, #tpu.memory_space<hbm>>, %arg3: memref<20480x128xf32, #tpu.memory_space<hbm>>, %arg4: memref<79x128xi32, #tpu.memory_space<vmem>>, %arg5: memref<128x128xf32, #tpu.memory_space<vmem>>, %arg6: memref<10240x128xf32, #tpu.memory_space<vmem_shared>>) attributes {dimension_semantics = [#tpu.dimension_semantics<core_parallel>, #tpu.dimension_semantics<subcore_parallel>], iteration_bounds = array<i64: 2, 16>, scalar_prefetch = 0 : i64, scratch_operands = 3 : i64, tpu.core_type = #tpu.core_type<sc_vector_subcore>, window_params = [{transform_indices = #map}, {transform_indices = #map1}]} {
    %mul3A = arith.constant 16 : i32
    %mul3A_0 = arith.muli %arg0, %mul3A : i32
    %add3A = arith.addi %mul3A_0, %arg1 : i32
    %scan3A = arith.constant 0 : i32
    %scan3A_1 = arith.constant 0 : i32
    %scan3A_2 = arith.constant 128 : i32
    %scan3A_3 = arith.addi %scan3A_1, %scan3A_2 : i32
    %scan3A_4 = arith.constant 1 : i32
    scf.for %scan3A_74 = %scan3A_1 to %scan3A_3 step %scan3A_4  : i32 {
      %broadcast_in_dim3A = arith.constant 0.000000e+00 : f32
      %broadcast_in_dim3A_75 = vector.broadcast %broadcast_in_dim3A : f32 to vector<16xf32>
      %swap3A = arith.index_cast %scan3A_74 : i32 to index
      %swap3A_76 = arith.constant 0 : index
      %swap3A_77 = tpu.vector_load %arg5[%swap3A, %swap3A_76] {strides = array<i32>} : memref<128x128xf32, #tpu.memory_space<vmem>>, vector<1x16xf32>,
      %swap3A_78 = vector.shape_cast %swap3A_77 : vector<1x16xf32> to vector<16xf32>
      %swap3A_79 = vector.shape_cast %broadcast_in_dim3A_75 : vector<16xf32> to vector<1x16xf32>
      tpu.vector_store %arg5[%swap3A, %swap3A_76], %swap3A_79 {strides = array<i32>} : memref<128x128xf32, #tpu.memory_space<vmem>>, vector<1x16xf32>,
      %broadcast_in_dim3A_80 = arith.constant 0.000000e+00 : f32
      %broadcast_in_dim3A_81 = vector.broadcast %broadcast_in_dim3A_80 : f32 to vector<16xf32>
      %swap3A_82 = arith.index_cast %scan3A_74 : i32 to index
      %swap3A_83 = arith.constant 16 : index
      %swap3A_84 = tpu.vector_load %arg5[%swap3A_82, %swap3A_83] {strides = array<i32>} : memref<128x128xf32, #tpu.memory_space<vmem>>, vector<1x16xf32>,
      %swap3A_85 = vector.shape_cast %swap3A_84 : vector<1x16xf32> to vector<16xf32>
      %swap3A_86 = vector.shape_cast %broadcast_in_dim3A_81 : vector<16xf32> to vector<1x16xf32>
      tpu.vector_store %arg5[%swap3A_82, %swap3A_83], %swap3A_86 {strides = array<i32>} : memref<128x128xf32, #tpu.memory_space<vmem>>, vector<1x16xf32>,
      %broadcast_in_dim3A_87 = arith.constant 0.000000e+00 : f32
      %broadcast_in_dim3A_88 = vector.broadcast %broadcast_in_dim3A_87 : f32 to vector<16xf32>
      %swap3A_89 = arith.index_cast %scan3A_74 : i32 to index
      %swap3A_90 = arith.constant 32 : index
      %swap3A_91 = tpu.vector_load %arg5[%swap3A_89, %swap3A_90] {strides = array<i32>} : memref<128x128xf32, #tpu.memory_space<vmem>>, vector<1x16xf32>,
      %swap3A_92 = vector.shape_cast %swap3A_91 : vector<1x16xf32> to vector<16xf32>
      %swap3A_93 = vector.shape_cast %broadcast_in_dim3A_88 : vector<16xf32> to vector<1x16xf32>
      tpu.vector_store %arg5[%swap3A_89, %swap3A_90], %swap3A_93 {strides = array<i32>} : memref<128x128xf32, #tpu.memory_space<vmem>>, vector<1x16xf32>,
      %broadcast_in_dim3A_94 = arith.constant 0.000000e+00 : f32
      %broadcast_in_dim3A_95 = vector.broadcast %broadcast_in_dim3A_94 : f32 to vector<16xf32>
      %swap3A_96 = arith.index_cast %scan3A_74 : i32 to index
      %swap3A_97 = arith.constant 48 : index
      %swap3A_98 = tpu.vector_load %arg5[%swap3A_96, %swap3A_97] {strides = array<i32>} : memref<128x128xf32, #tpu.memory_space<vmem>>, vector<1x16xf32>,
      %swap3A_99 = vector.shape_cast %swap3A_98 : vector<1x16xf32> to vector<16xf32>
      %swap3A_100 = vector.shape_cast %broadcast_in_dim3A_95 : vector<16xf32> to vector<1x16xf32>
      tpu.vector_store %arg5[%swap3A_96, %swap3A_97], %swap3A_100 {strides = array<i32>} : memref<128x128xf32, #tpu.memory_space<vmem>>, vector<1x16xf32>,
      %broadcast_in_dim3A_101 = arith.constant 0.000000e+00 : f32
      %broadcast_in_dim3A_102 = vector.broadcast %broadcast_in_dim3A_101 : f32 to vector<16xf32>
      %swap3A_103 = arith.index_cast %scan3A_74 : i32 to index
      %swap3A_104 = arith.constant 64 : index
      %swap3A_105 = tpu.vector_load %arg5[%swap3A_103, %swap3A_104] {strides = array<i32>} : memref<128x128xf32, #tpu.memory_space<vmem>>, vector<1x16xf32>,
      %swap3A_106 = vector.shape_cast %swap3A_105 : vector<1x16xf32> to vector<16xf32>
      %swap3A_107 = vector.shape_cast %broadcast_in_dim3A_102 : vector<16xf32> to vector<1x16xf32>
      tpu.vector_store %arg5[%swap3A_103, %swap3A_104], %swap3A_107 {strides = array<i32>} : memref<128x128xf32, #tpu.memory_space<vmem>>, vector<1x16xf32>,
      %broadcast_in_dim3A_108 = arith.constant 0.000000e+00 : f32
      %broadcast_in_dim3A_109 = vector.broadcast %broadcast_in_dim3A_108 : f32 to vector<16xf32>
      %swap3A_110 = arith.index_cast %scan3A_74 : i32 to index
      %swap3A_111 = arith.constant 80 : index
      %swap3A_112 = tpu.vector_load %arg5[%swap3A_110, %swap3A_111] {strides = array<i32>} : memref<128x128xf32, #tpu.memory_space<vmem>>, vector<1x16xf32>,
      %swap3A_113 = vector.shape_cast %swap3A_112 : vector<1x16xf32> to vector<16xf32>
      %swap3A_114 = vector.shape_cast %broadcast_in_dim3A_109 : vector<16xf32> to vector<1x16xf32>
      tpu.vector_store %arg5[%swap3A_110, %swap3A_111], %swap3A_114 {strides = array<i32>} : memref<128x128xf32, #tpu.memory_space<vmem>>, vector<1x16xf32>,
      %broadcast_in_dim3A_115 = arith.constant 0.000000e+00 : f32
      %broadcast_in_dim3A_116 = vector.broadcast %broadcast_in_dim3A_115 : f32 to vector<16xf32>
      %swap3A_117 = arith.index_cast %scan3A_74 : i32 to index
      %swap3A_118 = arith.constant 96 : index
      %swap3A_119 = tpu.vector_load %arg5[%swap3A_117, %swap3A_118] {strides = array<i32>} : memref<128x128xf32, #tpu.memory_space<vmem>>, vector<1x16xf32>,
      %swap3A_120 = vector.shape_cast %swap3A_119 : vector<1x16xf32> to vector<16xf32>
      %swap3A_121 = vector.shape_cast %broadcast_in_dim3A_116 : vector<16xf32> to vector<1x16xf32>
      tpu.vector_store %arg5[%swap3A_117, %swap3A_118], %swap3A_121 {strides = array<i32>} : memref<128x128xf32, #tpu.memory_space<vmem>>, vector<1x16xf32>,
      %broadcast_in_dim3A_122 = arith.constant 0.000000e+00 : f32
      %broadcast_in_dim3A_123 = vector.broadcast %broadcast_in_dim3A_122 : f32 to vector<16xf32>
      %swap3A_124 = arith.index_cast %scan3A_74 : i32 to index
      %swap3A_125 = arith.constant 112 : index
      %swap3A_126 = tpu.vector_load %arg5[%swap3A_124, %swap3A_125] {strides = array<i32>} : memref<128x128xf32, #tpu.memory_space<vmem>>, vector<1x16xf32>,
      %swap3A_127 = vector.shape_cast %swap3A_126 : vector<1x16xf32> to vector<16xf32>
      %swap3A_128 = vector.shape_cast %broadcast_in_dim3A_123 : vector<16xf32> to vector<1x16xf32>
      tpu.vector_store %arg5[%swap3A_124, %swap3A_125], %swap3A_128 {strides = array<i32>} : memref<128x128xf32, #tpu.memory_space<vmem>>, vector<1x16xf32>,
    }
    %scan3A_5 = arith.constant 128 : i32
    %mul3A_6 = arith.constant 640 : i32
    %mul3A_7 = arith.muli %arg1, %mul3A_6 : i32
    %add3A_8 = arith.constant 0 : i32
    %add3A_9 = arith.addi %mul3A_7, %add3A_8 : i32
    "tpu.region"() ({
      %run_scoped3A = tpu.sem_alloc : memref<!tpu.dma_semaphore, #tpu.memory_space<semaphore_mem>>
      %dma_start3A = arith.constant 0 : i32
      %dma_start3A_74 = tpu.memref_slice %arg6[%add3A_9, %dma_start3A] : memref<10240x128xf32, #tpu.memory_space<vmem_shared>> -> memref<128x128xf32, #tpu.memory_space<vmem_shared>>
      %dma_start3A_75 = arith.constant 0 : i32
      %dma_start3A_76 = tpu.memref_slice %arg6[%add3A_9, %dma_start3A_75] : memref<10240x128xf32, #tpu.memory_space<vmem_shared>> -> memref<128x128xf32, #tpu.memory_space<vmem_shared>>
      tpu.enqueue_dma source(%arg5 : memref<128x128xf32, #tpu.memory_space<vmem>>) target(%dma_start3A_76 : memref<128x128xf32, #tpu.memory_space<vmem_shared>>) target_semaphore(%run_scoped3A : memref<!tpu.dma_semaphore, #tpu.memory_space<semaphore_mem>>)
      %dma_wait3A = arith.constant 0 : i32
      %dma_wait3A_77 = tpu.memref_slice %arg6[%add3A_9, %dma_wait3A] : memref<10240x128xf32, #tpu.memory_space<vmem_shared>> -> memref<128x128xf32, #tpu.memory_space<vmem_shared>>
      %dma_wait3A_78 = arith.constant 0 : i32
      %dma_wait3A_79 = tpu.memref_slice %arg6[%add3A_9, %dma_wait3A_78] : memref<10240x128xf32, #tpu.memory_space<vmem_shared>> -> memref<128x128xf32, #tpu.memory_space<vmem_shared>>
      tpu.wait_dma2 semaphore(%run_scoped3A : memref<!tpu.dma_semaphore, #tpu.memory_space<semaphore_mem>>) src(%arg5 : memref<128x128xf32, #tpu.memory_space<vmem>>) dst(%dma_wait3A_79 : memref<128x128xf32, #tpu.memory_space<vmem_shared>>)
      tpu.yield
    }) : () -> ()
    %mul3A_10 = arith.constant 640 : i32
    %mul3A_11 = arith.muli %arg1, %mul3A_10 : i32
    %add3A_12 = arith.constant 128 : i32
    %add3A_13 = arith.addi %mul3A_11, %add3A_12 : i32
    "tpu.region"() ({
      %run_scoped3A = tpu.sem_alloc : memref<!tpu.dma_semaphore, #tpu.memory_space<semaphore_mem>>
      %dma_start3A = arith.constant 0 : i32
      %dma_start3A_74 = tpu.memref_slice %arg6[%add3A_13, %dma_start3A] : memref<10240x128xf32, #tpu.memory_space<vmem_shared>> -> memref<128x128xf32, #tpu.memory_space<vmem_shared>>
      %dma_start3A_75 = arith.constant 0 : i32
      %dma_start3A_76 = tpu.memref_slice %arg6[%add3A_13, %dma_start3A_75] : memref<10240x128xf32, #tpu.memory_space<vmem_shared>> -> memref<128x128xf32, #tpu.memory_space<vmem_shared>>
      tpu.enqueue_dma source(%arg5 : memref<128x128xf32, #tpu.memory_space<vmem>>) target(%dma_start3A_76 : memref<128x128xf32, #tpu.memory_space<vmem_shared>>) target_semaphore(%run_scoped3A : memref<!tpu.dma_semaphore, #tpu.memory_space<semaphore_mem>>)
      %dma_wait3A = arith.constant 0 : i32
      %dma_wait3A_77 = tpu.memref_slice %arg6[%add3A_13, %dma_wait3A] : memref<10240x128xf32, #tpu.memory_space<vmem_shared>> -> memref<128x128xf32, #tpu.memory_space<vmem_shared>>
      %dma_wait3A_78 = arith.constant 0 : i32
      %dma_wait3A_79 = tpu.memref_slice %arg6[%add3A_13, %dma_wait3A_78] : memref<10240x128xf32, #tpu.memory_space<vmem_shared>> -> memref<128x128xf32, #tpu.memory_space<vmem_shared>>
      tpu.wait_dma2 semaphore(%run_scoped3A : memref<!tpu.dma_semaphore, #tpu.memory_space<semaphore_mem>>) src(%arg5 : memref<128x128xf32, #tpu.memory_space<vmem>>) dst(%dma_wait3A_79 : memref<128x128xf32, #tpu.memory_space<vmem_shared>>)
      tpu.yield
    }) : () -> ()
    %mul3A_14 = arith.constant 640 : i32
    %mul3A_15 = arith.muli %arg1, %mul3A_14 : i32
    %add3A_16 = arith.constant 256 : i32
    %add3A_17 = arith.addi %mul3A_15, %add3A_16 : i32
    "tpu.region"() ({
      %run_scoped3A = tpu.sem_alloc : memref<!tpu.dma_semaphore, #tpu.memory_space<semaphore_mem>>
      %dma_start3A = arith.constant 0 : i32
      %dma_start3A_74 = tpu.memref_slice %arg6[%add3A_17, %dma_start3A] : memref<10240x128xf32, #tpu.memory_space<vmem_shared>> -> memref<128x128xf32, #tpu.memory_space<vmem_shared>>
      %dma_start3A_75 = arith.constant 0 : i32
      %dma_start3A_76 = tpu.memref_slice %arg6[%add3A_17, %dma_start3A_75] : memref<10240x128xf32, #tpu.memory_space<vmem_shared>> -> memref<128x128xf32, #tpu.memory_space<vmem_shared>>
      tpu.enqueue_dma source(%arg5 : memref<128x128xf32, #tpu.memory_space<vmem>>) target(%dma_start3A_76 : memref<128x128xf32, #tpu.memory_space<vmem_shared>>) target_semaphore(%run_scoped3A : memref<!tpu.dma_semaphore, #tpu.memory_space<semaphore_mem>>)
      %dma_wait3A = arith.constant 0 : i32
      %dma_wait3A_77 = tpu.memref_slice %arg6[%add3A_17, %dma_wait3A] : memref<10240x128xf32, #tpu.memory_space<vmem_shared>> -> memref<128x128xf32, #tpu.memory_space<vmem_shared>>
      %dma_wait3A_78 = arith.constant 0 : i32
      %dma_wait3A_79 = tpu.memref_slice %arg6[%add3A_17, %dma_wait3A_78] : memref<10240x128xf32, #tpu.memory_space<vmem_shared>> -> memref<128x128xf32, #tpu.memory_space<vmem_shared>>
      tpu.wait_dma2 semaphore(%run_scoped3A : memref<!tpu.dma_semaphore, #tpu.memory_space<semaphore_mem>>) src(%arg5 : memref<128x128xf32, #tpu.memory_space<vmem>>) dst(%dma_wait3A_79 : memref<128x128xf32, #tpu.memory_space<vmem_shared>>)
      tpu.yield
    }) : () -> ()
    %mul3A_18 = arith.constant 640 : i32
    %mul3A_19 = arith.muli %arg1, %mul3A_18 : i32
    %add3A_20 = arith.constant 384 : i32
    %add3A_21 = arith.addi %mul3A_19, %add3A_20 : i32
    "tpu.region"() ({
      %run_scoped3A = tpu.sem_alloc : memref<!tpu.dma_semaphore, #tpu.memory_space<semaphore_mem>>
      %dma_start3A = arith.constant 0 : i32
      %dma_start3A_74 = tpu.memref_slice %arg6[%add3A_21, %dma_start3A] : memref<10240x128xf32, #tpu.memory_space<vmem_shared>> -> memref<128x128xf32, #tpu.memory_space<vmem_shared>>
      %dma_start3A_75 = arith.constant 0 : i32
      %dma_start3A_76 = tpu.memref_slice %arg6[%add3A_21, %dma_start3A_75] : memref<10240x128xf32, #tpu.memory_space<vmem_shared>> -> memref<128x128xf32, #tpu.memory_space<vmem_shared>>
      tpu.enqueue_dma source(%arg5 : memref<128x128xf32, #tpu.memory_space<vmem>>) target(%dma_start3A_76 : memref<128x128xf32, #tpu.memory_space<vmem_shared>>) target_semaphore(%run_scoped3A : memref<!tpu.dma_semaphore, #tpu.memory_space<semaphore_mem>>)
      %dma_wait3A = arith.constant 0 : i32
      %dma_wait3A_77 = tpu.memref_slice %arg6[%add3A_21, %dma_wait3A] : memref<10240x128xf32, #tpu.memory_space<vmem_shared>> -> memref<128x128xf32, #tpu.memory_space<vmem_shared>>
      %dma_wait3A_78 = arith.constant 0 : i32
      %dma_wait3A_79 = tpu.memref_slice %arg6[%add3A_21, %dma_wait3A_78] : memref<10240x128xf32, #tpu.memory_space<vmem_shared>> -> memref<128x128xf32, #tpu.memory_space<vmem_shared>>
      tpu.wait_dma2 semaphore(%run_scoped3A : memref<!tpu.dma_semaphore, #tpu.memory_space<semaphore_mem>>) src(%arg5 : memref<128x128xf32, #tpu.memory_space<vmem>>) dst(%dma_wait3A_79 : memref<128x128xf32, #tpu.memory_space<vmem_shared>>)
      tpu.yield
    }) : () -> ()
    %mul3A_22 = arith.constant 640 : i32
    %mul3A_23 = arith.muli %arg1, %mul3A_22 : i32
    %add3A_24 = arith.constant 512 : i32
    %add3A_25 = arith.addi %mul3A_23, %add3A_24 : i32
    "tpu.region"() ({
      %run_scoped3A = tpu.sem_alloc : memref<!tpu.dma_semaphore, #tpu.memory_space<semaphore_mem>>
      %dma_start3A = arith.constant 0 : i32
      %dma_start3A_74 = tpu.memref_slice %arg6[%add3A_25, %dma_start3A] : memref<10240x128xf32, #tpu.memory_space<vmem_shared>> -> memref<128x128xf32, #tpu.memory_space<vmem_shared>>
      %dma_start3A_75 = arith.constant 0 : i32
      %dma_start3A_76 = tpu.memref_slice %arg6[%add3A_25, %dma_start3A_75] : memref<10240x128xf32, #tpu.memory_space<vmem_shared>> -> memref<128x128xf32, #tpu.memory_space<vmem_shared>>
      tpu.enqueue_dma source(%arg5 : memref<128x128xf32, #tpu.memory_space<vmem>>) target(%dma_start3A_76 : memref<128x128xf32, #tpu.memory_space<vmem_shared>>) target_semaphore(%run_scoped3A : memref<!tpu.dma_semaphore, #tpu.memory_space<semaphore_mem>>)
      %dma_wait3A = arith.constant 0 : i32
      %dma_wait3A_77 = tpu.memref_slice %arg6[%add3A_25, %dma_wait3A] : memref<10240x128xf32, #tpu.memory_space<vmem_shared>> -> memref<128x128xf32, #tpu.memory_space<vmem_shared>>
      %dma_wait3A_78 = arith.constant 0 : i32
      %dma_wait3A_79 = tpu.memref_slice %arg6[%add3A_25, %dma_wait3A_78] : memref<10240x128xf32, #tpu.memory_space<vmem_shared>> -> memref<128x128xf32, #tpu.memory_space<vmem_shared>>
      tpu.wait_dma2 semaphore(%run_scoped3A : memref<!tpu.dma_semaphore, #tpu.memory_space<semaphore_mem>>) src(%arg5 : memref<128x128xf32, #tpu.memory_space<vmem>>) dst(%dma_wait3A_79 : memref<128x128xf32, #tpu.memory_space<vmem_shared>>)
      tpu.yield
    }) : () -> ()
    %barrier3A = arith.constant 0 : index
    tpu.barrier barrier_id(%barrier3A)
    %scan3A_26 = arith.constant 0 : i32
    %scan3A_27 = arith.constant 0 : i32
    %scan3A_28 = arith.constant 128 : i32
    %scan3A_29 = arith.addi %scan3A_27, %scan3A_28 : i32
    %scan3A_30 = arith.constant 1 : i32
    scf.for %scan3A_74 = %scan3A_27 to %scan3A_29 step %scan3A_30  : i32 {
      %broadcast_in_dim3A = arith.constant 1.000000e+00 : f32
      %broadcast_in_dim3A_75 = vector.broadcast %broadcast_in_dim3A : f32 to vector<16xf32>
      %swap3A = arith.index_cast %scan3A_74 : i32 to index
      %swap3A_76 = arith.constant 0 : index
      %swap3A_77 = tpu.vector_load %arg5[%swap3A, %swap3A_76] {strides = array<i32>} : memref<128x128xf32, #tpu.memory_space<vmem>>, vector<1x16xf32>,
      %swap3A_78 = vector.shape_cast %swap3A_77 : vector<1x16xf32> to vector<16xf32>
      %swap3A_79 = vector.shape_cast %broadcast_in_dim3A_75 : vector<16xf32> to vector<1x16xf32>
      tpu.vector_store %arg5[%swap3A, %swap3A_76], %swap3A_79 {strides = array<i32>} : memref<128x128xf32, #tpu.memory_space<vmem>>, vector<1x16xf32>,
      %broadcast_in_dim3A_80 = arith.constant 1.000000e+00 : f32
      %broadcast_in_dim3A_81 = vector.broadcast %broadcast_in_dim3A_80 : f32 to vector<16xf32>
      %swap3A_82 = arith.index_cast %scan3A_74 : i32 to index
      %swap3A_83 = arith.constant 16 : index
      %swap3A_84 = tpu.vector_load %arg5[%swap3A_82, %swap3A_83] {strides = array<i32>} : memref<128x128xf32, #tpu.memory_space<vmem>>, vector<1x16xf32>,
      %swap3A_85 = vector.shape_cast %swap3A_84 : vector<1x16xf32> to vector<16xf32>
      %swap3A_86 = vector.shape_cast %broadcast_in_dim3A_81 : vector<16xf32> to vector<1x16xf32>
      tpu.vector_store %arg5[%swap3A_82, %swap3A_83], %swap3A_86 {strides = array<i32>} : memref<128x128xf32, #tpu.memory_space<vmem>>, vector<1x16xf32>,
      %broadcast_in_dim3A_87 = arith.constant 1.000000e+00 : f32
      %broadcast_in_dim3A_88 = vector.broadcast %broadcast_in_dim3A_87 : f32 to vector<16xf32>
      %swap3A_89 = arith.index_cast %scan3A_74 : i32 to index
      %swap3A_90 = arith.constant 32 : index
      %swap3A_91 = tpu.vector_load %arg5[%swap3A_89, %swap3A_90] {strides = array<i32>} : memref<128x128xf32, #tpu.memory_space<vmem>>, vector<1x16xf32>,
      %swap3A_92 = vector.shape_cast %swap3A_91 : vector<1x16xf32> to vector<16xf32>
      %swap3A_93 = vector.shape_cast %broadcast_in_dim3A_88 : vector<16xf32> to vector<1x16xf32>
      tpu.vector_store %arg5[%swap3A_89, %swap3A_90], %swap3A_93 {strides = array<i32>} : memref<128x128xf32, #tpu.memory_space<vmem>>, vector<1x16xf32>,
      %broadcast_in_dim3A_94 = arith.constant 1.000000e+00 : f32
      %broadcast_in_dim3A_95 = vector.broadcast %broadcast_in_dim3A_94 : f32 to vector<16xf32>
      %swap3A_96 = arith.index_cast %scan3A_74 : i32 to index
      %swap3A_97 = arith.constant 48 : index
      %swap3A_98 = tpu.vector_load %arg5[%swap3A_96, %swap3A_97] {strides = array<i32>} : memref<128x128xf32, #tpu.memory_space<vmem>>, vector<1x16xf32>,
      %swap3A_99 = vector.shape_cast %swap3A_98 : vector<1x16xf32> to vector<16xf32>
      %swap3A_100 = vector.shape_cast %broadcast_in_dim3A_95 : vector<16xf32> to vector<1x16xf32>
      tpu.vector_store %arg5[%swap3A_96, %swap3A_97], %swap3A_100 {strides = array<i32>} : memref<128x128xf32, #tpu.memory_space<vmem>>, vector<1x16xf32>,
      %broadcast_in_dim3A_101 = arith.constant 1.000000e+00 : f32
      %broadcast_in_dim3A_102 = vector.broadcast %broadcast_in_dim3A_101 : f32 to vector<16xf32>
      %swap3A_103 = arith.index_cast %scan3A_74 : i32 to index
      %swap3A_104 = arith.constant 64 : index
      %swap3A_105 = tpu.vector_load %arg5[%swap3A_103, %swap3A_104] {strides = array<i32>} : memref<128x128xf32, #tpu.memory_space<vmem>>, vector<1x16xf32>,
      %swap3A_106 = vector.shape_cast %swap3A_105 : vector<1x16xf32> to vector<16xf32>
      %swap3A_107 = vector.shape_cast %broadcast_in_dim3A_102 : vector<16xf32> to vector<1x16xf32>
      tpu.vector_store %arg5[%swap3A_103, %swap3A_104], %swap3A_107 {strides = array<i32>} : memref<128x128xf32, #tpu.memory_space<vmem>>, vector<1x16xf32>,
      %broadcast_in_dim3A_108 = arith.constant 1.000000e+00 : f32
      %broadcast_in_dim3A_109 = vector.broadcast %broadcast_in_dim3A_108 : f32 to vector<16xf32>
      %swap3A_110 = arith.index_cast %scan3A_74 : i32 to index
      %swap3A_111 = arith.constant 80 : index
      %swap3A_112 = tpu.vector_load %arg5[%swap3A_110, %swap3A_111] {strides = array<i32>} : memref<128x128xf32, #tpu.memory_space<vmem>>, vector<1x16xf32>,
      %swap3A_113 = vector.shape_cast %swap3A_112 : vector<1x16xf32> to vector<16xf32>
      %swap3A_114 = vector.shape_cast %broadcast_in_dim3A_109 : vector<16xf32> to vector<1x16xf32>
      tpu.vector_store %arg5[%swap3A_110, %swap3A_111], %swap3A_114 {strides = array<i32>} : memref<128x128xf32, #tpu.memory_space<vmem>>, vector<1x16xf32>,
      %broadcast_in_dim3A_115 = arith.constant 1.000000e+00 : f32
      %broadcast_in_dim3A_116 = vector.broadcast %broadcast_in_dim3A_115 : f32 to vector<16xf32>
      %swap3A_117 = arith.index_cast %scan3A_74 : i32 to index
      %swap3A_118 = arith.constant 96 : index
      %swap3A_119 = tpu.vector_load %arg5[%swap3A_117, %swap3A_118] {strides = array<i32>} : memref<128x128xf32, #tpu.memory_space<vmem>>, vector<1x16xf32>,
      %swap3A_120 = vector.shape_cast %swap3A_119 : vector<1x16xf32> to vector<16xf32>
      %swap3A_121 = vector.shape_cast %broadcast_in_dim3A_116 : vector<16xf32> to vector<1x16xf32>
      tpu.vector_store %arg5[%swap3A_117, %swap3A_118], %swap3A_121 {strides = array<i32>} : memref<128x128xf32, #tpu.memory_space<vmem>>, vector<1x16xf32>,
      %broadcast_in_dim3A_122 = arith.constant 1.000000e+00 : f32
      %broadcast_in_dim3A_123 = vector.broadcast %broadcast_in_dim3A_122 : f32 to vector<16xf32>
      %swap3A_124 = arith.index_cast %scan3A_74 : i32 to index
      %swap3A_125 = arith.constant 112 : index
      %swap3A_126 = tpu.vector_load %arg5[%swap3A_124, %swap3A_125] {strides = array<i32>} : memref<128x128xf32, #tpu.memory_space<vmem>>, vector<1x16xf32>,
      %swap3A_127 = vector.shape_cast %swap3A_126 : vector<1x16xf32> to vector<16xf32>
      %swap3A_128 = vector.shape_cast %broadcast_in_dim3A_123 : vector<16xf32> to vector<1x16xf32>
      tpu.vector_store %arg5[%swap3A_124, %swap3A_125], %swap3A_128 {strides = array<i32>} : memref<128x128xf32, #tpu.memory_space<vmem>>, vector<1x16xf32>,
    }
    %scan3A_31 = arith.constant 128 : i32
    "tpu.region"() ({
      %run_scoped3A = tpu.sem_alloc : memref<!tpu.dma_semaphore, #tpu.memory_space<semaphore_mem>>
      %dma_start3A = arith.constant 0 : i32
      %dma_start3A_74 = arith.constant 0 : i32
      %dma_start3A_75 = tpu.memref_slice %arg2[%add3A, %dma_start3A, %dma_start3A_74] : memref<32x79x128xi32, #tpu.memory_space<hbm>> -> memref<1x79x128xi32, #tpu.memory_space<hbm>>
      %dma_start3A_76 = tpu.memref_squeeze %dma_start3A_75 : memref<1x79x128xi32, #tpu.memory_space<hbm>> -> memref<79x128xi32, #tpu.memory_space<hbm>>
      %dma_start3A_77 = arith.constant 0 : i32
      %dma_start3A_78 = arith.constant 0 : i32
      %dma_start3A_79 = tpu.memref_slice %arg2[%add3A, %dma_start3A_77, %dma_start3A_78] : memref<32x79x128xi32, #tpu.memory_space<hbm>> -> memref<1x79x128xi32, #tpu.memory_space<hbm>>
      %dma_start3A_80 = tpu.memref_squeeze %dma_start3A_79 : memref<1x79x128xi32, #tpu.memory_space<hbm>> -> memref<79x128xi32, #tpu.memory_space<hbm>>
      tpu.enqueue_dma source(%dma_start3A_80 : memref<79x128xi32, #tpu.memory_space<hbm>>) target(%arg4 : memref<79x128xi32, #tpu.memory_space<vmem>>) target_semaphore(%run_scoped3A : memref<!tpu.dma_semaphore, #tpu.memory_space<semaphore_mem>>)
      %dma_wait3A = arith.constant 0 : i32
      %dma_wait3A_81 = arith.constant 0 : i32
      %dma_wait3A_82 = tpu.memref_slice %arg2[%add3A, %dma_wait3A, %dma_wait3A_81] : memref<32x79x128xi32, #tpu.memory_space<hbm>> -> memref<1x79x128xi32, #tpu.memory_space<hbm>>
      %dma_wait3A_83 = tpu.memref_squeeze %dma_wait3A_82 : memref<1x79x128xi32, #tpu.memory_space<hbm>> -> memref<79x128xi32, #tpu.memory_space<hbm>>
      %dma_wait3A_84 = arith.constant 0 : i32
      %dma_wait3A_85 = arith.constant 0 : i32
      %dma_wait3A_86 = tpu.memref_slice %arg2[%add3A, %dma_wait3A_84, %dma_wait3A_85] : memref<32x79x128xi32, #tpu.memory_space<hbm>> -> memref<1x79x128xi32, #tpu.memory_space<hbm>>
      %dma_wait3A_87 = tpu.memref_squeeze %dma_wait3A_86 : memref<1x79x128xi32, #tpu.memory_space<hbm>> -> memref<79x128xi32, #tpu.memory_space<hbm>>
      tpu.wait_dma2 semaphore(%run_scoped3A : memref<!tpu.dma_semaphore, #tpu.memory_space<semaphore_mem>>) src(%dma_wait3A_87 : memref<79x128xi32, #tpu.memory_space<hbm>>) dst(%arg4 : memref<79x128xi32, #tpu.memory_space<vmem>>)
      tpu.yield
    }) : () -> ()
    %scan3A_32 = arith.constant 0 : i32
    %scan3A_33 = arith.constant 0 : i32
    %scan3A_34 = arith.constant 79 : i32
    %scan3A_35 = arith.addi %scan3A_33, %scan3A_34 : i32
    %scan3A_36 = arith.constant 1 : i32
    scf.for %scan3A_74 = %scan3A_33 to %scan3A_35 step %scan3A_36  : i32 {
      "tpu.region"() ({
        %run_scoped3A = tpu.sem_alloc : memref<!tpu.dma_semaphore, #tpu.memory_space<semaphore_mem>>
        %dma_start3A = arith.constant 0 : i32
        %dma_start3A_75 = tpu.memref_slice %arg4[%scan3A_74, %dma_start3A] : memref<79x128xi32, #tpu.memory_space<vmem>> -> memref<1x128xi32, #tpu.memory_space<vmem>>
        %dma_start3A_76 = tpu.memref_squeeze %dma_start3A_75 : memref<1x128xi32, #tpu.memory_space<vmem>> -> memref<128xi32, #tpu.memory_space<vmem>>
        %dma_start3A_77 = arith.constant 0 : i32
        %dma_start3A_78 = arith.constant 0 : i32
        %dma_start3A_79 = tpu.memref_slice %arg6[%dma_start3A_77, %dma_start3A_78] : memref<10240x128xf32, #tpu.memory_space<vmem_shared>> -> memref<10240x128xf32, #tpu.memory_space<vmem_shared>>
        tpu.enqueue_indirect_dma source(%arg5 : memref<128x128xf32, #tpu.memory_space<vmem>>) target(%dma_start3A_79 : memref<10240x128xf32, #tpu.memory_space<vmem_shared>>) offsets(%dma_start3A_76 : memref<128xi32, #tpu.memory_space<vmem>>) semaphore(%run_scoped3A : memref<!tpu.dma_semaphore, #tpu.memory_space<semaphore_mem>>) {add = true}
        %dma_wait3A = arith.constant 0 : i32
        %dma_wait3A_80 = tpu.memref_slice %arg4[%scan3A_74, %dma_wait3A] : memref<79x128xi32, #tpu.memory_space<vmem>> -> memref<1x128xi32, #tpu.memory_space<vmem>>
        %dma_wait3A_81 = tpu.memref_squeeze %dma_wait3A_80 : memref<1x128xi32, #tpu.memory_space<vmem>> -> memref<128xi32, #tpu.memory_space<vmem>>
        %dma_wait3A_82 = arith.constant 0 : i32
        %dma_wait3A_83 = arith.constant 0 : i32
        %dma_wait3A_84 = tpu.memref_slice %arg6[%dma_wait3A_82, %dma_wait3A_83] : memref<10240x128xf32, #tpu.memory_space<vmem_shared>> -> memref<10240x128xf32, #tpu.memory_space<vmem_shared>>
        tpu.wait_indirect_dma semaphore(%run_scoped3A : memref<!tpu.dma_semaphore, #tpu.memory_space<semaphore_mem>>) src(%arg5 : memref<128x128xf32, #tpu.memory_space<vmem>>) dst(%dma_wait3A_84 : memref<10240x128xf32, #tpu.memory_space<vmem_shared>>)
        tpu.yield
      }) : () -> ()
    }
    %scan3A_37 = arith.constant 79 : i32
    %barrier3A_38 = arith.constant 0 : index
    tpu.barrier barrier_id(%barrier3A_38)
    %mul3A_39 = arith.constant 640 : i32
    %mul3A_40 = arith.muli %arg1, %mul3A_39 : i32
    %add3A_41 = arith.constant 0 : i32
    %add3A_42 = arith.addi %mul3A_40, %add3A_41 : i32
    "tpu.region"() ({
      %run_scoped3A = tpu.sem_alloc : memref<!tpu.dma_semaphore, #tpu.memory_space<semaphore_mem>>
      %dma_start3A = arith.constant 0 : i32
      %dma_start3A_74 = tpu.memref_slice %arg6[%add3A_42, %dma_start3A] : memref<10240x128xf32, #tpu.memory_space<vmem_shared>> -> memref<128x128xf32, #tpu.memory_space<vmem_shared>>
      %dma_start3A_75 = arith.constant 0 : i32
      %dma_start3A_76 = tpu.memref_slice %arg6[%add3A_42, %dma_start3A_75] : memref<10240x128xf32, #tpu.memory_space<vmem_shared>> -> memref<128x128xf32, #tpu.memory_space<vmem_shared>>
      tpu.enqueue_dma source(%dma_start3A_76 : memref<128x128xf32, #tpu.memory_space<vmem_shared>>) target(%arg5 : memref<128x128xf32, #tpu.memory_space<vmem>>) target_semaphore(%run_scoped3A : memref<!tpu.dma_semaphore, #tpu.memory_space<semaphore_mem>>)
      %dma_wait3A = arith.constant 0 : i32
      %dma_wait3A_77 = tpu.memref_slice %arg6[%add3A_42, %dma_wait3A] : memref<10240x128xf32, #tpu.memory_space<vmem_shared>> -> memref<128x128xf32, #tpu.memory_space<vmem_shared>>
      %dma_wait3A_78 = arith.constant 0 : i32
      %dma_wait3A_79 = tpu.memref_slice %arg6[%add3A_42, %dma_wait3A_78] : memref<10240x128xf32, #tpu.memory_space<vmem_shared>> -> memref<128x128xf32, #tpu.memory_space<vmem_shared>>
      tpu.wait_dma2 semaphore(%run_scoped3A : memref<!tpu.dma_semaphore, #tpu.memory_space<semaphore_mem>>) src(%dma_wait3A_79 : memref<128x128xf32, #tpu.memory_space<vmem_shared>>) dst(%arg5 : memref<128x128xf32, #tpu.memory_space<vmem>>)
      tpu.yield
    }) : () -> ()
    %mul3A_43 = arith.constant 10240 : i32
    %mul3A_44 = arith.muli %arg0, %mul3A_43 : i32
    %add3A_45 = arith.addi %mul3A_44, %add3A_42 : i32
    "tpu.region"() ({
      %run_scoped3A = tpu.sem_alloc : memref<!tpu.dma_semaphore, #tpu.memory_space<semaphore_mem>>
      %dma_start3A = arith.constant 0 : i32
      %dma_start3A_74 = tpu.memref_slice %arg3[%add3A_45, %dma_start3A] : memref<20480x128xf32, #tpu.memory_space<hbm>> -> memref<128x128xf32, #tpu.memory_space<hbm>>
      %dma_start3A_75 = arith.constant 0 : i32
      %dma_start3A_76 = tpu.memref_slice %arg3[%add3A_45, %dma_start3A_75] : memref<20480x128xf32, #tpu.memory_space<hbm>> -> memref<128x128xf32, #tpu.memory_space<hbm>>
      tpu.enqueue_dma source(%arg5 : memref<128x128xf32, #tpu.memory_space<vmem>>) target(%dma_start3A_76 : memref<128x128xf32, #tpu.memory_space<hbm>>) target_semaphore(%run_scoped3A : memref<!tpu.dma_semaphore, #tpu.memory_space<semaphore_mem>>)
      %dma_wait3A = arith.constant 0 : i32
      %dma_wait3A_77 = tpu.memref_slice %arg3[%add3A_45, %dma_wait3A] : memref<20480x128xf32, #tpu.memory_space<hbm>> -> memref<128x128xf32, #tpu.memory_space<hbm>>
      %dma_wait3A_78 = arith.constant 0 : i32
      %dma_wait3A_79 = tpu.memref_slice %arg3[%add3A_45, %dma_wait3A_78] : memref<20480x128xf32, #tpu.memory_space<hbm>> -> memref<128x128xf32, #tpu.memory_space<hbm>>
      tpu.wait_dma2 semaphore(%run_scoped3A : memref<!tpu.dma_semaphore, #tpu.memory_space<semaphore_mem>>) src(%arg5 : memref<128x128xf32, #tpu.memory_space<vmem>>) dst(%dma_wait3A_79 : memref<128x128xf32, #tpu.memory_space<hbm>>)
      tpu.yield
    }) : () -> ()
    %mul3A_46 = arith.constant 640 : i32
    %mul3A_47 = arith.muli %arg1, %mul3A_46 : i32
    %add3A_48 = arith.constant 128 : i32
    %add3A_49 = arith.addi %mul3A_47, %add3A_48 : i32
    "tpu.region"() ({
      %run_scoped3A = tpu.sem_alloc : memref<!tpu.dma_semaphore, #tpu.memory_space<semaphore_mem>>
      %dma_start3A = arith.constant 0 : i32
      %dma_start3A_74 = tpu.memref_slice %arg6[%add3A_49, %dma_start3A] : memref<10240x128xf32, #tpu.memory_space<vmem_shared>> -> memref<128x128xf32, #tpu.memory_space<vmem_shared>>
      %dma_start3A_75 = arith.constant 0 : i32
      %dma_start3A_76 = tpu.memref_slice %arg6[%add3A_49, %dma_start3A_75] : memref<10240x128xf32, #tpu.memory_space<vmem_shared>> -> memref<128x128xf32, #tpu.memory_space<vmem_shared>>
      tpu.enqueue_dma source(%dma_start3A_76 : memref<128x128xf32, #tpu.memory_space<vmem_shared>>) target(%arg5 : memref<128x128xf32, #tpu.memory_space<vmem>>) target_semaphore(%run_scoped3A : memref<!tpu.dma_semaphore, #tpu.memory_space<semaphore_mem>>)
      %dma_wait3A = arith.constant 0 : i32
      %dma_wait3A_77 = tpu.memref_slice %arg6[%add3A_49, %dma_wait3A] : memref<10240x128xf32, #tpu.memory_space<vmem_shared>> -> memref<128x128xf32, #tpu.memory_space<vmem_shared>>
      %dma_wait3A_78 = arith.constant 0 : i32
      %dma_wait3A_79 = tpu.memref_slice %arg6[%add3A_49, %dma_wait3A_78] : memref<10240x128xf32, #tpu.memory_space<vmem_shared>> -> memref<128x128xf32, #tpu.memory_space<vmem_shared>>
      tpu.wait_dma2 semaphore(%run_scoped3A : memref<!tpu.dma_semaphore, #tpu.memory_space<semaphore_mem>>) src(%dma_wait3A_79 : memref<128x128xf32, #tpu.memory_space<vmem_shared>>) dst(%arg5 : memref<128x128xf32, #tpu.memory_space<vmem>>)
      tpu.yield
    }) : () -> ()
    %mul3A_50 = arith.constant 10240 : i32
    %mul3A_51 = arith.muli %arg0, %mul3A_50 : i32
    %add3A_52 = arith.addi %mul3A_51, %add3A_49 : i32
    "tpu.region"() ({
      %run_scoped3A = tpu.sem_alloc : memref<!tpu.dma_semaphore, #tpu.memory_space<semaphore_mem>>
      %dma_start3A = arith.constant 0 : i32
      %dma_start3A_74 = tpu.memref_slice %arg3[%add3A_52, %dma_start3A] : memref<20480x128xf32, #tpu.memory_space<hbm>> -> memref<128x128xf32, #tpu.memory_space<hbm>>
      %dma_start3A_75 = arith.constant 0 : i32
      %dma_start3A_76 = tpu.memref_slice %arg3[%add3A_52, %dma_start3A_75] : memref<20480x128xf32, #tpu.memory_space<hbm>> -> memref<128x128xf32, #tpu.memory_space<hbm>>
      tpu.enqueue_dma source(%arg5 : memref<128x128xf32, #tpu.memory_space<vmem>>) target(%dma_start3A_76 : memref<128x128xf32, #tpu.memory_space<hbm>>) target_semaphore(%run_scoped3A : memref<!tpu.dma_semaphore, #tpu.memory_space<semaphore_mem>>)
      %dma_wait3A = arith.constant 0 : i32
      %dma_wait3A_77 = tpu.memref_slice %arg3[%add3A_52, %dma_wait3A] : memref<20480x128xf32, #tpu.memory_space<hbm>> -> memref<128x128xf32, #tpu.memory_space<hbm>>
      %dma_wait3A_78 = arith.constant 0 : i32
      %dma_wait3A_79 = tpu.memref_slice %arg3[%add3A_52, %dma_wait3A_78] : memref<20480x128xf32, #tpu.memory_space<hbm>> -> memref<128x128xf32, #tpu.memory_space<hbm>>
      tpu.wait_dma2 semaphore(%run_scoped3A : memref<!tpu.dma_semaphore, #tpu.memory_space<semaphore_mem>>) src(%arg5 : memref<128x128xf32, #tpu.memory_space<vmem>>) dst(%dma_wait3A_79 : memref<128x128xf32, #tpu.memory_space<hbm>>)
      tpu.yield
    }) : () -> ()
    %mul3A_53 = arith.constant 640 : i32
    %mul3A_54 = arith.muli %arg1, %mul3A_53 : i32
    %add3A_55 = arith.constant 256 : i32
    %add3A_56 = arith.addi %mul3A_54, %add3A_55 : i32
    "tpu.region"() ({
      %run_scoped3A = tpu.sem_alloc : memref<!tpu.dma_semaphore, #tpu.memory_space<semaphore_mem>>
      %dma_start3A = arith.constant 0 : i32
      %dma_start3A_74 = tpu.memref_slice %arg6[%add3A_56, %dma_start3A] : memref<10240x128xf32, #tpu.memory_space<vmem_shared>> -> memref<128x128xf32, #tpu.memory_space<vmem_shared>>
      %dma_start3A_75 = arith.constant 0 : i32
      %dma_start3A_76 = tpu.memref_slice %arg6[%add3A_56, %dma_start3A_75] : memref<10240x128xf32, #tpu.memory_space<vmem_shared>> -> memref<128x128xf32, #tpu.memory_space<vmem_shared>>
      tpu.enqueue_dma source(%dma_start3A_76 : memref<128x128xf32, #tpu.memory_space<vmem_shared>>) target(%arg5 : memref<128x128xf32, #tpu.memory_space<vmem>>) target_semaphore(%run_scoped3A : memref<!tpu.dma_semaphore, #tpu.memory_space<semaphore_mem>>)
      %dma_wait3A = arith.constant 0 : i32
      %dma_wait3A_77 = tpu.memref_slice %arg6[%add3A_56, %dma_wait3A] : memref<10240x128xf32, #tpu.memory_space<vmem_shared>> -> memref<128x128xf32, #tpu.memory_space<vmem_shared>>
      %dma_wait3A_78 = arith.constant 0 : i32
      %dma_wait3A_79 = tpu.memref_slice %arg6[%add3A_56, %dma_wait3A_78] : memref<10240x128xf32, #tpu.memory_space<vmem_shared>> -> memref<128x128xf32, #tpu.memory_space<vmem_shared>>
      tpu.wait_dma2 semaphore(%run_scoped3A : memref<!tpu.dma_semaphore, #tpu.memory_space<semaphore_mem>>) src(%dma_wait3A_79 : memref<128x128xf32, #tpu.memory_space<vmem_shared>>) dst(%arg5 : memref<128x128xf32, #tpu.memory_space<vmem>>)
      tpu.yield
    }) : () -> ()
    %mul3A_57 = arith.constant 10240 : i32
    %mul3A_58 = arith.muli %arg0, %mul3A_57 : i32
    %add3A_59 = arith.addi %mul3A_58, %add3A_56 : i32
    "tpu.region"() ({
      %run_scoped3A = tpu.sem_alloc : memref<!tpu.dma_semaphore, #tpu.memory_space<semaphore_mem>>
      %dma_start3A = arith.constant 0 : i32
      %dma_start3A_74 = tpu.memref_slice %arg3[%add3A_59, %dma_start3A] : memref<20480x128xf32, #tpu.memory_space<hbm>> -> memref<128x128xf32, #tpu.memory_space<hbm>>
      %dma_start3A_75 = arith.constant 0 : i32
      %dma_start3A_76 = tpu.memref_slice %arg3[%add3A_59, %dma_start3A_75] : memref<20480x128xf32, #tpu.memory_space<hbm>> -> memref<128x128xf32, #tpu.memory_space<hbm>>
      tpu.enqueue_dma source(%arg5 : memref<128x128xf32, #tpu.memory_space<vmem>>) target(%dma_start3A_76 : memref<128x128xf32, #tpu.memory_space<hbm>>) target_semaphore(%run_scoped3A : memref<!tpu.dma_semaphore, #tpu.memory_space<semaphore_mem>>)
      %dma_wait3A = arith.constant 0 : i32
      %dma_wait3A_77 = tpu.memref_slice %arg3[%add3A_59, %dma_wait3A] : memref<20480x128xf32, #tpu.memory_space<hbm>> -> memref<128x128xf32, #tpu.memory_space<hbm>>
      %dma_wait3A_78 = arith.constant 0 : i32
      %dma_wait3A_79 = tpu.memref_slice %arg3[%add3A_59, %dma_wait3A_78] : memref<20480x128xf32, #tpu.memory_space<hbm>> -> memref<128x128xf32, #tpu.memory_space<hbm>>
      tpu.wait_dma2 semaphore(%run_scoped3A : memref<!tpu.dma_semaphore, #tpu.memory_space<semaphore_mem>>) src(%arg5 : memref<128x128xf32, #tpu.memory_space<vmem>>) dst(%dma_wait3A_79 : memref<128x128xf32, #tpu.memory_space<hbm>>)
      tpu.yield
    }) : () -> ()
    %mul3A_60 = arith.constant 640 : i32
    %mul3A_61 = arith.muli %arg1, %mul3A_60 : i32
    %add3A_62 = arith.constant 384 : i32
    %add3A_63 = arith.addi %mul3A_61, %add3A_62 : i32
    "tpu.region"() ({
      %run_scoped3A = tpu.sem_alloc : memref<!tpu.dma_semaphore, #tpu.memory_space<semaphore_mem>>
      %dma_start3A = arith.constant 0 : i32
      %dma_start3A_74 = tpu.memref_slice %arg6[%add3A_63, %dma_start3A] : memref<10240x128xf32, #tpu.memory_space<vmem_shared>> -> memref<128x128xf32, #tpu.memory_space<vmem_shared>>
      %dma_start3A_75 = arith.constant 0 : i32
      %dma_start3A_76 = tpu.memref_slice %arg6[%add3A_63, %dma_start3A_75] : memref<10240x128xf32, #tpu.memory_space<vmem_shared>> -> memref<128x128xf32, #tpu.memory_space<vmem_shared>>
      tpu.enqueue_dma source(%dma_start3A_76 : memref<128x128xf32, #tpu.memory_space<vmem_shared>>) target(%arg5 : memref<128x128xf32, #tpu.memory_space<vmem>>) target_semaphore(%run_scoped3A : memref<!tpu.dma_semaphore, #tpu.memory_space<semaphore_mem>>)
      %dma_wait3A = arith.constant 0 : i32
      %dma_wait3A_77 = tpu.memref_slice %arg6[%add3A_63, %dma_wait3A] : memref<10240x128xf32, #tpu.memory_space<vmem_shared>> -> memref<128x128xf32, #tpu.memory_space<vmem_shared>>
      %dma_wait3A_78 = arith.constant 0 : i32
      %dma_wait3A_79 = tpu.memref_slice %arg6[%add3A_63, %dma_wait3A_78] : memref<10240x128xf32, #tpu.memory_space<vmem_shared>> -> memref<128x128xf32, #tpu.memory_space<vmem_shared>>
      tpu.wait_dma2 semaphore(%run_scoped3A : memref<!tpu.dma_semaphore, #tpu.memory_space<semaphore_mem>>) src(%dma_wait3A_79 : memref<128x128xf32, #tpu.memory_space<vmem_shared>>) dst(%arg5 : memref<128x128xf32, #tpu.memory_space<vmem>>)
      tpu.yield
    }) : () -> ()
    %mul3A_64 = arith.constant 10240 : i32
    %mul3A_65 = arith.muli %arg0, %mul3A_64 : i32
    %add3A_66 = arith.addi %mul3A_65, %add3A_63 : i32
    "tpu.region"() ({
      %run_scoped3A = tpu.sem_alloc : memref<!tpu.dma_semaphore, #tpu.memory_space<semaphore_mem>>
      %dma_start3A = arith.constant 0 : i32
      %dma_start3A_74 = tpu.memref_slice %arg3[%add3A_66, %dma_start3A] : memref<20480x128xf32, #tpu.memory_space<hbm>> -> memref<128x128xf32, #tpu.memory_space<hbm>>
      %dma_start3A_75 = arith.constant 0 : i32
      %dma_start3A_76 = tpu.memref_slice %arg3[%add3A_66, %dma_start3A_75] : memref<20480x128xf32, #tpu.memory_space<hbm>> -> memref<128x128xf32, #tpu.memory_space<hbm>>
      tpu.enqueue_dma source(%arg5 : memref<128x128xf32, #tpu.memory_space<vmem>>) target(%dma_start3A_76 : memref<128x128xf32, #tpu.memory_space<hbm>>) target_semaphore(%run_scoped3A : memref<!tpu.dma_semaphore, #tpu.memory_space<semaphore_mem>>)
      %dma_wait3A = arith.constant 0 : i32
      %dma_wait3A_77 = tpu.memref_slice %arg3[%add3A_66, %dma_wait3A] : memref<20480x128xf32, #tpu.memory_space<hbm>> -> memref<128x128xf32, #tpu.memory_space<hbm>>
      %dma_wait3A_78 = arith.constant 0 : i32
      %dma_wait3A_79 = tpu.memref_slice %arg3[%add3A_66, %dma_wait3A_78] : memref<20480x128xf32, #tpu.memory_space<hbm>> -> memref<128x128xf32, #tpu.memory_space<hbm>>
      tpu.wait_dma2 semaphore(%run_scoped3A : memref<!tpu.dma_semaphore, #tpu.memory_space<semaphore_mem>>) src(%arg5 : memref<128x128xf32, #tpu.memory_space<vmem>>) dst(%dma_wait3A_79 : memref<128x128xf32, #tpu.memory_space<hbm>>)
      tpu.yield
    }) : () -> ()
    %mul3A_67 = arith.constant 640 : i32
    %mul3A_68 = arith.muli %arg1, %mul3A_67 : i32
    %add3A_69 = arith.constant 512 : i32
    %add3A_70 = arith.addi %mul3A_68, %add3A_69 : i32
    "tpu.region"() ({
      %run_scoped3A = tpu.sem_alloc : memref<!tpu.dma_semaphore, #tpu.memory_space<semaphore_mem>>
      %dma_start3A = arith.constant 0 : i32
      %dma_start3A_74 = tpu.memref_slice %arg6[%add3A_70, %dma_start3A] : memref<10240x128xf32, #tpu.memory_space<vmem_shared>> -> memref<128x128xf32, #tpu.memory_space<vmem_shared>>
      %dma_start3A_75 = arith.constant 0 : i32
      %dma_start3A_76 = tpu.memref_slice %arg6[%add3A_70, %dma_start3A_75] : memref<10240x128xf32, #tpu.memory_space<vmem_shared>> -> memref<128x128xf32, #tpu.memory_space<vmem_shared>>
      tpu.enqueue_dma source(%dma_start3A_76 : memref<128x128xf32, #tpu.memory_space<vmem_shared>>) target(%arg5 : memref<128x128xf32, #tpu.memory_space<vmem>>) target_semaphore(%run_scoped3A : memref<!tpu.dma_semaphore, #tpu.memory_space<semaphore_mem>>)
      %dma_wait3A = arith.constant 0 : i32
      %dma_wait3A_77 = tpu.memref_slice %arg6[%add3A_70, %dma_wait3A] : memref<10240x128xf32, #tpu.memory_space<vmem_shared>> -> memref<128x128xf32, #tpu.memory_space<vmem_shared>>
      %dma_wait3A_78 = arith.constant 0 : i32
      %dma_wait3A_79 = tpu.memref_slice %arg6[%add3A_70, %dma_wait3A_78] : memref<10240x128xf32, #tpu.memory_space<vmem_shared>> -> memref<128x128xf32, #tpu.memory_space<vmem_shared>>
      tpu.wait_dma2 semaphore(%run_scoped3A : memref<!tpu.dma_semaphore, #tpu.memory_space<semaphore_mem>>) src(%dma_wait3A_79 : memref<128x128xf32, #tpu.memory_space<vmem_shared>>) dst(%arg5 : memref<128x128xf32, #tpu.memory_space<vmem>>)
      tpu.yield
    }) : () -> ()
    %mul3A_71 = arith.constant 10240 : i32
    %mul3A_72 = arith.muli %arg0, %mul3A_71 : i32
    %add3A_73 = arith.addi %mul3A_72, %add3A_70 : i32
    "tpu.region"() ({
      %run_scoped3A = tpu.sem_alloc : memref<!tpu.dma_semaphore, #tpu.memory_space<semaphore_mem>>
      %dma_start3A = arith.constant 0 : i32
      %dma_start3A_74 = tpu.memref_slice %arg3[%add3A_73, %dma_start3A] : memref<20480x128xf32, #tpu.memory_space<hbm>> -> memref<128x128xf32, #tpu.memory_space<hbm>>
      %dma_start3A_75 = arith.constant 0 : i32
      %dma_start3A_76 = tpu.memref_slice %arg3[%add3A_73, %dma_start3A_75] : memref<20480x128xf32, #tpu.memory_space<hbm>> -> memref<128x128xf32, #tpu.memory_space<hbm>>
      tpu.enqueue_dma source(%arg5 : memref<128x128xf32, #tpu.memory_space<vmem>>) target(%dma_start3A_76 : memref<128x128xf32, #tpu.memory_space<hbm>>) target_semaphore(%run_scoped3A : memref<!tpu.dma_semaphore, #tpu.memory_space<semaphore_mem>>)
      %dma_wait3A = arith.constant 0 : i32
      %dma_wait3A_77 = tpu.memref_slice %arg3[%add3A_73, %dma_wait3A] : memref<20480x128xf32, #tpu.memory_space<hbm>> -> memref<128x128xf32, #tpu.memory_space<hbm>>
      %dma_wait3A_78 = arith.constant 0 : i32
      %dma_wait3A_79 = tpu.memref_slice %arg3[%add3A_73, %dma_wait3A_78] : memref<20480x128xf32, #tpu.memory_space<hbm>> -> memref<128x128xf32, #tpu.memory_space<hbm>>
      tpu.wait_dma2 semaphore(%run_scoped3A : memref<!tpu.dma_semaphore, #tpu.memory_space<semaphore_mem>>) src(%arg5 : memref<128x128xf32, #tpu.memory_space<vmem>>) dst(%dma_wait3A_79 : memref<128x128xf32, #tpu.memory_space<hbm>>)
      tpu.yield
    }) : () -> ()
    return
  }
}

#map = affine_map<(d0, d1) -> (0, 0)>
#map1 = affine_map<(d0, d1) -> (0, 0, 0)>
module attributes {stable_mosaic.version = 14 : i64} {
  func.func @agg_kernel(%arg0: i32, %arg1: i32, %arg2: memref<10000x128xf32, #tpu.memory_space<hbm>>, %arg3: memref<32x118x128xi32, #tpu.memory_space<hbm>>, %arg4: memref<32x118x128xi32, #tpu.memory_space<hbm>>, %arg5: memref<20480x128xf32, #tpu.memory_space<hbm>>, %arg6: memref<118x128xi32, #tpu.memory_space<vmem>>, %arg7: memref<118x128xi32, #tpu.memory_space<vmem>>, %arg8: memref<128x128xf32, #tpu.memory_space<vmem>>, %arg9: memref<10240x128xf32, #tpu.memory_space<vmem_shared>>, %arg10: memref<!tpu.dma_semaphore, #tpu.memory_space<semaphore_mem>>) attributes {dimension_semantics = [#tpu.dimension_semantics<core_parallel>, #tpu.dimension_semantics<subcore_parallel>], iteration_bounds = array<i64: 2, 16>, scalar_prefetch = 0 : i64, scratch_operands = 5 : i64, tpu.core_type = #tpu.core_type<sc_vector_subcore>, window_params = [{transform_indices = #map}, {transform_indices = #map1}, {transform_indices = #map1}, {transform_indices = #map}]} {
    %mul3A = arith.constant 16 : i32
    %mul3A_0 = arith.muli %arg0, %mul3A : i32
    %add3A = arith.addi %mul3A_0, %arg1 : i32
    %scan3A = arith.constant 0 : i32
    %scan3A_1 = arith.constant 0 : i32
    %scan3A_2 = arith.constant 128 : i32
    %scan3A_3 = arith.addi %scan3A_1, %scan3A_2 : i32
    %scan3A_4 = arith.constant 1 : i32
    scf.for %scan3A_73 = %scan3A_1 to %scan3A_3 step %scan3A_4  : i32 {
      %broadcast_in_dim3A = arith.constant 0.000000e+00 : f32
      %broadcast_in_dim3A_74 = vector.broadcast %broadcast_in_dim3A : f32 to vector<16xf32>
      %swap3A = arith.index_cast %scan3A_73 : i32 to index
      %swap3A_75 = arith.constant 0 : index
      %swap3A_76 = tpu.vector_load %arg8[%swap3A, %swap3A_75] {strides = array<i32>} : memref<128x128xf32, #tpu.memory_space<vmem>>, vector<1x16xf32>,
      %swap3A_77 = vector.shape_cast %swap3A_76 : vector<1x16xf32> to vector<16xf32>
      %swap3A_78 = vector.shape_cast %broadcast_in_dim3A_74 : vector<16xf32> to vector<1x16xf32>
      tpu.vector_store %arg8[%swap3A, %swap3A_75], %swap3A_78 {strides = array<i32>} : memref<128x128xf32, #tpu.memory_space<vmem>>, vector<1x16xf32>,
      %broadcast_in_dim3A_79 = arith.constant 0.000000e+00 : f32
      %broadcast_in_dim3A_80 = vector.broadcast %broadcast_in_dim3A_79 : f32 to vector<16xf32>
      %swap3A_81 = arith.index_cast %scan3A_73 : i32 to index
      %swap3A_82 = arith.constant 16 : index
      %swap3A_83 = tpu.vector_load %arg8[%swap3A_81, %swap3A_82] {strides = array<i32>} : memref<128x128xf32, #tpu.memory_space<vmem>>, vector<1x16xf32>,
      %swap3A_84 = vector.shape_cast %swap3A_83 : vector<1x16xf32> to vector<16xf32>
      %swap3A_85 = vector.shape_cast %broadcast_in_dim3A_80 : vector<16xf32> to vector<1x16xf32>
      tpu.vector_store %arg8[%swap3A_81, %swap3A_82], %swap3A_85 {strides = array<i32>} : memref<128x128xf32, #tpu.memory_space<vmem>>, vector<1x16xf32>,
      %broadcast_in_dim3A_86 = arith.constant 0.000000e+00 : f32
      %broadcast_in_dim3A_87 = vector.broadcast %broadcast_in_dim3A_86 : f32 to vector<16xf32>
      %swap3A_88 = arith.index_cast %scan3A_73 : i32 to index
      %swap3A_89 = arith.constant 32 : index
      %swap3A_90 = tpu.vector_load %arg8[%swap3A_88, %swap3A_89] {strides = array<i32>} : memref<128x128xf32, #tpu.memory_space<vmem>>, vector<1x16xf32>,
      %swap3A_91 = vector.shape_cast %swap3A_90 : vector<1x16xf32> to vector<16xf32>
      %swap3A_92 = vector.shape_cast %broadcast_in_dim3A_87 : vector<16xf32> to vector<1x16xf32>
      tpu.vector_store %arg8[%swap3A_88, %swap3A_89], %swap3A_92 {strides = array<i32>} : memref<128x128xf32, #tpu.memory_space<vmem>>, vector<1x16xf32>,
      %broadcast_in_dim3A_93 = arith.constant 0.000000e+00 : f32
      %broadcast_in_dim3A_94 = vector.broadcast %broadcast_in_dim3A_93 : f32 to vector<16xf32>
      %swap3A_95 = arith.index_cast %scan3A_73 : i32 to index
      %swap3A_96 = arith.constant 48 : index
      %swap3A_97 = tpu.vector_load %arg8[%swap3A_95, %swap3A_96] {strides = array<i32>} : memref<128x128xf32, #tpu.memory_space<vmem>>, vector<1x16xf32>,
      %swap3A_98 = vector.shape_cast %swap3A_97 : vector<1x16xf32> to vector<16xf32>
      %swap3A_99 = vector.shape_cast %broadcast_in_dim3A_94 : vector<16xf32> to vector<1x16xf32>
      tpu.vector_store %arg8[%swap3A_95, %swap3A_96], %swap3A_99 {strides = array<i32>} : memref<128x128xf32, #tpu.memory_space<vmem>>, vector<1x16xf32>,
      %broadcast_in_dim3A_100 = arith.constant 0.000000e+00 : f32
      %broadcast_in_dim3A_101 = vector.broadcast %broadcast_in_dim3A_100 : f32 to vector<16xf32>
      %swap3A_102 = arith.index_cast %scan3A_73 : i32 to index
      %swap3A_103 = arith.constant 64 : index
      %swap3A_104 = tpu.vector_load %arg8[%swap3A_102, %swap3A_103] {strides = array<i32>} : memref<128x128xf32, #tpu.memory_space<vmem>>, vector<1x16xf32>,
      %swap3A_105 = vector.shape_cast %swap3A_104 : vector<1x16xf32> to vector<16xf32>
      %swap3A_106 = vector.shape_cast %broadcast_in_dim3A_101 : vector<16xf32> to vector<1x16xf32>
      tpu.vector_store %arg8[%swap3A_102, %swap3A_103], %swap3A_106 {strides = array<i32>} : memref<128x128xf32, #tpu.memory_space<vmem>>, vector<1x16xf32>,
      %broadcast_in_dim3A_107 = arith.constant 0.000000e+00 : f32
      %broadcast_in_dim3A_108 = vector.broadcast %broadcast_in_dim3A_107 : f32 to vector<16xf32>
      %swap3A_109 = arith.index_cast %scan3A_73 : i32 to index
      %swap3A_110 = arith.constant 80 : index
      %swap3A_111 = tpu.vector_load %arg8[%swap3A_109, %swap3A_110] {strides = array<i32>} : memref<128x128xf32, #tpu.memory_space<vmem>>, vector<1x16xf32>,
      %swap3A_112 = vector.shape_cast %swap3A_111 : vector<1x16xf32> to vector<16xf32>
      %swap3A_113 = vector.shape_cast %broadcast_in_dim3A_108 : vector<16xf32> to vector<1x16xf32>
      tpu.vector_store %arg8[%swap3A_109, %swap3A_110], %swap3A_113 {strides = array<i32>} : memref<128x128xf32, #tpu.memory_space<vmem>>, vector<1x16xf32>,
      %broadcast_in_dim3A_114 = arith.constant 0.000000e+00 : f32
      %broadcast_in_dim3A_115 = vector.broadcast %broadcast_in_dim3A_114 : f32 to vector<16xf32>
      %swap3A_116 = arith.index_cast %scan3A_73 : i32 to index
      %swap3A_117 = arith.constant 96 : index
      %swap3A_118 = tpu.vector_load %arg8[%swap3A_116, %swap3A_117] {strides = array<i32>} : memref<128x128xf32, #tpu.memory_space<vmem>>, vector<1x16xf32>,
      %swap3A_119 = vector.shape_cast %swap3A_118 : vector<1x16xf32> to vector<16xf32>
      %swap3A_120 = vector.shape_cast %broadcast_in_dim3A_115 : vector<16xf32> to vector<1x16xf32>
      tpu.vector_store %arg8[%swap3A_116, %swap3A_117], %swap3A_120 {strides = array<i32>} : memref<128x128xf32, #tpu.memory_space<vmem>>, vector<1x16xf32>,
      %broadcast_in_dim3A_121 = arith.constant 0.000000e+00 : f32
      %broadcast_in_dim3A_122 = vector.broadcast %broadcast_in_dim3A_121 : f32 to vector<16xf32>
      %swap3A_123 = arith.index_cast %scan3A_73 : i32 to index
      %swap3A_124 = arith.constant 112 : index
      %swap3A_125 = tpu.vector_load %arg8[%swap3A_123, %swap3A_124] {strides = array<i32>} : memref<128x128xf32, #tpu.memory_space<vmem>>, vector<1x16xf32>,
      %swap3A_126 = vector.shape_cast %swap3A_125 : vector<1x16xf32> to vector<16xf32>
      %swap3A_127 = vector.shape_cast %broadcast_in_dim3A_122 : vector<16xf32> to vector<1x16xf32>
      tpu.vector_store %arg8[%swap3A_123, %swap3A_124], %swap3A_127 {strides = array<i32>} : memref<128x128xf32, #tpu.memory_space<vmem>>, vector<1x16xf32>,
    }
    %scan3A_5 = arith.constant 128 : i32
    %mul3A_6 = arith.constant 640 : i32
    %mul3A_7 = arith.muli %arg1, %mul3A_6 : i32
    %add3A_8 = arith.constant 0 : i32
    %add3A_9 = arith.addi %mul3A_7, %add3A_8 : i32
    "tpu.region"() ({
      %run_scoped3A = tpu.sem_alloc : memref<!tpu.dma_semaphore, #tpu.memory_space<semaphore_mem>>
      %dma_start3A = arith.constant 0 : i32
      %dma_start3A_73 = tpu.memref_slice %arg9[%add3A_9, %dma_start3A] : memref<10240x128xf32, #tpu.memory_space<vmem_shared>> -> memref<128x128xf32, #tpu.memory_space<vmem_shared>>
      %dma_start3A_74 = arith.constant 0 : i32
      %dma_start3A_75 = tpu.memref_slice %arg9[%add3A_9, %dma_start3A_74] : memref<10240x128xf32, #tpu.memory_space<vmem_shared>> -> memref<128x128xf32, #tpu.memory_space<vmem_shared>>
      tpu.enqueue_dma source(%arg8 : memref<128x128xf32, #tpu.memory_space<vmem>>) target(%dma_start3A_75 : memref<128x128xf32, #tpu.memory_space<vmem_shared>>) target_semaphore(%run_scoped3A : memref<!tpu.dma_semaphore, #tpu.memory_space<semaphore_mem>>)
      %dma_wait3A = arith.constant 0 : i32
      %dma_wait3A_76 = tpu.memref_slice %arg9[%add3A_9, %dma_wait3A] : memref<10240x128xf32, #tpu.memory_space<vmem_shared>> -> memref<128x128xf32, #tpu.memory_space<vmem_shared>>
      %dma_wait3A_77 = arith.constant 0 : i32
      %dma_wait3A_78 = tpu.memref_slice %arg9[%add3A_9, %dma_wait3A_77] : memref<10240x128xf32, #tpu.memory_space<vmem_shared>> -> memref<128x128xf32, #tpu.memory_space<vmem_shared>>
      tpu.wait_dma2 semaphore(%run_scoped3A : memref<!tpu.dma_semaphore, #tpu.memory_space<semaphore_mem>>) src(%arg8 : memref<128x128xf32, #tpu.memory_space<vmem>>) dst(%dma_wait3A_78 : memref<128x128xf32, #tpu.memory_space<vmem_shared>>)
      tpu.yield
    }) : () -> ()
    %mul3A_10 = arith.constant 640 : i32
    %mul3A_11 = arith.muli %arg1, %mul3A_10 : i32
    %add3A_12 = arith.constant 128 : i32
    %add3A_13 = arith.addi %mul3A_11, %add3A_12 : i32
    "tpu.region"() ({
      %run_scoped3A = tpu.sem_alloc : memref<!tpu.dma_semaphore, #tpu.memory_space<semaphore_mem>>
      %dma_start3A = arith.constant 0 : i32
      %dma_start3A_73 = tpu.memref_slice %arg9[%add3A_13, %dma_start3A] : memref<10240x128xf32, #tpu.memory_space<vmem_shared>> -> memref<128x128xf32, #tpu.memory_space<vmem_shared>>
      %dma_start3A_74 = arith.constant 0 : i32
      %dma_start3A_75 = tpu.memref_slice %arg9[%add3A_13, %dma_start3A_74] : memref<10240x128xf32, #tpu.memory_space<vmem_shared>> -> memref<128x128xf32, #tpu.memory_space<vmem_shared>>
      tpu.enqueue_dma source(%arg8 : memref<128x128xf32, #tpu.memory_space<vmem>>) target(%dma_start3A_75 : memref<128x128xf32, #tpu.memory_space<vmem_shared>>) target_semaphore(%run_scoped3A : memref<!tpu.dma_semaphore, #tpu.memory_space<semaphore_mem>>)
      %dma_wait3A = arith.constant 0 : i32
      %dma_wait3A_76 = tpu.memref_slice %arg9[%add3A_13, %dma_wait3A] : memref<10240x128xf32, #tpu.memory_space<vmem_shared>> -> memref<128x128xf32, #tpu.memory_space<vmem_shared>>
      %dma_wait3A_77 = arith.constant 0 : i32
      %dma_wait3A_78 = tpu.memref_slice %arg9[%add3A_13, %dma_wait3A_77] : memref<10240x128xf32, #tpu.memory_space<vmem_shared>> -> memref<128x128xf32, #tpu.memory_space<vmem_shared>>
      tpu.wait_dma2 semaphore(%run_scoped3A : memref<!tpu.dma_semaphore, #tpu.memory_space<semaphore_mem>>) src(%arg8 : memref<128x128xf32, #tpu.memory_space<vmem>>) dst(%dma_wait3A_78 : memref<128x128xf32, #tpu.memory_space<vmem_shared>>)
      tpu.yield
    }) : () -> ()
    %mul3A_14 = arith.constant 640 : i32
    %mul3A_15 = arith.muli %arg1, %mul3A_14 : i32
    %add3A_16 = arith.constant 256 : i32
    %add3A_17 = arith.addi %mul3A_15, %add3A_16 : i32
    "tpu.region"() ({
      %run_scoped3A = tpu.sem_alloc : memref<!tpu.dma_semaphore, #tpu.memory_space<semaphore_mem>>
      %dma_start3A = arith.constant 0 : i32
      %dma_start3A_73 = tpu.memref_slice %arg9[%add3A_17, %dma_start3A] : memref<10240x128xf32, #tpu.memory_space<vmem_shared>> -> memref<128x128xf32, #tpu.memory_space<vmem_shared>>
      %dma_start3A_74 = arith.constant 0 : i32
      %dma_start3A_75 = tpu.memref_slice %arg9[%add3A_17, %dma_start3A_74] : memref<10240x128xf32, #tpu.memory_space<vmem_shared>> -> memref<128x128xf32, #tpu.memory_space<vmem_shared>>
      tpu.enqueue_dma source(%arg8 : memref<128x128xf32, #tpu.memory_space<vmem>>) target(%dma_start3A_75 : memref<128x128xf32, #tpu.memory_space<vmem_shared>>) target_semaphore(%run_scoped3A : memref<!tpu.dma_semaphore, #tpu.memory_space<semaphore_mem>>)
      %dma_wait3A = arith.constant 0 : i32
      %dma_wait3A_76 = tpu.memref_slice %arg9[%add3A_17, %dma_wait3A] : memref<10240x128xf32, #tpu.memory_space<vmem_shared>> -> memref<128x128xf32, #tpu.memory_space<vmem_shared>>
      %dma_wait3A_77 = arith.constant 0 : i32
      %dma_wait3A_78 = tpu.memref_slice %arg9[%add3A_17, %dma_wait3A_77] : memref<10240x128xf32, #tpu.memory_space<vmem_shared>> -> memref<128x128xf32, #tpu.memory_space<vmem_shared>>
      tpu.wait_dma2 semaphore(%run_scoped3A : memref<!tpu.dma_semaphore, #tpu.memory_space<semaphore_mem>>) src(%arg8 : memref<128x128xf32, #tpu.memory_space<vmem>>) dst(%dma_wait3A_78 : memref<128x128xf32, #tpu.memory_space<vmem_shared>>)
      tpu.yield
    }) : () -> ()
    %mul3A_18 = arith.constant 640 : i32
    %mul3A_19 = arith.muli %arg1, %mul3A_18 : i32
    %add3A_20 = arith.constant 384 : i32
    %add3A_21 = arith.addi %mul3A_19, %add3A_20 : i32
    "tpu.region"() ({
      %run_scoped3A = tpu.sem_alloc : memref<!tpu.dma_semaphore, #tpu.memory_space<semaphore_mem>>
      %dma_start3A = arith.constant 0 : i32
      %dma_start3A_73 = tpu.memref_slice %arg9[%add3A_21, %dma_start3A] : memref<10240x128xf32, #tpu.memory_space<vmem_shared>> -> memref<128x128xf32, #tpu.memory_space<vmem_shared>>
      %dma_start3A_74 = arith.constant 0 : i32
      %dma_start3A_75 = tpu.memref_slice %arg9[%add3A_21, %dma_start3A_74] : memref<10240x128xf32, #tpu.memory_space<vmem_shared>> -> memref<128x128xf32, #tpu.memory_space<vmem_shared>>
      tpu.enqueue_dma source(%arg8 : memref<128x128xf32, #tpu.memory_space<vmem>>) target(%dma_start3A_75 : memref<128x128xf32, #tpu.memory_space<vmem_shared>>) target_semaphore(%run_scoped3A : memref<!tpu.dma_semaphore, #tpu.memory_space<semaphore_mem>>)
      %dma_wait3A = arith.constant 0 : i32
      %dma_wait3A_76 = tpu.memref_slice %arg9[%add3A_21, %dma_wait3A] : memref<10240x128xf32, #tpu.memory_space<vmem_shared>> -> memref<128x128xf32, #tpu.memory_space<vmem_shared>>
      %dma_wait3A_77 = arith.constant 0 : i32
      %dma_wait3A_78 = tpu.memref_slice %arg9[%add3A_21, %dma_wait3A_77] : memref<10240x128xf32, #tpu.memory_space<vmem_shared>> -> memref<128x128xf32, #tpu.memory_space<vmem_shared>>
      tpu.wait_dma2 semaphore(%run_scoped3A : memref<!tpu.dma_semaphore, #tpu.memory_space<semaphore_mem>>) src(%arg8 : memref<128x128xf32, #tpu.memory_space<vmem>>) dst(%dma_wait3A_78 : memref<128x128xf32, #tpu.memory_space<vmem_shared>>)
      tpu.yield
    }) : () -> ()
    %mul3A_22 = arith.constant 640 : i32
    %mul3A_23 = arith.muli %arg1, %mul3A_22 : i32
    %add3A_24 = arith.constant 512 : i32
    %add3A_25 = arith.addi %mul3A_23, %add3A_24 : i32
    "tpu.region"() ({
      %run_scoped3A = tpu.sem_alloc : memref<!tpu.dma_semaphore, #tpu.memory_space<semaphore_mem>>
      %dma_start3A = arith.constant 0 : i32
      %dma_start3A_73 = tpu.memref_slice %arg9[%add3A_25, %dma_start3A] : memref<10240x128xf32, #tpu.memory_space<vmem_shared>> -> memref<128x128xf32, #tpu.memory_space<vmem_shared>>
      %dma_start3A_74 = arith.constant 0 : i32
      %dma_start3A_75 = tpu.memref_slice %arg9[%add3A_25, %dma_start3A_74] : memref<10240x128xf32, #tpu.memory_space<vmem_shared>> -> memref<128x128xf32, #tpu.memory_space<vmem_shared>>
      tpu.enqueue_dma source(%arg8 : memref<128x128xf32, #tpu.memory_space<vmem>>) target(%dma_start3A_75 : memref<128x128xf32, #tpu.memory_space<vmem_shared>>) target_semaphore(%run_scoped3A : memref<!tpu.dma_semaphore, #tpu.memory_space<semaphore_mem>>)
      %dma_wait3A = arith.constant 0 : i32
      %dma_wait3A_76 = tpu.memref_slice %arg9[%add3A_25, %dma_wait3A] : memref<10240x128xf32, #tpu.memory_space<vmem_shared>> -> memref<128x128xf32, #tpu.memory_space<vmem_shared>>
      %dma_wait3A_77 = arith.constant 0 : i32
      %dma_wait3A_78 = tpu.memref_slice %arg9[%add3A_25, %dma_wait3A_77] : memref<10240x128xf32, #tpu.memory_space<vmem_shared>> -> memref<128x128xf32, #tpu.memory_space<vmem_shared>>
      tpu.wait_dma2 semaphore(%run_scoped3A : memref<!tpu.dma_semaphore, #tpu.memory_space<semaphore_mem>>) src(%arg8 : memref<128x128xf32, #tpu.memory_space<vmem>>) dst(%dma_wait3A_78 : memref<128x128xf32, #tpu.memory_space<vmem_shared>>)
      tpu.yield
    }) : () -> ()
    %barrier3A = arith.constant 0 : index
    tpu.barrier barrier_id(%barrier3A)
    "tpu.region"() ({
      %run_scoped3A = tpu.sem_alloc : memref<!tpu.dma_semaphore, #tpu.memory_space<semaphore_mem>>
      %dma_start3A = arith.constant 0 : i32
      %dma_start3A_73 = arith.constant 0 : i32
      %dma_start3A_74 = tpu.memref_slice %arg3[%add3A, %dma_start3A, %dma_start3A_73] : memref<32x118x128xi32, #tpu.memory_space<hbm>> -> memref<1x118x128xi32, #tpu.memory_space<hbm>>
      %dma_start3A_75 = tpu.memref_squeeze %dma_start3A_74 : memref<1x118x128xi32, #tpu.memory_space<hbm>> -> memref<118x128xi32, #tpu.memory_space<hbm>>
      %dma_start3A_76 = arith.constant 0 : i32
      %dma_start3A_77 = arith.constant 0 : i32
      %dma_start3A_78 = tpu.memref_slice %arg3[%add3A, %dma_start3A_76, %dma_start3A_77] : memref<32x118x128xi32, #tpu.memory_space<hbm>> -> memref<1x118x128xi32, #tpu.memory_space<hbm>>
      %dma_start3A_79 = tpu.memref_squeeze %dma_start3A_78 : memref<1x118x128xi32, #tpu.memory_space<hbm>> -> memref<118x128xi32, #tpu.memory_space<hbm>>
      tpu.enqueue_dma source(%dma_start3A_79 : memref<118x128xi32, #tpu.memory_space<hbm>>) target(%arg6 : memref<118x128xi32, #tpu.memory_space<vmem>>) target_semaphore(%run_scoped3A : memref<!tpu.dma_semaphore, #tpu.memory_space<semaphore_mem>>)
      %dma_wait3A = arith.constant 0 : i32
      %dma_wait3A_80 = arith.constant 0 : i32
      %dma_wait3A_81 = tpu.memref_slice %arg3[%add3A, %dma_wait3A, %dma_wait3A_80] : memref<32x118x128xi32, #tpu.memory_space<hbm>> -> memref<1x118x128xi32, #tpu.memory_space<hbm>>
      %dma_wait3A_82 = tpu.memref_squeeze %dma_wait3A_81 : memref<1x118x128xi32, #tpu.memory_space<hbm>> -> memref<118x128xi32, #tpu.memory_space<hbm>>
      %dma_wait3A_83 = arith.constant 0 : i32
      %dma_wait3A_84 = arith.constant 0 : i32
      %dma_wait3A_85 = tpu.memref_slice %arg3[%add3A, %dma_wait3A_83, %dma_wait3A_84] : memref<32x118x128xi32, #tpu.memory_space<hbm>> -> memref<1x118x128xi32, #tpu.memory_space<hbm>>
      %dma_wait3A_86 = tpu.memref_squeeze %dma_wait3A_85 : memref<1x118x128xi32, #tpu.memory_space<hbm>> -> memref<118x128xi32, #tpu.memory_space<hbm>>
      tpu.wait_dma2 semaphore(%run_scoped3A : memref<!tpu.dma_semaphore, #tpu.memory_space<semaphore_mem>>) src(%dma_wait3A_86 : memref<118x128xi32, #tpu.memory_space<hbm>>) dst(%arg6 : memref<118x128xi32, #tpu.memory_space<vmem>>)
      tpu.yield
    }) : () -> ()
    "tpu.region"() ({
      %run_scoped3A = tpu.sem_alloc : memref<!tpu.dma_semaphore, #tpu.memory_space<semaphore_mem>>
      %dma_start3A = arith.constant 0 : i32
      %dma_start3A_73 = arith.constant 0 : i32
      %dma_start3A_74 = tpu.memref_slice %arg4[%add3A, %dma_start3A, %dma_start3A_73] : memref<32x118x128xi32, #tpu.memory_space<hbm>> -> memref<1x118x128xi32, #tpu.memory_space<hbm>>
      %dma_start3A_75 = tpu.memref_squeeze %dma_start3A_74 : memref<1x118x128xi32, #tpu.memory_space<hbm>> -> memref<118x128xi32, #tpu.memory_space<hbm>>
      %dma_start3A_76 = arith.constant 0 : i32
      %dma_start3A_77 = arith.constant 0 : i32
      %dma_start3A_78 = tpu.memref_slice %arg4[%add3A, %dma_start3A_76, %dma_start3A_77] : memref<32x118x128xi32, #tpu.memory_space<hbm>> -> memref<1x118x128xi32, #tpu.memory_space<hbm>>
      %dma_start3A_79 = tpu.memref_squeeze %dma_start3A_78 : memref<1x118x128xi32, #tpu.memory_space<hbm>> -> memref<118x128xi32, #tpu.memory_space<hbm>>
      tpu.enqueue_dma source(%dma_start3A_79 : memref<118x128xi32, #tpu.memory_space<hbm>>) target(%arg7 : memref<118x128xi32, #tpu.memory_space<vmem>>) target_semaphore(%run_scoped3A : memref<!tpu.dma_semaphore, #tpu.memory_space<semaphore_mem>>)
      %dma_wait3A = arith.constant 0 : i32
      %dma_wait3A_80 = arith.constant 0 : i32
      %dma_wait3A_81 = tpu.memref_slice %arg4[%add3A, %dma_wait3A, %dma_wait3A_80] : memref<32x118x128xi32, #tpu.memory_space<hbm>> -> memref<1x118x128xi32, #tpu.memory_space<hbm>>
      %dma_wait3A_82 = tpu.memref_squeeze %dma_wait3A_81 : memref<1x118x128xi32, #tpu.memory_space<hbm>> -> memref<118x128xi32, #tpu.memory_space<hbm>>
      %dma_wait3A_83 = arith.constant 0 : i32
      %dma_wait3A_84 = arith.constant 0 : i32
      %dma_wait3A_85 = tpu.memref_slice %arg4[%add3A, %dma_wait3A_83, %dma_wait3A_84] : memref<32x118x128xi32, #tpu.memory_space<hbm>> -> memref<1x118x128xi32, #tpu.memory_space<hbm>>
      %dma_wait3A_86 = tpu.memref_squeeze %dma_wait3A_85 : memref<1x118x128xi32, #tpu.memory_space<hbm>> -> memref<118x128xi32, #tpu.memory_space<hbm>>
      tpu.wait_dma2 semaphore(%run_scoped3A : memref<!tpu.dma_semaphore, #tpu.memory_space<semaphore_mem>>) src(%dma_wait3A_86 : memref<118x128xi32, #tpu.memory_space<hbm>>) dst(%arg7 : memref<118x128xi32, #tpu.memory_space<vmem>>)
      tpu.yield
    }) : () -> ()
    %eq3A = arith.constant 0 : i32
    %eq3A_26 = arith.cmpi eq, %arg0, %eq3A : i32
    %jit3A = arith.constant 118 : i32
    %jit3A_27 = arith.constant 40 : i32
    %select_n3A = arith.select %eq3A_26, %jit3A, %jit3A_27 : i32
    %while3A = arith.constant 0 : i32
    %while3A_28 = arith.constant 0 : i32
    %while3A_29 = arith.subi %select_n3A, %while3A_28 : i32
    %while3A_30 = arith.addi %while3A_28, %while3A_29 : i32
    %while3A_31 = arith.constant 1 : i32
    %while3A_32 = arith.divsi %while3A_29, %while3A_31 : i32
    %while3A_33 = arith.muli %while3A_32, %while3A_31 : i32
    %while3A_34 = arith.addi %while3A_28, %while3A_33 : i32
    %while3A_35 = arith.constant 1 : i32
    scf.for %while3A_73 = %while3A_28 to %while3A_34 step %while3A_35  : i32 {
      %dma_start3A = arith.constant 0 : i32
      %dma_start3A_74 = tpu.memref_slice %arg6[%while3A_73, %dma_start3A] : memref<118x128xi32, #tpu.memory_space<vmem>> -> memref<1x128xi32, #tpu.memory_space<vmem>>
      %dma_start3A_75 = tpu.memref_squeeze %dma_start3A_74 : memref<1x128xi32, #tpu.memory_space<vmem>> -> memref<128xi32, #tpu.memory_space<vmem>>
      %dma_start3A_76 = arith.constant 0 : i32
      %dma_start3A_77 = arith.constant 0 : i32
      %dma_start3A_78 = tpu.memref_slice %arg2[%dma_start3A_76, %dma_start3A_77] : memref<10000x128xf32, #tpu.memory_space<hbm>> -> memref<10000x128xf32, #tpu.memory_space<hbm>>
      tpu.enqueue_indirect_dma source(%dma_start3A_78 : memref<10000x128xf32, #tpu.memory_space<hbm>>) target(%arg8 : memref<128x128xf32, #tpu.memory_space<vmem>>) offsets(%dma_start3A_75 : memref<128xi32, #tpu.memory_space<vmem>>) semaphore(%arg10 : memref<!tpu.dma_semaphore, #tpu.memory_space<semaphore_mem>>)
      %dma_wait3A = arith.constant 0 : i32
      %dma_wait3A_79 = tpu.memref_slice %arg6[%while3A_73, %dma_wait3A] : memref<118x128xi32, #tpu.memory_space<vmem>> -> memref<1x128xi32, #tpu.memory_space<vmem>>
      %dma_wait3A_80 = tpu.memref_squeeze %dma_wait3A_79 : memref<1x128xi32, #tpu.memory_space<vmem>> -> memref<128xi32, #tpu.memory_space<vmem>>
      %dma_wait3A_81 = arith.constant 0 : i32
      %dma_wait3A_82 = arith.constant 0 : i32
      %dma_wait3A_83 = tpu.memref_slice %arg2[%dma_wait3A_81, %dma_wait3A_82] : memref<10000x128xf32, #tpu.memory_space<hbm>> -> memref<10000x128xf32, #tpu.memory_space<hbm>>
      tpu.wait_indirect_dma semaphore(%arg10 : memref<!tpu.dma_semaphore, #tpu.memory_space<semaphore_mem>>) src(%dma_wait3A_83 : memref<10000x128xf32, #tpu.memory_space<hbm>>) dst(%arg8 : memref<128x128xf32, #tpu.memory_space<vmem>>)
      "tpu.region"() ({
        %run_scoped3A = tpu.sem_alloc : memref<!tpu.dma_semaphore, #tpu.memory_space<semaphore_mem>>
        %dma_start3A_84 = arith.constant 0 : i32
        %dma_start3A_85 = tpu.memref_slice %arg7[%while3A_73, %dma_start3A_84] : memref<118x128xi32, #tpu.memory_space<vmem>> -> memref<1x128xi32, #tpu.memory_space<vmem>>
        %dma_start3A_86 = tpu.memref_squeeze %dma_start3A_85 : memref<1x128xi32, #tpu.memory_space<vmem>> -> memref<128xi32, #tpu.memory_space<vmem>>
        %dma_start3A_87 = arith.constant 0 : i32
        %dma_start3A_88 = arith.constant 0 : i32
        %dma_start3A_89 = tpu.memref_slice %arg9[%dma_start3A_87, %dma_start3A_88] : memref<10240x128xf32, #tpu.memory_space<vmem_shared>> -> memref<10240x128xf32, #tpu.memory_space<vmem_shared>>
        tpu.enqueue_indirect_dma source(%arg8 : memref<128x128xf32, #tpu.memory_space<vmem>>) target(%dma_start3A_89 : memref<10240x128xf32, #tpu.memory_space<vmem_shared>>) offsets(%dma_start3A_86 : memref<128xi32, #tpu.memory_space<vmem>>) semaphore(%run_scoped3A : memref<!tpu.dma_semaphore, #tpu.memory_space<semaphore_mem>>) {add = true}
        %dma_wait3A_90 = arith.constant 0 : i32
        %dma_wait3A_91 = tpu.memref_slice %arg7[%while3A_73, %dma_wait3A_90] : memref<118x128xi32, #tpu.memory_space<vmem>> -> memref<1x128xi32, #tpu.memory_space<vmem>>
        %dma_wait3A_92 = tpu.memref_squeeze %dma_wait3A_91 : memref<1x128xi32, #tpu.memory_space<vmem>> -> memref<128xi32, #tpu.memory_space<vmem>>
        %dma_wait3A_93 = arith.constant 0 : i32
        %dma_wait3A_94 = arith.constant 0 : i32
        %dma_wait3A_95 = tpu.memref_slice %arg9[%dma_wait3A_93, %dma_wait3A_94] : memref<10240x128xf32, #tpu.memory_space<vmem_shared>> -> memref<10240x128xf32, #tpu.memory_space<vmem_shared>>
        tpu.wait_indirect_dma semaphore(%run_scoped3A : memref<!tpu.dma_semaphore, #tpu.memory_space<semaphore_mem>>) src(%arg8 : memref<128x128xf32, #tpu.memory_space<vmem>>) dst(%dma_wait3A_95 : memref<10240x128xf32, #tpu.memory_space<vmem_shared>>)
        tpu.yield
      }) : () -> ()
    }
    %while3A_36 = arith.constant 1 : i32
    scf.for %while3A_73 = %while3A_34 to %while3A_30 step %while3A_36  : i32 {
      %dma_start3A = arith.constant 0 : i32
      %dma_start3A_74 = tpu.memref_slice %arg6[%while3A_73, %dma_start3A] : memref<118x128xi32, #tpu.memory_space<vmem>> -> memref<1x128xi32, #tpu.memory_space<vmem>>
      %dma_start3A_75 = tpu.memref_squeeze %dma_start3A_74 : memref<1x128xi32, #tpu.memory_space<vmem>> -> memref<128xi32, #tpu.memory_space<vmem>>
      %dma_start3A_76 = arith.constant 0 : i32
      %dma_start3A_77 = arith.constant 0 : i32
      %dma_start3A_78 = tpu.memref_slice %arg2[%dma_start3A_76, %dma_start3A_77] : memref<10000x128xf32, #tpu.memory_space<hbm>> -> memref<10000x128xf32, #tpu.memory_space<hbm>>
      tpu.enqueue_indirect_dma source(%dma_start3A_78 : memref<10000x128xf32, #tpu.memory_space<hbm>>) target(%arg8 : memref<128x128xf32, #tpu.memory_space<vmem>>) offsets(%dma_start3A_75 : memref<128xi32, #tpu.memory_space<vmem>>) semaphore(%arg10 : memref<!tpu.dma_semaphore, #tpu.memory_space<semaphore_mem>>)
      %dma_wait3A = arith.constant 0 : i32
      %dma_wait3A_79 = tpu.memref_slice %arg6[%while3A_73, %dma_wait3A] : memref<118x128xi32, #tpu.memory_space<vmem>> -> memref<1x128xi32, #tpu.memory_space<vmem>>
      %dma_wait3A_80 = tpu.memref_squeeze %dma_wait3A_79 : memref<1x128xi32, #tpu.memory_space<vmem>> -> memref<128xi32, #tpu.memory_space<vmem>>
      %dma_wait3A_81 = arith.constant 0 : i32
      %dma_wait3A_82 = arith.constant 0 : i32
      %dma_wait3A_83 = tpu.memref_slice %arg2[%dma_wait3A_81, %dma_wait3A_82] : memref<10000x128xf32, #tpu.memory_space<hbm>> -> memref<10000x128xf32, #tpu.memory_space<hbm>>
      tpu.wait_indirect_dma semaphore(%arg10 : memref<!tpu.dma_semaphore, #tpu.memory_space<semaphore_mem>>) src(%dma_wait3A_83 : memref<10000x128xf32, #tpu.memory_space<hbm>>) dst(%arg8 : memref<128x128xf32, #tpu.memory_space<vmem>>)
      "tpu.region"() ({
        %run_scoped3A = tpu.sem_alloc : memref<!tpu.dma_semaphore, #tpu.memory_space<semaphore_mem>>
        %dma_start3A_84 = arith.constant 0 : i32
        %dma_start3A_85 = tpu.memref_slice %arg7[%while3A_73, %dma_start3A_84] : memref<118x128xi32, #tpu.memory_space<vmem>> -> memref<1x128xi32, #tpu.memory_space<vmem>>
        %dma_start3A_86 = tpu.memref_squeeze %dma_start3A_85 : memref<1x128xi32, #tpu.memory_space<vmem>> -> memref<128xi32, #tpu.memory_space<vmem>>
        %dma_start3A_87 = arith.constant 0 : i32
        %dma_start3A_88 = arith.constant 0 : i32
        %dma_start3A_89 = tpu.memref_slice %arg9[%dma_start3A_87, %dma_start3A_88] : memref<10240x128xf32, #tpu.memory_space<vmem_shared>> -> memref<10240x128xf32, #tpu.memory_space<vmem_shared>>
        tpu.enqueue_indirect_dma source(%arg8 : memref<128x128xf32, #tpu.memory_space<vmem>>) target(%dma_start3A_89 : memref<10240x128xf32, #tpu.memory_space<vmem_shared>>) offsets(%dma_start3A_86 : memref<128xi32, #tpu.memory_space<vmem>>) semaphore(%run_scoped3A : memref<!tpu.dma_semaphore, #tpu.memory_space<semaphore_mem>>) {add = true}
        %dma_wait3A_90 = arith.constant 0 : i32
        %dma_wait3A_91 = tpu.memref_slice %arg7[%while3A_73, %dma_wait3A_90] : memref<118x128xi32, #tpu.memory_space<vmem>> -> memref<1x128xi32, #tpu.memory_space<vmem>>
        %dma_wait3A_92 = tpu.memref_squeeze %dma_wait3A_91 : memref<1x128xi32, #tpu.memory_space<vmem>> -> memref<128xi32, #tpu.memory_space<vmem>>
        %dma_wait3A_93 = arith.constant 0 : i32
        %dma_wait3A_94 = arith.constant 0 : i32
        %dma_wait3A_95 = tpu.memref_slice %arg9[%dma_wait3A_93, %dma_wait3A_94] : memref<10240x128xf32, #tpu.memory_space<vmem_shared>> -> memref<10240x128xf32, #tpu.memory_space<vmem_shared>>
        tpu.wait_indirect_dma semaphore(%run_scoped3A : memref<!tpu.dma_semaphore, #tpu.memory_space<semaphore_mem>>) src(%arg8 : memref<128x128xf32, #tpu.memory_space<vmem>>) dst(%dma_wait3A_95 : memref<10240x128xf32, #tpu.memory_space<vmem_shared>>)
        tpu.yield
      }) : () -> ()
    }
    %barrier3A_37 = arith.constant 0 : index
    tpu.barrier barrier_id(%barrier3A_37)
    %mul3A_38 = arith.constant 640 : i32
    %mul3A_39 = arith.muli %arg1, %mul3A_38 : i32
    %add3A_40 = arith.constant 0 : i32
    %add3A_41 = arith.addi %mul3A_39, %add3A_40 : i32
    "tpu.region"() ({
      %run_scoped3A = tpu.sem_alloc : memref<!tpu.dma_semaphore, #tpu.memory_space<semaphore_mem>>
      %dma_start3A = arith.constant 0 : i32
      %dma_start3A_73 = tpu.memref_slice %arg9[%add3A_41, %dma_start3A] : memref<10240x128xf32, #tpu.memory_space<vmem_shared>> -> memref<128x128xf32, #tpu.memory_space<vmem_shared>>
      %dma_start3A_74 = arith.constant 0 : i32
      %dma_start3A_75 = tpu.memref_slice %arg9[%add3A_41, %dma_start3A_74] : memref<10240x128xf32, #tpu.memory_space<vmem_shared>> -> memref<128x128xf32, #tpu.memory_space<vmem_shared>>
      tpu.enqueue_dma source(%dma_start3A_75 : memref<128x128xf32, #tpu.memory_space<vmem_shared>>) target(%arg8 : memref<128x128xf32, #tpu.memory_space<vmem>>) target_semaphore(%run_scoped3A : memref<!tpu.dma_semaphore, #tpu.memory_space<semaphore_mem>>)
      %dma_wait3A = arith.constant 0 : i32
      %dma_wait3A_76 = tpu.memref_slice %arg9[%add3A_41, %dma_wait3A] : memref<10240x128xf32, #tpu.memory_space<vmem_shared>> -> memref<128x128xf32, #tpu.memory_space<vmem_shared>>
      %dma_wait3A_77 = arith.constant 0 : i32
      %dma_wait3A_78 = tpu.memref_slice %arg9[%add3A_41, %dma_wait3A_77] : memref<10240x128xf32, #tpu.memory_space<vmem_shared>> -> memref<128x128xf32, #tpu.memory_space<vmem_shared>>
      tpu.wait_dma2 semaphore(%run_scoped3A : memref<!tpu.dma_semaphore, #tpu.memory_space<semaphore_mem>>) src(%dma_wait3A_78 : memref<128x128xf32, #tpu.memory_space<vmem_shared>>) dst(%arg8 : memref<128x128xf32, #tpu.memory_space<vmem>>)
      tpu.yield
    }) : () -> ()
    %mul3A_42 = arith.constant 10240 : i32
    %mul3A_43 = arith.muli %arg0, %mul3A_42 : i32
    %add3A_44 = arith.addi %mul3A_43, %add3A_41 : i32
    "tpu.region"() ({
      %run_scoped3A = tpu.sem_alloc : memref<!tpu.dma_semaphore, #tpu.memory_space<semaphore_mem>>
      %dma_start3A = arith.constant 0 : i32
      %dma_start3A_73 = tpu.memref_slice %arg5[%add3A_44, %dma_start3A] : memref<20480x128xf32, #tpu.memory_space<hbm>> -> memref<128x128xf32, #tpu.memory_space<hbm>>
      %dma_start3A_74 = arith.constant 0 : i32
      %dma_start3A_75 = tpu.memref_slice %arg5[%add3A_44, %dma_start3A_74] : memref<20480x128xf32, #tpu.memory_space<hbm>> -> memref<128x128xf32, #tpu.memory_space<hbm>>
      tpu.enqueue_dma source(%arg8 : memref<128x128xf32, #tpu.memory_space<vmem>>) target(%dma_start3A_75 : memref<128x128xf32, #tpu.memory_space<hbm>>) target_semaphore(%run_scoped3A : memref<!tpu.dma_semaphore, #tpu.memory_space<semaphore_mem>>)
      %dma_wait3A = arith.constant 0 : i32
      %dma_wait3A_76 = tpu.memref_slice %arg5[%add3A_44, %dma_wait3A] : memref<20480x128xf32, #tpu.memory_space<hbm>> -> memref<128x128xf32, #tpu.memory_space<hbm>>
      %dma_wait3A_77 = arith.constant 0 : i32
      %dma_wait3A_78 = tpu.memref_slice %arg5[%add3A_44, %dma_wait3A_77] : memref<20480x128xf32, #tpu.memory_space<hbm>> -> memref<128x128xf32, #tpu.memory_space<hbm>>
      tpu.wait_dma2 semaphore(%run_scoped3A : memref<!tpu.dma_semaphore, #tpu.memory_space<semaphore_mem>>) src(%arg8 : memref<128x128xf32, #tpu.memory_space<vmem>>) dst(%dma_wait3A_78 : memref<128x128xf32, #tpu.memory_space<hbm>>)
      tpu.yield
    }) : () -> ()
    %mul3A_45 = arith.constant 640 : i32
    %mul3A_46 = arith.muli %arg1, %mul3A_45 : i32
    %add3A_47 = arith.constant 128 : i32
    %add3A_48 = arith.addi %mul3A_46, %add3A_47 : i32
    "tpu.region"() ({
      %run_scoped3A = tpu.sem_alloc : memref<!tpu.dma_semaphore, #tpu.memory_space<semaphore_mem>>
      %dma_start3A = arith.constant 0 : i32
      %dma_start3A_73 = tpu.memref_slice %arg9[%add3A_48, %dma_start3A] : memref<10240x128xf32, #tpu.memory_space<vmem_shared>> -> memref<128x128xf32, #tpu.memory_space<vmem_shared>>
      %dma_start3A_74 = arith.constant 0 : i32
      %dma_start3A_75 = tpu.memref_slice %arg9[%add3A_48, %dma_start3A_74] : memref<10240x128xf32, #tpu.memory_space<vmem_shared>> -> memref<128x128xf32, #tpu.memory_space<vmem_shared>>
      tpu.enqueue_dma source(%dma_start3A_75 : memref<128x128xf32, #tpu.memory_space<vmem_shared>>) target(%arg8 : memref<128x128xf32, #tpu.memory_space<vmem>>) target_semaphore(%run_scoped3A : memref<!tpu.dma_semaphore, #tpu.memory_space<semaphore_mem>>)
      %dma_wait3A = arith.constant 0 : i32
      %dma_wait3A_76 = tpu.memref_slice %arg9[%add3A_48, %dma_wait3A] : memref<10240x128xf32, #tpu.memory_space<vmem_shared>> -> memref<128x128xf32, #tpu.memory_space<vmem_shared>>
      %dma_wait3A_77 = arith.constant 0 : i32
      %dma_wait3A_78 = tpu.memref_slice %arg9[%add3A_48, %dma_wait3A_77] : memref<10240x128xf32, #tpu.memory_space<vmem_shared>> -> memref<128x128xf32, #tpu.memory_space<vmem_shared>>
      tpu.wait_dma2 semaphore(%run_scoped3A : memref<!tpu.dma_semaphore, #tpu.memory_space<semaphore_mem>>) src(%dma_wait3A_78 : memref<128x128xf32, #tpu.memory_space<vmem_shared>>) dst(%arg8 : memref<128x128xf32, #tpu.memory_space<vmem>>)
      tpu.yield
    }) : () -> ()
    %mul3A_49 = arith.constant 10240 : i32
    %mul3A_50 = arith.muli %arg0, %mul3A_49 : i32
    %add3A_51 = arith.addi %mul3A_50, %add3A_48 : i32
    "tpu.region"() ({
      %run_scoped3A = tpu.sem_alloc : memref<!tpu.dma_semaphore, #tpu.memory_space<semaphore_mem>>
      %dma_start3A = arith.constant 0 : i32
      %dma_start3A_73 = tpu.memref_slice %arg5[%add3A_51, %dma_start3A] : memref<20480x128xf32, #tpu.memory_space<hbm>> -> memref<128x128xf32, #tpu.memory_space<hbm>>
      %dma_start3A_74 = arith.constant 0 : i32
      %dma_start3A_75 = tpu.memref_slice %arg5[%add3A_51, %dma_start3A_74] : memref<20480x128xf32, #tpu.memory_space<hbm>> -> memref<128x128xf32, #tpu.memory_space<hbm>>
      tpu.enqueue_dma source(%arg8 : memref<128x128xf32, #tpu.memory_space<vmem>>) target(%dma_start3A_75 : memref<128x128xf32, #tpu.memory_space<hbm>>) target_semaphore(%run_scoped3A : memref<!tpu.dma_semaphore, #tpu.memory_space<semaphore_mem>>)
      %dma_wait3A = arith.constant 0 : i32
      %dma_wait3A_76 = tpu.memref_slice %arg5[%add3A_51, %dma_wait3A] : memref<20480x128xf32, #tpu.memory_space<hbm>> -> memref<128x128xf32, #tpu.memory_space<hbm>>
      %dma_wait3A_77 = arith.constant 0 : i32
      %dma_wait3A_78 = tpu.memref_slice %arg5[%add3A_51, %dma_wait3A_77] : memref<20480x128xf32, #tpu.memory_space<hbm>> -> memref<128x128xf32, #tpu.memory_space<hbm>>
      tpu.wait_dma2 semaphore(%run_scoped3A : memref<!tpu.dma_semaphore, #tpu.memory_space<semaphore_mem>>) src(%arg8 : memref<128x128xf32, #tpu.memory_space<vmem>>) dst(%dma_wait3A_78 : memref<128x128xf32, #tpu.memory_space<hbm>>)
      tpu.yield
    }) : () -> ()
    %mul3A_52 = arith.constant 640 : i32
    %mul3A_53 = arith.muli %arg1, %mul3A_52 : i32
    %add3A_54 = arith.constant 256 : i32
    %add3A_55 = arith.addi %mul3A_53, %add3A_54 : i32
    "tpu.region"() ({
      %run_scoped3A = tpu.sem_alloc : memref<!tpu.dma_semaphore, #tpu.memory_space<semaphore_mem>>
      %dma_start3A = arith.constant 0 : i32
      %dma_start3A_73 = tpu.memref_slice %arg9[%add3A_55, %dma_start3A] : memref<10240x128xf32, #tpu.memory_space<vmem_shared>> -> memref<128x128xf32, #tpu.memory_space<vmem_shared>>
      %dma_start3A_74 = arith.constant 0 : i32
      %dma_start3A_75 = tpu.memref_slice %arg9[%add3A_55, %dma_start3A_74] : memref<10240x128xf32, #tpu.memory_space<vmem_shared>> -> memref<128x128xf32, #tpu.memory_space<vmem_shared>>
      tpu.enqueue_dma source(%dma_start3A_75 : memref<128x128xf32, #tpu.memory_space<vmem_shared>>) target(%arg8 : memref<128x128xf32, #tpu.memory_space<vmem>>) target_semaphore(%run_scoped3A : memref<!tpu.dma_semaphore, #tpu.memory_space<semaphore_mem>>)
      %dma_wait3A = arith.constant 0 : i32
      %dma_wait3A_76 = tpu.memref_slice %arg9[%add3A_55, %dma_wait3A] : memref<10240x128xf32, #tpu.memory_space<vmem_shared>> -> memref<128x128xf32, #tpu.memory_space<vmem_shared>>
      %dma_wait3A_77 = arith.constant 0 : i32
      %dma_wait3A_78 = tpu.memref_slice %arg9[%add3A_55, %dma_wait3A_77] : memref<10240x128xf32, #tpu.memory_space<vmem_shared>> -> memref<128x128xf32, #tpu.memory_space<vmem_shared>>
      tpu.wait_dma2 semaphore(%run_scoped3A : memref<!tpu.dma_semaphore, #tpu.memory_space<semaphore_mem>>) src(%dma_wait3A_78 : memref<128x128xf32, #tpu.memory_space<vmem_shared>>) dst(%arg8 : memref<128x128xf32, #tpu.memory_space<vmem>>)
      tpu.yield
    }) : () -> ()
    %mul3A_56 = arith.constant 10240 : i32
    %mul3A_57 = arith.muli %arg0, %mul3A_56 : i32
    %add3A_58 = arith.addi %mul3A_57, %add3A_55 : i32
    "tpu.region"() ({
      %run_scoped3A = tpu.sem_alloc : memref<!tpu.dma_semaphore, #tpu.memory_space<semaphore_mem>>
      %dma_start3A = arith.constant 0 : i32
      %dma_start3A_73 = tpu.memref_slice %arg5[%add3A_58, %dma_start3A] : memref<20480x128xf32, #tpu.memory_space<hbm>> -> memref<128x128xf32, #tpu.memory_space<hbm>>
      %dma_start3A_74 = arith.constant 0 : i32
      %dma_start3A_75 = tpu.memref_slice %arg5[%add3A_58, %dma_start3A_74] : memref<20480x128xf32, #tpu.memory_space<hbm>> -> memref<128x128xf32, #tpu.memory_space<hbm>>
      tpu.enqueue_dma source(%arg8 : memref<128x128xf32, #tpu.memory_space<vmem>>) target(%dma_start3A_75 : memref<128x128xf32, #tpu.memory_space<hbm>>) target_semaphore(%run_scoped3A : memref<!tpu.dma_semaphore, #tpu.memory_space<semaphore_mem>>)
      %dma_wait3A = arith.constant 0 : i32
      %dma_wait3A_76 = tpu.memref_slice %arg5[%add3A_58, %dma_wait3A] : memref<20480x128xf32, #tpu.memory_space<hbm>> -> memref<128x128xf32, #tpu.memory_space<hbm>>
      %dma_wait3A_77 = arith.constant 0 : i32
      %dma_wait3A_78 = tpu.memref_slice %arg5[%add3A_58, %dma_wait3A_77] : memref<20480x128xf32, #tpu.memory_space<hbm>> -> memref<128x128xf32, #tpu.memory_space<hbm>>
      tpu.wait_dma2 semaphore(%run_scoped3A : memref<!tpu.dma_semaphore, #tpu.memory_space<semaphore_mem>>) src(%arg8 : memref<128x128xf32, #tpu.memory_space<vmem>>) dst(%dma_wait3A_78 : memref<128x128xf32, #tpu.memory_space<hbm>>)
      tpu.yield
    }) : () -> ()
    %mul3A_59 = arith.constant 640 : i32
    %mul3A_60 = arith.muli %arg1, %mul3A_59 : i32
    %add3A_61 = arith.constant 384 : i32
    %add3A_62 = arith.addi %mul3A_60, %add3A_61 : i32
    "tpu.region"() ({
      %run_scoped3A = tpu.sem_alloc : memref<!tpu.dma_semaphore, #tpu.memory_space<semaphore_mem>>
      %dma_start3A = arith.constant 0 : i32
      %dma_start3A_73 = tpu.memref_slice %arg9[%add3A_62, %dma_start3A] : memref<10240x128xf32, #tpu.memory_space<vmem_shared>> -> memref<128x128xf32, #tpu.memory_space<vmem_shared>>
      %dma_start3A_74 = arith.constant 0 : i32
      %dma_start3A_75 = tpu.memref_slice %arg9[%add3A_62, %dma_start3A_74] : memref<10240x128xf32, #tpu.memory_space<vmem_shared>> -> memref<128x128xf32, #tpu.memory_space<vmem_shared>>
      tpu.enqueue_dma source(%dma_start3A_75 : memref<128x128xf32, #tpu.memory_space<vmem_shared>>) target(%arg8 : memref<128x128xf32, #tpu.memory_space<vmem>>) target_semaphore(%run_scoped3A : memref<!tpu.dma_semaphore, #tpu.memory_space<semaphore_mem>>)
      %dma_wait3A = arith.constant 0 : i32
      %dma_wait3A_76 = tpu.memref_slice %arg9[%add3A_62, %dma_wait3A] : memref<10240x128xf32, #tpu.memory_space<vmem_shared>> -> memref<128x128xf32, #tpu.memory_space<vmem_shared>>
      %dma_wait3A_77 = arith.constant 0 : i32
      %dma_wait3A_78 = tpu.memref_slice %arg9[%add3A_62, %dma_wait3A_77] : memref<10240x128xf32, #tpu.memory_space<vmem_shared>> -> memref<128x128xf32, #tpu.memory_space<vmem_shared>>
      tpu.wait_dma2 semaphore(%run_scoped3A : memref<!tpu.dma_semaphore, #tpu.memory_space<semaphore_mem>>) src(%dma_wait3A_78 : memref<128x128xf32, #tpu.memory_space<vmem_shared>>) dst(%arg8 : memref<128x128xf32, #tpu.memory_space<vmem>>)
      tpu.yield
    }) : () -> ()
    %mul3A_63 = arith.constant 10240 : i32
    %mul3A_64 = arith.muli %arg0, %mul3A_63 : i32
    %add3A_65 = arith.addi %mul3A_64, %add3A_62 : i32
    "tpu.region"() ({
      %run_scoped3A = tpu.sem_alloc : memref<!tpu.dma_semaphore, #tpu.memory_space<semaphore_mem>>
      %dma_start3A = arith.constant 0 : i32
      %dma_start3A_73 = tpu.memref_slice %arg5[%add3A_65, %dma_start3A] : memref<20480x128xf32, #tpu.memory_space<hbm>> -> memref<128x128xf32, #tpu.memory_space<hbm>>
      %dma_start3A_74 = arith.constant 0 : i32
      %dma_start3A_75 = tpu.memref_slice %arg5[%add3A_65, %dma_start3A_74] : memref<20480x128xf32, #tpu.memory_space<hbm>> -> memref<128x128xf32, #tpu.memory_space<hbm>>
      tpu.enqueue_dma source(%arg8 : memref<128x128xf32, #tpu.memory_space<vmem>>) target(%dma_start3A_75 : memref<128x128xf32, #tpu.memory_space<hbm>>) target_semaphore(%run_scoped3A : memref<!tpu.dma_semaphore, #tpu.memory_space<semaphore_mem>>)
      %dma_wait3A = arith.constant 0 : i32
      %dma_wait3A_76 = tpu.memref_slice %arg5[%add3A_65, %dma_wait3A] : memref<20480x128xf32, #tpu.memory_space<hbm>> -> memref<128x128xf32, #tpu.memory_space<hbm>>
      %dma_wait3A_77 = arith.constant 0 : i32
      %dma_wait3A_78 = tpu.memref_slice %arg5[%add3A_65, %dma_wait3A_77] : memref<20480x128xf32, #tpu.memory_space<hbm>> -> memref<128x128xf32, #tpu.memory_space<hbm>>
      tpu.wait_dma2 semaphore(%run_scoped3A : memref<!tpu.dma_semaphore, #tpu.memory_space<semaphore_mem>>) src(%arg8 : memref<128x128xf32, #tpu.memory_space<vmem>>) dst(%dma_wait3A_78 : memref<128x128xf32, #tpu.memory_space<hbm>>)
      tpu.yield
    }) : () -> ()
    %mul3A_66 = arith.constant 640 : i32
    %mul3A_67 = arith.muli %arg1, %mul3A_66 : i32
    %add3A_68 = arith.constant 512 : i32
    %add3A_69 = arith.addi %mul3A_67, %add3A_68 : i32
    "tpu.region"() ({
      %run_scoped3A = tpu.sem_alloc : memref<!tpu.dma_semaphore, #tpu.memory_space<semaphore_mem>>
      %dma_start3A = arith.constant 0 : i32
      %dma_start3A_73 = tpu.memref_slice %arg9[%add3A_69, %dma_start3A] : memref<10240x128xf32, #tpu.memory_space<vmem_shared>> -> memref<128x128xf32, #tpu.memory_space<vmem_shared>>
      %dma_start3A_74 = arith.constant 0 : i32
      %dma_start3A_75 = tpu.memref_slice %arg9[%add3A_69, %dma_start3A_74] : memref<10240x128xf32, #tpu.memory_space<vmem_shared>> -> memref<128x128xf32, #tpu.memory_space<vmem_shared>>
      tpu.enqueue_dma source(%dma_start3A_75 : memref<128x128xf32, #tpu.memory_space<vmem_shared>>) target(%arg8 : memref<128x128xf32, #tpu.memory_space<vmem>>) target_semaphore(%run_scoped3A : memref<!tpu.dma_semaphore, #tpu.memory_space<semaphore_mem>>)
      %dma_wait3A = arith.constant 0 : i32
      %dma_wait3A_76 = tpu.memref_slice %arg9[%add3A_69, %dma_wait3A] : memref<10240x128xf32, #tpu.memory_space<vmem_shared>> -> memref<128x128xf32, #tpu.memory_space<vmem_shared>>
      %dma_wait3A_77 = arith.constant 0 : i32
      %dma_wait3A_78 = tpu.memref_slice %arg9[%add3A_69, %dma_wait3A_77] : memref<10240x128xf32, #tpu.memory_space<vmem_shared>> -> memref<128x128xf32, #tpu.memory_space<vmem_shared>>
      tpu.wait_dma2 semaphore(%run_scoped3A : memref<!tpu.dma_semaphore, #tpu.memory_space<semaphore_mem>>) src(%dma_wait3A_78 : memref<128x128xf32, #tpu.memory_space<vmem_shared>>) dst(%arg8 : memref<128x128xf32, #tpu.memory_space<vmem>>)
      tpu.yield
    }) : () -> ()
    %mul3A_70 = arith.constant 10240 : i32
    %mul3A_71 = arith.muli %arg0, %mul3A_70 : i32
    %add3A_72 = arith.addi %mul3A_71, %add3A_69 : i32
    "tpu.region"() ({
      %run_scoped3A = tpu.sem_alloc : memref<!tpu.dma_semaphore, #tpu.memory_space<semaphore_mem>>
      %dma_start3A = arith.constant 0 : i32
      %dma_start3A_73 = tpu.memref_slice %arg5[%add3A_72, %dma_start3A] : memref<20480x128xf32, #tpu.memory_space<hbm>> -> memref<128x128xf32, #tpu.memory_space<hbm>>
      %dma_start3A_74 = arith.constant 0 : i32
      %dma_start3A_75 = tpu.memref_slice %arg5[%add3A_72, %dma_start3A_74] : memref<20480x128xf32, #tpu.memory_space<hbm>> -> memref<128x128xf32, #tpu.memory_space<hbm>>
      tpu.enqueue_dma source(%arg8 : memref<128x128xf32, #tpu.memory_space<vmem>>) target(%dma_start3A_75 : memref<128x128xf32, #tpu.memory_space<hbm>>) target_semaphore(%run_scoped3A : memref<!tpu.dma_semaphore, #tpu.memory_space<semaphore_mem>>)
      %dma_wait3A = arith.constant 0 : i32
      %dma_wait3A_76 = tpu.memref_slice %arg5[%add3A_72, %dma_wait3A] : memref<20480x128xf32, #tpu.memory_space<hbm>> -> memref<128x128xf32, #tpu.memory_space<hbm>>
      %dma_wait3A_77 = arith.constant 0 : i32
      %dma_wait3A_78 = tpu.memref_slice %arg5[%add3A_72, %dma_wait3A_77] : memref<20480x128xf32, #tpu.memory_space<hbm>> -> memref<128x128xf32, #tpu.memory_space<hbm>>
      tpu.wait_dma2 semaphore(%run_scoped3A : memref<!tpu.dma_semaphore, #tpu.memory_space<semaphore_mem>>) src(%arg8 : memref<128x128xf32, #tpu.memory_space<vmem>>) dst(%dma_wait3A_78 : memref<128x128xf32, #tpu.memory_space<hbm>>)
      tpu.yield
    }) : () -> ()
    return
  }
}

module attributes {stable_mosaic.version = 14 : i64} {
  func.func @_dis_body(%arg0: memref<20480x128xf32, #tpu.memory_space<vmem>>, %arg1: memref<10240x128xf32, #tpu.memory_space<vmem>>) attributes {dimension_semantics = [], scalar_prefetch = 0 : i64, scratch_operands = 0 : i64, tpu.core_type = #tpu.core_type<tc>} {
    %get3A = arith.constant 0 : index
    %get3A_0 = arith.constant 0 : index
    %get3A_1 = vector.load %arg0[%get3A, %get3A_0] : memref<20480x128xf32, #tpu.memory_space<vmem>>, vector<10240x128xf32>
    %get3A_2 = arith.constant 10240 : index
    %get3A_3 = arith.constant 0 : index
    %get3A_4 = vector.load %arg0[%get3A_2, %get3A_3] : memref<20480x128xf32, #tpu.memory_space<vmem>>, vector<10240x128xf32>
    %add3A = arith.addf %get3A_1, %get3A_4 : vector<10240x128xf32>
    %add3A_5 = arith.constant 1.000000e+00 : f32
    %add3A_6 = vector.broadcast %add3A_5 : f32 to vector<10240x128xf32>
    %add3A_7 = arith.addf %add3A, %add3A_6 : vector<10240x128xf32>
    %rsqrt3A = math.rsqrt %add3A_7 : vector<10240x128xf32>
    %swap3A = arith.constant 0 : index
    %swap3A_8 = arith.constant 0 : index
    %swap3A_9 = vector.load %arg1[%swap3A, %swap3A_8] : memref<10240x128xf32, #tpu.memory_space<vmem>>, vector<10240x128xf32>
    tpu.vector_store %arg1[%swap3A, %swap3A_8], %rsqrt3A {strides = array<i32>} : memref<10240x128xf32, #tpu.memory_space<vmem>>, vector<10240x128xf32>,
    return
  }
}

module attributes {stable_mosaic.version = 14 : i64} {
  func.func @_mm_scale_body(%arg0: i32, %arg1: memref<1000x128xf32, #tpu.memory_space<vmem>>, %arg2: memref<128x128xf32, #tpu.memory_space<vmem>>, %arg3: memref<1000x1xf32, #tpu.memory_space<vmem>>, %arg4: memref<1000x128xf32, #tpu.memory_space<vmem>>) attributes {dimension_semantics = [#tpu.dimension_semantics<arbitrary>], iteration_bounds = array<i64: 10>, scalar_prefetch = 0 : i64, scratch_operands = 0 : i64, tpu.core_type = #tpu.core_type<tc>, window_params = [{transform_indices = @transform_0, window_bounds = array<i64: 1000, 128>}, {pipeline_mode = #tpu.pipeline_mode<synchronous>, transform_indices = @transform_1, window_bounds = array<i64: 128, 128>}, {transform_indices = @transform_2, window_bounds = array<i64: 1000, 1>}, {transform_indices = @transform_3, window_bounds = array<i64: 1000, 128>}]} {
    %get3A = arith.constant 0 : index
    %get3A_0 = arith.constant 0 : index
    %get3A_1 = vector.load %arg1[%get3A, %get3A_0] : memref<1000x128xf32, #tpu.memory_space<vmem>>, vector<1000x128xf32>
    %get3A_2 = arith.constant 0 : index
    %get3A_3 = arith.constant 0 : index
    %get3A_4 = vector.load %arg2[%get3A_2, %get3A_3] : memref<128x128xf32, #tpu.memory_space<vmem>>, vector<128x128xf32>
    %dot_general3A = arith.constant dense<0.000000e+00> : vector<1000x128xf32>
    %dot_general3A_5 = tpu.matmul %get3A_1, %get3A_4, %dot_general3A {dimension_numbers = #tpu.dot_dimension_numbers<[1], [0], [0], [1], [0, 0, 1, 1], [], []>, transpose_lhs_hint = false} : vector<1000x128xf32>, vector<128x128xf32>, vector<1000x128xf32> -> vector<1000x128xf32>
    %get3A_6 = arith.constant 0 : index
    %get3A_7 = arith.constant 0 : index
    %get3A_8 = vector.load %arg3[%get3A_6, %get3A_7] : memref<1000x1xf32, #tpu.memory_space<vmem>>, vector<1000x1xf32>
    %mul3A = vector.broadcast %get3A_8 : vector<1000x1xf32> to vector<1000x128xf32>
    %mul3A_9 = arith.mulf %dot_general3A_5, %mul3A : vector<1000x128xf32>
    %swap3A = arith.constant 0 : index
    %swap3A_10 = arith.constant 0 : index
    %swap3A_11 = vector.load %arg4[%swap3A, %swap3A_10] : memref<1000x128xf32, #tpu.memory_space<vmem>>, vector<1000x128xf32>
    tpu.vector_store %arg4[%swap3A, %swap3A_10], %mul3A_9 {strides = array<i32>} : memref<1000x128xf32, #tpu.memory_space<vmem>>, vector<1000x128xf32>,
    return
  }
  func.func @transform_0(%arg0: i32) -> (i32, i32) {
    %c0_i32 = arith.constant 0 : i32
    %c0_i32_0 = arith.constant 0 : i32
    return %arg0, %c0_i32 : i32, i32
  }
  func.func @transform_1(%arg0: i32) -> (i32, i32) {
    %c0_i32 = arith.constant 0 : i32
    %c0_i32_0 = arith.constant 0 : i32
    %c0_i32_1 = arith.constant 0 : i32
    return %c0_i32, %c0_i32_0 : i32, i32
  }
  func.func @transform_2(%arg0: i32) -> (i32, i32) {
    %c0_i32 = arith.constant 0 : i32
    %c0_i32_0 = arith.constant 0 : i32
    return %arg0, %c0_i32 : i32, i32
  }
  func.func @transform_3(%arg0: i32) -> (i32, i32) {
    %c0_i32 = arith.constant 0 : i32
    %c0_i32_0 = arith.constant 0 : i32
    return %arg0, %c0_i32 : i32, i32
  }
}

module attributes {stable_mosaic.version = 14 : i64} {
  func.func @_mid_body(%arg0: i32, %arg1: memref<1000x128xf32, #tpu.memory_space<vmem>>, %arg2: memref<1000x128xf32, #tpu.memory_space<vmem>>, %arg3: memref<1000x128xf32, #tpu.memory_space<vmem>>, %arg4: memref<1000x1xf32, #tpu.memory_space<vmem>>, %arg5: memref<1x128xf32, #tpu.memory_space<vmem>>, %arg6: memref<128x128xf32, #tpu.memory_space<vmem>>, %arg7: memref<1000x128xf32, #tpu.memory_space<vmem>>) attributes {dimension_semantics = [#tpu.dimension_semantics<arbitrary>], iteration_bounds = array<i64: 10>, scalar_prefetch = 0 : i64, scratch_operands = 0 : i64, tpu.core_type = #tpu.core_type<tc>, window_params = [{transform_indices = @transform_0, window_bounds = array<i64: 1000, 128>}, {transform_indices = @transform_1, window_bounds = array<i64: 1000, 128>}, {transform_indices = @transform_2, window_bounds = array<i64: 1000, 128>}, {transform_indices = @transform_3, window_bounds = array<i64: 1000, 1>}, {pipeline_mode = #tpu.pipeline_mode<synchronous>, transform_indices = @transform_4, window_bounds = array<i64: 1, 128>}, {pipeline_mode = #tpu.pipeline_mode<synchronous>, transform_indices = @transform_5, window_bounds = array<i64: 128, 128>}, {transform_indices = @transform_6, window_bounds = array<i64: 1000, 128>}]} {
    %get3A = arith.constant 0 : index
    %get3A_0 = arith.constant 0 : index
    %get3A_1 = vector.load %arg4[%get3A, %get3A_0] : memref<1000x1xf32, #tpu.memory_space<vmem>>, vector<1000x1xf32>
    %get3A_2 = arith.constant 0 : index
    %get3A_3 = arith.constant 0 : index
    %get3A_4 = vector.load %arg1[%get3A_2, %get3A_3] : memref<1000x128xf32, #tpu.memory_space<vmem>>, vector<1000x128xf32>
    %get3A_5 = arith.constant 0 : index
    %get3A_6 = arith.constant 0 : index
    %get3A_7 = vector.load %arg2[%get3A_5, %get3A_6] : memref<1000x128xf32, #tpu.memory_space<vmem>>, vector<1000x128xf32>
    %add3A = arith.addf %get3A_4, %get3A_7 : vector<1000x128xf32>
    %get3A_8 = arith.constant 0 : index
    %get3A_9 = arith.constant 0 : index
    %get3A_10 = vector.load %arg3[%get3A_8, %get3A_9] : memref<1000x128xf32, #tpu.memory_space<vmem>>, vector<1000x128xf32>
    %add3A_11 = arith.addf %add3A, %get3A_10 : vector<1000x128xf32>
    %mul3A = vector.broadcast %get3A_1 : vector<1000x1xf32> to vector<1000x128xf32>
    %mul3A_12 = arith.mulf %add3A_11, %mul3A : vector<1000x128xf32>
    %get3A_13 = arith.constant 0 : index
    %get3A_14 = arith.constant 0 : index
    %get3A_15 = vector.load %arg5[%get3A_13, %get3A_14] : memref<1x128xf32, #tpu.memory_space<vmem>>, vector<1x128xf32>
    %add3A_16 = vector.broadcast %get3A_15 : vector<1x128xf32> to vector<1000x128xf32>
    %add3A_17 = arith.addf %mul3A_12, %add3A_16 : vector<1000x128xf32>
    %max3A = arith.constant 0.000000e+00 : f32
    %max3A_18 = vector.broadcast %max3A : f32 to vector<1000x128xf32>
    %max3A_19 = arith.maximumf %add3A_17, %max3A_18 : vector<1000x128xf32>
    %mul3A_20 = vector.broadcast %get3A_1 : vector<1000x1xf32> to vector<1000x128xf32>
    %mul3A_21 = arith.mulf %max3A_19, %mul3A_20 : vector<1000x128xf32>
    %get3A_22 = arith.constant 0 : index
    %get3A_23 = arith.constant 0 : index
    %get3A_24 = vector.load %arg6[%get3A_22, %get3A_23] : memref<128x128xf32, #tpu.memory_space<vmem>>, vector<128x128xf32>
    %dot_general3A = arith.constant dense<0.000000e+00> : vector<1000x128xf32>
    %dot_general3A_25 = tpu.matmul %mul3A_21, %get3A_24, %dot_general3A {dimension_numbers = #tpu.dot_dimension_numbers<[1], [0], [0], [1], [0, 0, 1, 1], [], []>, transpose_lhs_hint = false} : vector<1000x128xf32>, vector<128x128xf32>, vector<1000x128xf32> -> vector<1000x128xf32>
    %swap3A = arith.constant 0 : index
    %swap3A_26 = arith.constant 0 : index
    %swap3A_27 = vector.load %arg7[%swap3A, %swap3A_26] : memref<1000x128xf32, #tpu.memory_space<vmem>>, vector<1000x128xf32>
    tpu.vector_store %arg7[%swap3A, %swap3A_26], %dot_general3A_25 {strides = array<i32>} : memref<1000x128xf32, #tpu.memory_space<vmem>>, vector<1000x128xf32>,
    return
  }
  func.func @transform_0(%arg0: i32) -> (i32, i32) {
    %c0_i32 = arith.constant 0 : i32
    %c0_i32_0 = arith.constant 0 : i32
    return %arg0, %c0_i32 : i32, i32
  }
  func.func @transform_1(%arg0: i32) -> (i32, i32) {
    %c0_i32 = arith.constant 0 : i32
    %c0_i32_0 = arith.constant 0 : i32
    return %arg0, %c0_i32 : i32, i32
  }
  func.func @transform_2(%arg0: i32) -> (i32, i32) {
    %c0_i32 = arith.constant 0 : i32
    %c0_i32_0 = arith.constant 0 : i32
    return %arg0, %c0_i32 : i32, i32
  }
  func.func @transform_3(%arg0: i32) -> (i32, i32) {
    %c0_i32 = arith.constant 0 : i32
    %c0_i32_0 = arith.constant 0 : i32
    return %arg0, %c0_i32 : i32, i32
  }
  func.func @transform_4(%arg0: i32) -> (i32, i32) {
    %c0_i32 = arith.constant 0 : i32
    %c0_i32_0 = arith.constant 0 : i32
    %c0_i32_1 = arith.constant 0 : i32
    return %c0_i32, %c0_i32_0 : i32, i32
  }
  func.func @transform_5(%arg0: i32) -> (i32, i32) {
    %c0_i32 = arith.constant 0 : i32
    %c0_i32_0 = arith.constant 0 : i32
    %c0_i32_1 = arith.constant 0 : i32
    return %c0_i32, %c0_i32_0 : i32, i32
  }
  func.func @transform_6(%arg0: i32) -> (i32, i32) {
    %c0_i32 = arith.constant 0 : i32
    %c0_i32_0 = arith.constant 0 : i32
    return %arg0, %c0_i32 : i32, i32
  }
}

module attributes {stable_mosaic.version = 14 : i64} {
  func.func @_final_body(%arg0: i32, %arg1: memref<1000x128xf32, #tpu.memory_space<vmem>>, %arg2: memref<1000x128xf32, #tpu.memory_space<vmem>>, %arg3: memref<1000x128xf32, #tpu.memory_space<vmem>>, %arg4: memref<1000x1xf32, #tpu.memory_space<vmem>>, %arg5: memref<1x128xf32, #tpu.memory_space<vmem>>, %arg6: memref<1000x128xf32, #tpu.memory_space<vmem>>) attributes {dimension_semantics = [#tpu.dimension_semantics<arbitrary>], iteration_bounds = array<i64: 10>, scalar_prefetch = 0 : i64, scratch_operands = 0 : i64, tpu.core_type = #tpu.core_type<tc>, window_params = [{transform_indices = @transform_0, window_bounds = array<i64: 1000, 128>}, {transform_indices = @transform_1, window_bounds = array<i64: 1000, 128>}, {transform_indices = @transform_2, window_bounds = array<i64: 1000, 128>}, {transform_indices = @transform_3, window_bounds = array<i64: 1000, 1>}, {pipeline_mode = #tpu.pipeline_mode<synchronous>, transform_indices = @transform_4, window_bounds = array<i64: 1, 128>}, {transform_indices = @transform_5, window_bounds = array<i64: 1000, 128>}]} {
    %get3A = arith.constant 0 : index
    %get3A_0 = arith.constant 0 : index
    %get3A_1 = vector.load %arg1[%get3A, %get3A_0] : memref<1000x128xf32, #tpu.memory_space<vmem>>, vector<1000x128xf32>
    %get3A_2 = arith.constant 0 : index
    %get3A_3 = arith.constant 0 : index
    %get3A_4 = vector.load %arg2[%get3A_2, %get3A_3] : memref<1000x128xf32, #tpu.memory_space<vmem>>, vector<1000x128xf32>
    %add3A = arith.addf %get3A_1, %get3A_4 : vector<1000x128xf32>
    %get3A_5 = arith.constant 0 : index
    %get3A_6 = arith.constant 0 : index
    %get3A_7 = vector.load %arg3[%get3A_5, %get3A_6] : memref<1000x128xf32, #tpu.memory_space<vmem>>, vector<1000x128xf32>
    %add3A_8 = arith.addf %add3A, %get3A_7 : vector<1000x128xf32>
    %get3A_9 = arith.constant 0 : index
    %get3A_10 = arith.constant 0 : index
    %get3A_11 = vector.load %arg4[%get3A_9, %get3A_10] : memref<1000x1xf32, #tpu.memory_space<vmem>>, vector<1000x1xf32>
    %mul3A = vector.broadcast %get3A_11 : vector<1000x1xf32> to vector<1000x128xf32>
    %mul3A_12 = arith.mulf %add3A_8, %mul3A : vector<1000x128xf32>
    %get3A_13 = arith.constant 0 : index
    %get3A_14 = arith.constant 0 : index
    %get3A_15 = vector.load %arg5[%get3A_13, %get3A_14] : memref<1x128xf32, #tpu.memory_space<vmem>>, vector<1x128xf32>
    %add3A_16 = vector.broadcast %get3A_15 : vector<1x128xf32> to vector<1000x128xf32>
    %add3A_17 = arith.addf %mul3A_12, %add3A_16 : vector<1000x128xf32>
    %reduce_max3A = arith.constant dense<0xFF800000> : vector<1000xf32>
    %reduce_max3A_18 = vector.multi_reduction <maximumf>, %add3A_17, %reduce_max3A [1] : vector<1000x128xf32> to vector<1000xf32>
    %broadcast_in_dim3A = vector.shape_cast %reduce_max3A_18 : vector<1000xf32> to vector<1000x1xf32>
    %sub3A = vector.broadcast %broadcast_in_dim3A : vector<1000x1xf32> to vector<1000x128xf32>
    %sub3A_19 = arith.subf %add3A_17, %sub3A : vector<1000x128xf32>
    %exp3A = math.exp %sub3A_19 : vector<1000x128xf32>
    %reduce_sum3A = arith.constant dense<0.000000e+00> : vector<1000xf32>
    %reduce_sum3A_20 = vector.multi_reduction <add>, %exp3A, %reduce_sum3A [1] : vector<1000x128xf32> to vector<1000xf32>
    %broadcast_in_dim3A_21 = vector.shape_cast %reduce_sum3A_20 : vector<1000xf32> to vector<1000x1xf32>
    %log3A = math.log %broadcast_in_dim3A_21 : vector<1000x1xf32>
    %sub3A_22 = vector.broadcast %log3A : vector<1000x1xf32> to vector<1000x128xf32>
    %sub3A_23 = arith.subf %sub3A_19, %sub3A_22 : vector<1000x128xf32>
    %swap3A = arith.constant 0 : index
    %swap3A_24 = arith.constant 0 : index
    %swap3A_25 = vector.load %arg6[%swap3A, %swap3A_24] : memref<1000x128xf32, #tpu.memory_space<vmem>>, vector<1000x128xf32>
    tpu.vector_store %arg6[%swap3A, %swap3A_24], %sub3A_23 {strides = array<i32>} : memref<1000x128xf32, #tpu.memory_space<vmem>>, vector<1000x128xf32>,
    return
  }
  func.func @transform_0(%arg0: i32) -> (i32, i32) {
    %c0_i32 = arith.constant 0 : i32
    %c0_i32_0 = arith.constant 0 : i32
    return %arg0, %c0_i32 : i32, i32
  }
  func.func @transform_1(%arg0: i32) -> (i32, i32) {
    %c0_i32 = arith.constant 0 : i32
    %c0_i32_0 = arith.constant 0 : i32
    return %arg0, %c0_i32 : i32, i32
  }
  func.func @transform_2(%arg0: i32) -> (i32, i32) {
    %c0_i32 = arith.constant 0 : i32
    %c0_i32_0 = arith.constant 0 : i32
    return %arg0, %c0_i32 : i32, i32
  }
  func.func @transform_3(%arg0: i32) -> (i32, i32) {
    %c0_i32 = arith.constant 0 : i32
    %c0_i32_0 = arith.constant 0 : i32
    return %arg0, %c0_i32 : i32, i32
  }
  func.func @transform_4(%arg0: i32) -> (i32, i32) {
    %c0_i32 = arith.constant 0 : i32
    %c0_i32_0 = arith.constant 0 : i32
    %c0_i32_1 = arith.constant 0 : i32
    return %c0_i32, %c0_i32_0 : i32, i32
  }
  func.func @transform_5(%arg0: i32) -> (i32, i32) {
    %c0_i32 = arith.constant 0 : i32
    %c0_i32_0 = arith.constant 0 : i32
    return %arg0, %c0_i32 : i32, i32
  }
}

</mosaic_0001>

<sc_bundles>
// kernel: kernel.12.cloned.1.call-start
scs
__scs_entry_jumppad:
0x0: {  	(pc) =	sbr.rel $0x88, $3  }
0x1: {  	(tag) =	ssettag $0x0;
	lr =	simm.s32 $0x1  }
0x2: {  	[smem:$0x3F9B] =	sst lr;
	_ =	strace $0xD0000000  }
0x3: {  	_ = 	snop  }
0x4: {  	_ = 	snop  }
0x5: {  	_ = 	snop  }
0x6: {  	_ = 	snop  }
0x7: {  	_ = 	snop  }
__scs_overlays_trampoline_lowered:
0x8: {  	[smem:$0x3FAA] =	sst s0  }
0x9: {  	[smem:$0x3FAB] =	sst s1  }
0xa: {  	[smem:$0x3FAC] =	sst s2  }
0xb: {  	[smem:$0x3FAD] =	sst s3  }
0xc: {  	[smem:$0x3FAE] =	sst s4  }
0xd: {  	[smem:$0x3FAF] =	sst s5  }
0xe: {  	[smem:$0x3FB0] =	sst s6  }
0xf: {  	[smem:$0x3FB1] =	sst s7  }
0x10: {  	[smem:$0x3FB2] =	sst s8  }
0x11: {  	[smem:$0x3FB3] =	sst s9;
	s0 =	simm.s32 @!p0 $0x0  }
0x12: {  	s1 =	sld [smem:$0x3F99];
	s0 =	simm.s32 @p0 $0x1  }
0x13: {  	[smem:$0x3FB4] =	sst s0;
	s0 =	simm.s32 @!p1 $0x0  }
0x14: {  	s2 =	sld [smem:$0x3F98];
	s0 =	simm.s32 @p1 $0x1  }
0x15: {  	[smem:$0x3FB5] =	sst s0;
	s0 =	simm.s32 @!p2 $0x0  }
0x16: {  	s3 =	sld [smem:$0x3FDB];
	s0 =	simm.s32 @p2 $0x1  }
0x17: {  	s4 =	simm.s32 $0x1BF5;
	[smem:$0x3FB7] =	sst s0  }
0x18: {  	s0 =	sld [smem:$0x3F9A];
	_ =	swait.ge [sflag:s4], $0x0  }
0x19: {  	s7 =	sld [smem:$0x3F9B]  }
0x1a: {  	s8 =	sadd.s32 $0xFFFFE003, lr  }
0x1b: {  	s9 =	sadd.s32 $0xFFFFFEF7, lr;
	s5 =	simm.s32 $0xFFFFFFFF;
	p2 =	slt.u32 s8, $0xFFFFF086  }
0x1c: {  	p1 =	slt.u32 s9, $0xF7A;
	s5 =	simm.s32 @!p2 $0x0  }
0x1d: {  	s5 =	simm.s32 @p1 $0x1;
	p0 =	seq.s32 s7, s2  }
0x1e: {  	s7 =	smul.u32 @!p0 $0xF7A, s2;
	p2 =	seq.s32 @!p0 s5, $0x0  }
0x1f: {  	s9 =	smul.u32 $0xF7A, s1;
	s8 =	simm.s32 @!p0 $0x1BF5;
	p2 =	por !p2, p0  }
0x20: {  	[sflag:s8] =	ssyncset.s32 @!p0 $0xFFFFF086;
	s6 =	sadd.s32 @!p0 s3, s7;
	s7 =	simm.s32 @!p0 $0x108  }
0x21: {  	s3 =	sadd.s32 s3, s9;
	s6 =	sadd.s32 @!p0 $0x88, s6;
	s7 =	simm.s32 @p2 $0x1082  }
0x22: {  	[simem:s7], [sflag:s8] =	dma.local @!p0 [hbm:s6], $0xF7A  }
0x23: {  	s9 =	sor.u32 $0xD0000000, s2;
	s6 =	simm.s32 $0x108;
	_ =	swait.ge @!p0 [sflag:s8], $0x0  }
0x24: {  	s3 =	sadd.s32 $0x88, s3;
	s6 =	simm.s32 @!p1 $0x1082;
	[sflag:s4] =	ssyncset.s32 $0xFFFFF086  }
0x25: {  	[simem:s6], [sflag:s4] =	dma.local [hbm:s3], $0xF7A  }
0x26: {  	[smem:$0x3F9B] =	sst s1;
	(tag) =	ssettag s2;
	_ =	strace s9  }
0x27: {  	s1 =	sld [smem:$0x3FAB]  }
0x28: {  	s2 =	sld [smem:$0x3FAC]  }
0x29: {  	s4 =	sld [smem:$0x3FAE]  }
0x2a: {  	p0 =	seq.s32 s5, $0x0;
	s5 =	sld [smem:$0x3FAF]  }
0x2b: {  	s6 =	sld [smem:$0x3FB0]  }
0x2c: {  	s7 =	sld [smem:$0x3FB1]  }
0x2d: {  	s3 =	simm.s32 $0x108;
	s8 =	sld [smem:$0x3FB2]  }
0x2e: {  	s3 =	simm.s32 @!p0 $0x1082;
	s9 =	sld [smem:$0x3FB3]  }
0x2f: {  	lr =	sadd.s32 s0, s3;
	s0 =	sld [smem:$0x3FAA]  }
0x30: {  	s3 =	sld [smem:$0x3FAD]  }
0x31: {  	[smem:$0x3FB6] =	sst s10  }
0x32: {  	s10 =	sld [smem:$0x3FB4];
	_ =	sdelay $0x3  }
0x33: {  	p0 =	seq.s32 s10, $0x1;
	s10 =	sld [smem:$0x3FB6];
	_ =	sdelay $0x3  }
0x34: {  	[smem:$0x3FB6] =	sst s10  }
0x35: {  	s10 =	sld [smem:$0x3FB5];
	_ =	sdelay $0x3  }
0x36: {  	p1 =	seq.s32 s10, $0x1;
	s10 =	sld [smem:$0x3FB6];
	_ =	sdelay $0x3  }
0x37: {  	[smem:$0x3FB6] =	sst s10  }
0x38: {  	s10 =	sld [smem:$0x3FB7]  }
0x39: {  	_ = 	snop;
	(pc) =	sbr.ind lr, $3  }
0x3a: {  	_ = 	snop  }
0x3b: {  	_ = 	snop  }
0x3c: {  	p2 =	seq.s32 s10, $0x1;
	s10 =	sld [smem:$0x3FB6]  }
0x3d: {  	_ =	shalt  }
0x3e: {  	_ =	shalt  }
0x3f: {  	_ =	shalt  }
0x40: {  	_ =	shalt  }
0x41: {  	_ =	shalt  }
0x42: {  	_ =	shalt  }
0x43: {  	_ =	shalt  }
0x44: {  	_ =	shalt  }
0x45: {  	_ =	shalt  }
0x46: {  	_ =	shalt  }
0x47: {  	_ =	shalt  }
0x48: {  	_ =	shalt  }
0x49: {  	_ =	shalt  }
0x4a: {  	_ =	shalt  }
0x4b: {  	_ =	shalt  }
0x4c: {  	_ =	shalt  }
0x4d: {  	_ =	shalt  }
0x4e: {  	_ =	shalt  }
0x4f: {  	_ =	shalt  }
0x50: {  	_ =	shalt  }
0x51: {  	_ =	shalt  }
0x52: {  	_ =	shalt  }
0x53: {  	_ =	shalt  }
0x54: {  	_ =	shalt  }
0x55: {  	_ =	shalt  }
0x56: {  	_ =	shalt  }
0x57: {  	_ =	shalt  }
0x58: {  	_ =	shalt  }
0x59: {  	_ =	shalt  }
0x5a: {  	_ =	shalt  }
0x5b: {  	_ =	shalt  }
0x5c: {  	_ =	shalt  }
0x5d: {  	_ =	shalt  }
0x5e: {  	_ =	shalt  }
0x5f: {  	_ =	shalt  }
0x60: {  	_ =	shalt  }
0x61: {  	_ =	shalt  }
0x62: {  	_ =	shalt  }
0x63: {  	_ =	shalt  }
0x64: {  	_ =	shalt  }
0x65: {  	_ =	shalt  }
0x66: {  	_ =	shalt  }
0x67: {  	_ =	shalt  }
0x68: {  	_ =	shalt  }
0x69: {  	_ =	shalt  }
0x6a: {  	_ =	shalt  }
0x6b: {  	_ =	shalt  }
0x6c: {  	_ =	shalt  }
0x6d: {  	_ =	shalt  }
0x6e: {  	_ =	shalt  }
0x6f: {  	_ =	shalt  }
0x70: {  	_ =	shalt  }
0x71: {  	_ =	shalt  }
0x72: {  	_ =	shalt  }
0x73: {  	_ =	shalt  }
0x74: {  	_ =	shalt  }
0x75: {  	_ =	shalt  }
0x76: {  	_ =	shalt  }
0x77: {  	_ =	shalt  }
0x78: {  	_ =	shalt  }
0x79: {  	_ =	shalt  }
0x7a: {  	_ =	shalt  }
0x7b: {  	_ =	shalt  }
0x7c: {  	_ =	shalt  }
0x7d: {  	_ =	shalt  }
0x7e: {  	_ =	shalt  }
0x7f: {  	_ =	shalt  }
0x80: {  	_ =	shalt  }
0x81: {  	_ =	shalt  }
0x82: {  	_ =	shalt  }
0x83: {  	_ =	shalt  }
0x84: {  	_ =	shalt  }
0x85: {  	_ =	shalt  }
0x86: {  	_ =	shalt  }
0x87: {  	_ =	shalt  }
.Lfunc_end0:
.L_simem_size_0:
called_computation.1_lowered:
.L_overlay_start_0:
0x88: {  	s2 =	sld [smem:$0x3FD9]  }
0x89: {  	s3 =	sld [smem:$0x3FFE];
	_ =	sdelay $0x1  }
0x8a: {  	s1 =	srdreg.scid  }
0x8b: {  	s0 =	sand.u32 $0x1, s1  }
0x8c: {  	s17 =	sshll.u32 s0, $0xA;
	s2 =	sadd.s32 s3, s2  }
0x8d: {  	s2 =	sadd.s32 s2, s17  }
0x8e: {  	[smem:$0x3FC2] =	sst s2  }
0x8f: {  	_ = 	snop  }
0x90: {  	s2 =	sld [smem:$0x3FD0];
	(tm) =	ssettm $0x1  }
0x91: {  	s18 =	sld [smem:$0x3FFB];
	_ =	sdelay $0x3  }
0x92: {  	_ =	strace s18  }
0x93: {  	s3 =	sld [smem:$0x3FFC];
	_ =	sdelay $0x3  }
0x94: {  	_ =	strace s3  }
0x95: {  	s3 =	sld [smem:$0x3FFD];
	_ =	sdelay $0x3  }
0x96: {  	_ =	strace s3  }
0x97: {  	_ =	strace $0x8FFFFFFF  }
0x98: {  	s19 =	sld [smem:$0x3FDB];
	_ =	sdelay $0x1  }
0x99: {  	s4 =	simm.s32 $_scs_section_size  }
0x9a: {  	s5 =	simm.s32 $_size__tile_overlayer_lowered;
	s6 =	simm.s32 $_tile_overlayer_lowered  }
0x9b: {  	s22 =	simm.s32 $0x1BFF;
	s21 =	sshll.u32 s6, $0x1;
	s3 =	sadd.s32 s4, s19  }
0x9c: {  	s7 =	simm.s32 $0x0;
	s20 =	sshll.u32 s5, $0x1;
	s5 =	sadd.s32 s21, s3  }
0x9d: {  	[timem:s7], [sflag:s22] =	dma.local [hbm:s5], s20  }
0x9e: {  	_ =	swait.ge [sflag:s22], s20  }
0x9f: {  	s4 =	ssub.s32 $0x0, s20;
	[sflag:s22] =	ssyncset.done $0x0  }
0xa0: {  	[sflag:s22] =	ssyncadd.s32 s4;
	_ =	sdelay $0x1  }
0xa1: {  	s23 =	simm.s32 $0x1B8B  }
0xa2: {  	_ =	swait.ge [sflag:s23], $0x1  }
0xa3: {  	[sflag:s23] =	ssyncset.done $0x0  }
0xa4: {  	s25 =	simm.s32 $0x1B8E;
	s24 =	sld [smem:$0x3FFE];
	[sflag:s23] =	ssyncadd.s32 $0xFFFFFFFF  }
0xa5: {  	s26 =	simm.s32 $execute0_lowered;
	[smem:$0x3FD2] =	sst s25  }
0xa6: {  	s5 =	sshll.u32 s26, $0x1;
	_ =	strace $0x80000049;
	[dreg:$0x1] =	wrdreg $0xFFFFFFFF  }
0xa7: {  	s28 =	simm.s32 $_size_execute0_lowered;
	s3 =	sadd.s32 s3, s5;
	[dreg:$0x0] =	wrdreg $0x0  }
0xa8: {  	s5 =	sshll.u32 s28, $0x1;
	[dreg:$0x2] =	wrdreg s3  }
0xa9: {  	[dreg:$0x3] =	wrdreg s5  }
0xaa: {  	[dreg:$0x4] =	wrdreg $0xC0  }
0xab: {  	_ =	task [dreg:s7], $0x5FFFF  }
0xac: {  	[dreg:$0x1] =	wrdreg $0xFFFFFFFF  }
0xad: {  	[dreg:$0x0] =	wrdreg $0x60  }
0xae: {  	[dreg:$0x2] =	wrdreg s2  }
0xaf: {  	[dreg:$0x3] =	wrdreg s24  }
0xb0: {  	[dreg:$0x4] =	wrdreg $0xB8000  }
0xb1: {  	[dreg:$0x5] =	wrdreg $0x9  }
0xb2: {  	_ =	task.clear_ibuf [dreg:s7], $0x6FFFF;
	_ =	strace $0x90000049  }
0xb3: {  	s29 =	simm.s32 $0x9;
	_ =	strace $0x8000004B  }
0xb4: {  	_ =	swait.ge [sflag:s29], $0x1  }
0xb5: {  	[sflag:s29] =	ssyncadd.s32 $0xFFFFFFFF  }
0xb6: {  	_ =	strace $0x9000004B  }
0xb7: {  	_ =	sfence  }
0xb8: {  	s30 =	sld [smem:$0x0];
	_ =	sdelay $0x2  }
0xb9: {  	s31 =	sshll.u32 s1, $0xD;
	s1 =	sshrl.u32 s1, $0x2  }
0xba: {  	s3 =	sand.u32 $0x4000, s31;
	s1 =	sadd.s32 s1, s30  }
0xbb: {  	s0 =	sor.u32 s3, s0;
	s1 =	sshll.u32 s1, $0x11  }
0xbc: {  	s0 =	sor.u32 s1, s0  }
0xbd: {  	s0 =	sadd.s32 $0x8F2B, s0  }
0xbe: {  	[sflag:s0] =	ssyncadd.remote.s32 $0x1  }
0xbf: {  	_ =	sfence.sel $0xFFFF  }
0xc0: {  	[dreg:$0x0] =	wrdreg $0xFFFFFFFF;
	(pc) =	sbr.abs _section_cstart, $3  }
0xc1: {  	[dreg:$0x1] =	wrdreg $0xFFFFFFFF  }
0xc2: {  	_ =	task.clear_ibuf [dreg:s7], $0x2FFFF;
	_ =	strace $0x9FFFFFFF  }
0xc3: {  	(tm) =	ssettm $0x7FFFFFFF  }
tec
execute0_lowered:
.L_overlay_start_1:
0x0: {  	(tag) =	ssettag $0x1  }
0x1: {  	s1 =	rddreg [dreg:$0x0]  }
0x2: {  	s5 =	rddreg [dreg:$0x1]  }
0x3: {  	s0 =	srdreg.scid;
	s3 =	rddreg [dreg:$0x2]  }
0x4: {  	s4 =	simm.s32 $0x0;
	s21 =	simm.s32 $0x80;
	s22 =	simm.s32 $0x1  }
0x5: {  	s23 =	simm.s32 $0x0;
	s12 =	sand.u32 $0x1, s0;
	s0 =	stileid.u32  }
0x6: {  	[smem:$0x7FF] =	sst s4;
	s17 =	sadd.s32 $0x70E00, s5;
	s13 =	smul.u32 $0x280, s0  }
0x7: {  	s2 =	sshll.u32 s12, $0x4;
	s7 =	ssub.s32 $0x2, s12;
	s8 =	smul.u32 $0x50000, s0  }
0x8: {  	s20 =	smul.u32 $0x2800, s12;
	p0 =	seq.s32 s12, $0x0;
	s12 =	simm.s32 $0x76  }
0x9: {  	s6 =	sor.u32 s0, s2;
	s2 =	rddreg [dreg:$0x3];
	_ =	strace $0x8000004A  }
0xa: {  	s26 =	sshrl.u32 s7, $0x1;
	s12 =	simm.s32 @!p0 $0x28;
	s6 =	smul.u32 $0x780, s6  }
0xb: {  	s18 =	ssub.s32 s7, s26;
	s28 =	sshrl.u32 s8, $0x2;
	s14 =	sadd.s32 $0x80, s13  }
0xc: {  	s15 =	sadd.s32 $0x100, s13;
	s16 =	sadd.s32 $0x180, s13;
	s19 =	sadd.s32 $0x200, s13  }
0xd: {  	s13 =	sadd.s32 s13, s20;
	s29 =	sshll.u32 s14, $0x7;
	s30 =	sshll.u32 s15, $0x7  }
0xe: {  	s31 =	sshll.u32 s16, $0x7;
	s9 =	sshll.u32 s19, $0x7;
	s14 =	sadd.s32 s20, s14  }
0xf: {  	s13 =	sshll.u32 s13, $0x4;
	s15 =	sadd.s32 s20, s15;
	s16 =	sadd.s32 s20, s16  }
0x10: {  	s19 =	sadd.s32 s20, s19;
	s18 =	smax.u32 s18, $0x1;
	s20 =	simm.s32 $0x2  }
0x11: {  	s11 =	sadd.s32 s6, s5;
	s5 =	sadd.s32 s28, s3;
	s6 =	sadd.s32 s29, s3  }
0x12: {  	s7 =	sadd.s32 s30, s3;
	s8 =	sadd.s32 s31, s3;
	s9 =	sadd.s32 s9, s3  }
0x13: {  	s14 =	sshll.u32 s14, $0x4;
	s13 =	sadd.s32 s17, s13;
	s15 =	sshll.u32 s15, $0x4  }
0x14: {  	s16 =	sshll.u32 s16, $0x4;
	s19 =	sshll.u32 s19, $0x4;
	s10 =	sadd.s32 $0x61E00, s11  }
0x15: {  	s11 =	sadd.s32 $0x52E00, s11;
	s14 =	sadd.s32 s17, s14;
	s15 =	sadd.s32 s17, s15  }
0x16: {  	v0 =	vimm.f32 $0.0e+00;
	s16 =	sadd.s32 s17, s16;
	s17 =	sadd.s32 s17, s19;
	s19 =	simm.s32 $0x7800  }
.LBB2_1:
0x17: {  	s24 =	simm.s32 $0x0;
	s25 =	simm.s32 $0x200  }
.LBB2_2:
0x18: {  	p0 =	sne.s32 s25, $0xFE00;
	[tilespmem:s24+$0x7870] =	vst v0  }
0x19: {  	[tilespmem:s24+$0x7800] =	vst v0  }
0x1a: {  	[tilespmem:s24+$0x7810] =	vst v0  }
.Ltmp0:
0x1b: {  	[tilespmem:s24+$0x7820] =	vst v0;
	(pc) =	sbr.rel @p0 .LBB2_2-.Ltmp0, $4  }
0x1c: {  	[tilespmem:s24+$0x7830] =	vst v0  }
0x1d: {  	[tilespmem:s24+$0x7840] =	vst v0  }
0x1e: {  	[tilespmem:s24+$0x7850] =	vst v0  }
0x1f: {  	[tilespmem:s24+$0x7860] =	vst v0;
	s24 =	sshra.s32 s25, $0x2;
	s25 =	sadd.s32 $0x200, s25  }
0x20: {  	[tilespmem:s24+$0x7870] =	vst v0  }
0x21: {  	[tilespmem:s24+$0x7800] =	vst v0  }
0x22: {  	[tilespmem:s24+$0x7810] =	vst v0  }
0x23: {  	[tilespmem:s24+$0x7820] =	vst v0  }
0x24: {  	[tilespmem:s24+$0x7830] =	vst v0  }
0x25: {  	[tilespmem:s24+$0x7840] =	vst v0  }
0x26: {  	[tilespmem:s24+$0x7850] =	vst v0  }
0x27: {  	[tilespmem:s24+$0x7860] =	vst v0  }
0x28: {  	[spmem:s5] =	stream.linear.scatter [tilespmem:s19], [sflag:$0x2], $0x4000, $0x38;
	[tilespmem:$0x1F800] =	vst v63  }
0x29: {  	_ =	swait.ge [sflag:s20], $0x4000  }
0x2a: {  	[sflag:s20] =	ssyncset.done $0x0  }
0x2b: {  	[sflag:s20] =	ssyncadd.s32 $0xFFFFC000  }
0x2c: {  	[spmem:s6] =	stream.linear.scatter [tilespmem:s19], [sflag:$0x2], $0x4000, $0x38;
	[tilespmem:$0x1F800] =	vst v63  }
0x2d: {  	_ =	swait.ge [sflag:s20], $0x4000  }
0x2e: {  	[sflag:s20] =	ssyncset.done $0x0  }
0x2f: {  	[sflag:s20] =	ssyncadd.s32 $0xFFFFC000  }
0x30: {  	[spmem:s7] =	stream.linear.scatter [tilespmem:s19], [sflag:$0x2], $0x4000, $0x38;
	[tilespmem:$0x1F800] =	vst v63  }
0x31: {  	_ =	swait.ge [sflag:s20], $0x4000  }
0x32: {  	[sflag:s20] =	ssyncset.done $0x0  }
0x33: {  	[sflag:s20] =	ssyncadd.s32 $0xFFFFC000  }
0x34: {  	[spmem:s8] =	stream.linear.scatter [tilespmem:s19], [sflag:$0x2], $0x4000, $0x38;
	[tilespmem:$0x1F800] =	vst v63  }
0x35: {  	_ =	swait.ge [sflag:s20], $0x4000  }
0x36: {  	[sflag:s20] =	ssyncset.done $0x0  }
0x37: {  	[sflag:s20] =	ssyncadd.s32 $0xFFFFC000  }
0x38: {  	[spmem:s9] =	stream.linear.scatter [tilespmem:s19], [sflag:$0x2], $0x4000, $0x38;
	[tilespmem:$0x1F800] =	vst v63  }
0x39: {  	_ =	swait.ge [sflag:s20], $0x4000  }
0x3a: {  	[sflag:s20] =	ssyncset.done $0x0  }
0x3b: {  	[sflag:s20] =	ssyncadd.s32 $0xFFFFC000  }
0x3c: {  	s24 =	simm.s32 $0x0;
	[bflag:$0x0] =	sbarrier.arrive $0xFFFF  }
0x3d: {  	[tilespmem:s24], [sflag:$0x2] =	stream.linear.gather [hbm4b:s10+s24], $0x3B00, $0x38;
	[tilespmem:$0x1F800] =	vst v63  }
0x3e: {  	_ =	swait.ge [sflag:s20], $0x3B00  }
0x3f: {  	[sflag:s20] =	ssyncset.done $0x0  }
0x40: {  	s25 =	simm.s32 $0x3C00;
	[sflag:s20] =	ssyncadd.s32 $0xFFFFC500  }
0x41: {  	[tilespmem:s25], [sflag:$0x2] =	stream.linear.gather [hbm4b:s11+s24], $0x3B00, $0x38;
	[tilespmem:$0x1F800] =	vst v63  }
0x42: {  	_ =	swait.ge [sflag:s20], $0x3B00  }
0x43: {  	[sflag:s20] =	ssyncset.done $0x0  }
0x44: {  	[sflag:s20] =	ssyncadd.s32 $0xFFFFC500  }
0x45: {  	[tilespmem:s19], [sflag:$0x1] =	stream.indirect.gather [hbm4b:s1+s21], $0x80, s24, s21, $0xb8;
	[tilespmem:$0x1F800] =	vst v63  }
0x46: {  	p0 =	sne.s32 s12, $0x1;
	_ =	swait.ge [sflag:s22], $0x4000  }
.Ltmp1:
0x47: {  	[sflag:s22] =	ssyncset.done $0x0;
	(pc) =	sbr.rel @!p0 .LBB2_5-.Ltmp1, $4  }
0x48: {  	[sflag:s22] =	ssyncadd.s32 $0xFFFFC000  }
0x49: {  	[spmem:s3] =	stream.indirect.scatter.add.f32 [tilespmem:s19], [sflag:$0x2], $0x80, s25, s21, $0xb8;
	[tilespmem:$0x1F800] =	vst v63  }
0x4a: {  	_ =	swait.ge [sflag:s20], $0x4000  }
0x4b: {  	s26 =	sadd.s32 $0xFFFFFFFF, s12;
	[sflag:s20] =	ssyncset.done $0x0  }
.LBB2_4:
0x4c: {  	[sflag:s20] =	ssyncadd.s32 $0xFFFFC000;
	s24 =	sadd.s32 $0x80, s24;
	s25 =	sadd.s32 $0x80, s25  }
0x4d: {  	[tilespmem:s19], [sflag:$0x1] =	stream.indirect.gather [hbm4b:s1+s21], $0x80, s24, s21, $0xb8;
	[tilespmem:$0x1F800] =	vst v63  }
0x4e: {  	p0 =	sne.s32 s26, $0x1;
	s26 =	sadd.s32 $0xFFFFFFFF, s26;
	_ =	swait.ge [sflag:s22], $0x4000  }
.Ltmp2:
0x4f: {  	[sflag:s22] =	ssyncset.done $0x0;
	(pc) =	sbr.rel @p0 .LBB2_4-.Ltmp2, $4  }
0x50: {  	[sflag:s22] =	ssyncadd.s32 $0xFFFFC000  }
0x51: {  	[spmem:s3] =	stream.indirect.scatter.add.f32 [tilespmem:s19], [sflag:$0x2], $0x80, s25, s21, $0xb8;
	[tilespmem:$0x1F800] =	vst v63  }
0x52: {  	_ =	swait.ge [sflag:s20], $0x4000  }
0x53: {  	[sflag:s20] =	ssyncset.done $0x0  }
.LBB2_5:
0x54: {  	[sflag:s20] =	ssyncadd.s32 $0xFFFFC000  }
0x55: {  	[bflag:$0x0] =	sbarrier.arrive $0xFFFF  }
0x56: {  	[tilespmem:s19], [sflag:$0x2] =	stream.linear.gather [spmem:s5], $0x4000, $0x38;
	[tilespmem:$0x1F800] =	vst v63  }
0x57: {  	_ =	swait.ge [sflag:s20], $0x4000  }
0x58: {  	[sflag:s20] =	ssyncset.done $0x0  }
0x59: {  	[sflag:s20] =	ssyncadd.s32 $0xFFFFC000  }
0x5a: {  	[hbm4b:s13+s4] =	stream.linear.scatter [tilespmem:s19], [sflag:$0x2], $0x4000, $0x38;
	[tilespmem:$0x1F800] =	vst v63  }
0x5b: {  	_ =	swait.ge [sflag:s20], $0x4000  }
0x5c: {  	[sflag:s20] =	ssyncset.done $0x0  }
0x5d: {  	[sflag:s20] =	ssyncadd.s32 $0xFFFFC000  }
0x5e: {  	[tilespmem:s19], [sflag:$0x2] =	stream.linear.gather [spmem:s6], $0x4000, $0x38;
	[tilespmem:$0x1F800] =	vst v63  }
0x5f: {  	_ =	swait.ge [sflag:s20], $0x4000  }
0x60: {  	[sflag:s20] =	ssyncset.done $0x0  }
0x61: {  	[sflag:s20] =	ssyncadd.s32 $0xFFFFC000  }
0x62: {  	[hbm4b:s14+s4] =	stream.linear.scatter [tilespmem:s19], [sflag:$0x2], $0x4000, $0x38;
	[tilespmem:$0x1F800] =	vst v63  }
0x63: {  	_ =	swait.ge [sflag:s20], $0x4000  }
0x64: {  	[sflag:s20] =	ssyncset.done $0x0  }
0x65: {  	[sflag:s20] =	ssyncadd.s32 $0xFFFFC000  }
0x66: {  	[tilespmem:s19], [sflag:$0x2] =	stream.linear.gather [spmem:s7], $0x4000, $0x38;
	[tilespmem:$0x1F800] =	vst v63  }
0x67: {  	_ =	swait.ge [sflag:s20], $0x4000  }
0x68: {  	[sflag:s20] =	ssyncset.done $0x0  }
0x69: {  	[sflag:s20] =	ssyncadd.s32 $0xFFFFC000  }
0x6a: {  	[hbm4b:s15+s4] =	stream.linear.scatter [tilespmem:s19], [sflag:$0x2], $0x4000, $0x38;
	[tilespmem:$0x1F800] =	vst v63  }
0x6b: {  	_ =	swait.ge [sflag:s20], $0x4000  }
0x6c: {  	[sflag:s20] =	ssyncset.done $0x0  }
0x6d: {  	[sflag:s20] =	ssyncadd.s32 $0xFFFFC000  }
0x6e: {  	[tilespmem:s19], [sflag:$0x2] =	stream.linear.gather [spmem:s8], $0x4000, $0x38;
	[tilespmem:$0x1F800] =	vst v63  }
0x6f: {  	_ =	swait.ge [sflag:s20], $0x4000  }
0x70: {  	[sflag:s20] =	ssyncset.done $0x0  }
0x71: {  	[sflag:s20] =	ssyncadd.s32 $0xFFFFC000  }
0x72: {  	[hbm4b:s16+s4] =	stream.linear.scatter [tilespmem:s19], [sflag:$0x2], $0x4000, $0x38;
	[tilespmem:$0x1F800] =	vst v63  }
0x73: {  	_ =	swait.ge [sflag:s20], $0x4000  }
0x74: {  	[sflag:s20] =	ssyncset.done $0x0  }
0x75: {  	[sflag:s20] =	ssyncadd.s32 $0xFFFFC000  }
0x76: {  	[tilespmem:s19], [sflag:$0x2] =	stream.linear.gather [spmem:s9], $0x4000, $0x38;
	[tilespmem:$0x1F800] =	vst v63  }
0x77: {  	s23 =	sadd.s32 $0x1, s23;
	_ =	swait.ge [sflag:s20], $0x4000  }
0x78: {  	p0 =	sne.s32 s23, s18;
	[sflag:s20] =	ssyncset.done $0x0  }
.Ltmp3:
0x79: {  	[sflag:s20] =	ssyncadd.s32 $0xFFFFC000;
	(pc) =	sbr.rel @p0 .LBB2_1-.Ltmp3, $4  }
0x7a: {  	[hbm4b:s17+s4] =	stream.linear.scatter [tilespmem:s19], [sflag:$0x2], $0x4000, $0x38;
	[tilespmem:$0x1F800] =	vst v63  }
0x7b: {  	_ =	swait.ge [sflag:s20], $0x4000  }
0x7c: {  	[sflag:s20] =	ssyncset.done $0x0  }
0x7d: {  	[sflag:s20] =	ssyncadd.s32 $0xFFFFC000  }
0x7e: {  	_ =	sfence.sel $0x180000  }
0x7f: {  	[bflag:$0x0] =	sbarrier.arrive $0xFFFF  }
0x80: {  	p0 =	sne.s32 s0, $0x0;
	_ =	strace $0x9000004A  }
0x81: {  	s0 =	sadd.s32 @!p0 $0x100000, s2;
	[bflag:$0x2] =	sbarrier.arrive $0xFFFF  }
0x82: {  	[sflag:s0] =	ssyncadd.tile.s32 @!p0 $0x1;
	_ =	shalt  }
.Lfunc_end2:
_tile_overlayer_lowered:
.L_overlay_start_2:
0x83: {  	(tag) =	ssettag $0x2  }
0x84: {  	s0 =	rddreg [dreg:$0x0];
	s2 =	stileid.u32  }
0x85: {  	s1 =	rddreg [dreg:$0x1];
	p0 =	sne.s32 s2, $0x0  }
0x86: {  	s3 =	rddreg [dreg:$0x2];
	[bflag:$0x3] =	sbarrier.arrive $0xFFFF;
	s2 =	simm.s32 @!p0 $0x1C02  }
0x87: {  	[timem:s3], [sflag:s2] =	dma.local @!p0 [hbm:s0], s1  }
0x88: {  	s0 =	simm.s32 @!p0 $0x2  }
0x89: {  	_ =	swait.ge @!p0 [sflag:s0], s1  }
0x8a: {  	s1 =	ssub.s32 @!p0 $0x0, s1;
	[sflag:s0] =	ssyncset.done @!p0 $0x0  }
0x8b: {  	[sflag:s0] =	ssyncadd.s32 @!p0 s1  }
0x8c: {  	[bflag:$0x3] =	sbarrier.arrive $0xFFFF  }
0x8d: {  	_ =	shalt  }

// kernel: kernel.15.cloned.1.call-start
scs
__scs_entry_jumppad:
0x0: {  	(pc) =	sbr.rel $0x88, $3  }
0x1: {  	(tag) =	ssettag $0x0;
	lr =	simm.s32 $0x1  }
0x2: {  	[smem:$0x3F9B] =	sst lr;
	_ =	strace $0xD0000000  }
0x3: {  	_ = 	snop  }
0x4: {  	_ = 	snop  }
0x5: {  	_ = 	snop  }
0x6: {  	_ = 	snop  }
0x7: {  	_ = 	snop  }
__scs_overlays_trampoline_lowered:
0x8: {  	[smem:$0x3FAA] =	sst s0  }
0x9: {  	[smem:$0x3FAB] =	sst s1  }
0xa: {  	[smem:$0x3FAC] =	sst s2  }
0xb: {  	[smem:$0x3FAD] =	sst s3  }
0xc: {  	[smem:$0x3FAE] =	sst s4  }
0xd: {  	[smem:$0x3FAF] =	sst s5  }
0xe: {  	[smem:$0x3FB0] =	sst s6  }
0xf: {  	[smem:$0x3FB1] =	sst s7  }
0x10: {  	[smem:$0x3FB2] =	sst s8  }
0x11: {  	[smem:$0x3FB3] =	sst s9;
	s0 =	simm.s32 @!p0 $0x0  }
0x12: {  	s1 =	sld [smem:$0x3F99];
	s0 =	simm.s32 @p0 $0x1  }
0x13: {  	[smem:$0x3FB4] =	sst s0;
	s0 =	simm.s32 @!p1 $0x0  }
0x14: {  	s2 =	sld [smem:$0x3F98];
	s0 =	simm.s32 @p1 $0x1  }
0x15: {  	[smem:$0x3FB5] =	sst s0;
	s0 =	simm.s32 @!p2 $0x0  }
0x16: {  	s3 =	sld [smem:$0x3FDB];
	s0 =	simm.s32 @p2 $0x1  }
0x17: {  	s4 =	simm.s32 $0x1BF5;
	[smem:$0x3FB7] =	sst s0  }
0x18: {  	s0 =	sld [smem:$0x3F9A];
	_ =	swait.ge [sflag:s4], $0x0  }
0x19: {  	s7 =	sld [smem:$0x3F9B]  }
0x1a: {  	s8 =	sadd.s32 $0xFFFFE003, lr  }
0x1b: {  	s9 =	sadd.s32 $0xFFFFFEF7, lr;
	s5 =	simm.s32 $0xFFFFFFFF;
	p2 =	slt.u32 s8, $0xFFFFF086  }
0x1c: {  	p1 =	slt.u32 s9, $0xF7A;
	s5 =	simm.s32 @!p2 $0x0  }
0x1d: {  	s5 =	simm.s32 @p1 $0x1;
	p0 =	seq.s32 s7, s2  }
0x1e: {  	s7 =	smul.u32 @!p0 $0xF7A, s2;
	p2 =	seq.s32 @!p0 s5, $0x0  }
0x1f: {  	s9 =	smul.u32 $0xF7A, s1;
	s8 =	simm.s32 @!p0 $0x1BF5;
	p2 =	por !p2, p0  }
0x20: {  	[sflag:s8] =	ssyncset.s32 @!p0 $0xFFFFF086;
	s6 =	sadd.s32 @!p0 s3, s7;
	s7 =	simm.s32 @!p0 $0x108  }
0x21: {  	s3 =	sadd.s32 s3, s9;
	s6 =	sadd.s32 @!p0 $0x88, s6;
	s7 =	simm.s32 @p2 $0x1082  }
0x22: {  	[simem:s7], [sflag:s8] =	dma.local @!p0 [hbm:s6], $0xF7A  }
0x23: {  	s9 =	sor.u32 $0xD0000000, s2;
	s6 =	simm.s32 $0x108;
	_ =	swait.ge @!p0 [sflag:s8], $0x0  }
0x24: {  	s3 =	sadd.s32 $0x88, s3;
	s6 =	simm.s32 @!p1 $0x1082;
	[sflag:s4] =	ssyncset.s32 $0xFFFFF086  }
0x25: {  	[simem:s6], [sflag:s4] =	dma.local [hbm:s3], $0xF7A  }
0x26: {  	[smem:$0x3F9B] =	sst s1;
	(tag) =	ssettag s2;
	_ =	strace s9  }
0x27: {  	s1 =	sld [smem:$0x3FAB]  }
0x28: {  	s2 =	sld [smem:$0x3FAC]  }
0x29: {  	s4 =	sld [smem:$0x3FAE]  }
0x2a: {  	p0 =	seq.s32 s5, $0x0;
	s5 =	sld [smem:$0x3FAF]  }
0x2b: {  	s6 =	sld [smem:$0x3FB0]  }
0x2c: {  	s7 =	sld [smem:$0x3FB1]  }
0x2d: {  	s3 =	simm.s32 $0x108;
	s8 =	sld [smem:$0x3FB2]  }
0x2e: {  	s3 =	simm.s32 @!p0 $0x1082;
	s9 =	sld [smem:$0x3FB3]  }
0x2f: {  	lr =	sadd.s32 s0, s3;
	s0 =	sld [smem:$0x3FAA]  }
0x30: {  	s3 =	sld [smem:$0x3FAD]  }
0x31: {  	[smem:$0x3FB6] =	sst s10  }
0x32: {  	s10 =	sld [smem:$0x3FB4];
	_ =	sdelay $0x3  }
0x33: {  	p0 =	seq.s32 s10, $0x1;
	s10 =	sld [smem:$0x3FB6];
	_ =	sdelay $0x3  }
0x34: {  	[smem:$0x3FB6] =	sst s10  }
0x35: {  	s10 =	sld [smem:$0x3FB5];
	_ =	sdelay $0x3  }
0x36: {  	p1 =	seq.s32 s10, $0x1;
	s10 =	sld [smem:$0x3FB6];
	_ =	sdelay $0x3  }
0x37: {  	[smem:$0x3FB6] =	sst s10  }
0x38: {  	s10 =	sld [smem:$0x3FB7]  }
0x39: {  	_ = 	snop;
	(pc) =	sbr.ind lr, $3  }
0x3a: {  	_ = 	snop  }
0x3b: {  	_ = 	snop  }
0x3c: {  	p2 =	seq.s32 s10, $0x1;
	s10 =	sld [smem:$0x3FB6]  }
0x3d: {  	_ =	shalt  }
0x3e: {  	_ =	shalt  }
0x3f: {  	_ =	shalt  }
0x40: {  	_ =	shalt  }
0x41: {  	_ =	shalt  }
0x42: {  	_ =	shalt  }
0x43: {  	_ =	shalt  }
0x44: {  	_ =	shalt  }
0x45: {  	_ =	shalt  }
0x46: {  	_ =	shalt  }
0x47: {  	_ =	shalt  }
0x48: {  	_ =	shalt  }
0x49: {  	_ =	shalt  }
0x4a: {  	_ =	shalt  }
0x4b: {  	_ =	shalt  }
0x4c: {  	_ =	shalt  }
0x4d: {  	_ =	shalt  }
0x4e: {  	_ =	shalt  }
0x4f: {  	_ =	shalt  }
0x50: {  	_ =	shalt  }
0x51: {  	_ =	shalt  }
0x52: {  	_ =	shalt  }
0x53: {  	_ =	shalt  }
0x54: {  	_ =	shalt  }
0x55: {  	_ =	shalt  }
0x56: {  	_ =	shalt  }
0x57: {  	_ =	shalt  }
0x58: {  	_ =	shalt  }
0x59: {  	_ =	shalt  }
0x5a: {  	_ =	shalt  }
0x5b: {  	_ =	shalt  }
0x5c: {  	_ =	shalt  }
0x5d: {  	_ =	shalt  }
0x5e: {  	_ =	shalt  }
0x5f: {  	_ =	shalt  }
0x60: {  	_ =	shalt  }
0x61: {  	_ =	shalt  }
0x62: {  	_ =	shalt  }
0x63: {  	_ =	shalt  }
0x64: {  	_ =	shalt  }
0x65: {  	_ =	shalt  }
0x66: {  	_ =	shalt  }
0x67: {  	_ =	shalt  }
0x68: {  	_ =	shalt  }
0x69: {  	_ =	shalt  }
0x6a: {  	_ =	shalt  }
0x6b: {  	_ =	shalt  }
0x6c: {  	_ =	shalt  }
0x6d: {  	_ =	shalt  }
0x6e: {  	_ =	shalt  }
0x6f: {  	_ =	shalt  }
0x70: {  	_ =	shalt  }
0x71: {  	_ =	shalt  }
0x72: {  	_ =	shalt  }
0x73: {  	_ =	shalt  }
0x74: {  	_ =	shalt  }
0x75: {  	_ =	shalt  }
0x76: {  	_ =	shalt  }
0x77: {  	_ =	shalt  }
0x78: {  	_ =	shalt  }
0x79: {  	_ =	shalt  }
0x7a: {  	_ =	shalt  }
0x7b: {  	_ =	shalt  }
0x7c: {  	_ =	shalt  }
0x7d: {  	_ =	shalt  }
0x7e: {  	_ =	shalt  }
0x7f: {  	_ =	shalt  }
0x80: {  	_ =	shalt  }
0x81: {  	_ =	shalt  }
0x82: {  	_ =	shalt  }
0x83: {  	_ =	shalt  }
0x84: {  	_ =	shalt  }
0x85: {  	_ =	shalt  }
0x86: {  	_ =	shalt  }
0x87: {  	_ =	shalt  }
.Lfunc_end0:
.L_simem_size_0:
called_computation.2_lowered:
.L_overlay_start_0:
0x88: {  	s2 =	sld [smem:$0x3FD9]  }
0x89: {  	s3 =	sld [smem:$0x3FFE];
	_ =	sdelay $0x1  }
0x8a: {  	s1 =	srdreg.scid  }
0x8b: {  	s0 =	sand.u32 $0x1, s1  }
0x8c: {  	s17 =	sshll.u32 s0, $0xA;
	s2 =	sadd.s32 s3, s2  }
0x8d: {  	s2 =	sadd.s32 s2, s17  }
0x8e: {  	[smem:$0x3FC2] =	sst s2  }
0x8f: {  	_ = 	snop  }
0x90: {  	s2 =	sld [smem:$0x3FD0];
	(tm) =	ssettm $0x1  }
0x91: {  	s18 =	sld [smem:$0x3FFB];
	_ =	sdelay $0x3  }
0x92: {  	_ =	strace s18  }
0x93: {  	s3 =	sld [smem:$0x3FFC];
	_ =	sdelay $0x3  }
0x94: {  	_ =	strace s3  }
0x95: {  	s3 =	sld [smem:$0x3FFD];
	_ =	sdelay $0x3  }
0x96: {  	_ =	strace s3  }
0x97: {  	_ =	strace $0x8FFFFFFF  }
0x98: {  	s19 =	sld [smem:$0x3FDB];
	_ =	sdelay $0x1  }
0x99: {  	s4 =	simm.s32 $_scs_section_size  }
0x9a: {  	s5 =	simm.s32 $_size__tile_overlayer_lowered;
	s6 =	simm.s32 $_tile_overlayer_lowered  }
0x9b: {  	s22 =	simm.s32 $0x1BFF;
	s21 =	sshll.u32 s6, $0x1;
	s3 =	sadd.s32 s4, s19  }
0x9c: {  	s7 =	simm.s32 $0x0;
	s20 =	sshll.u32 s5, $0x1;
	s5 =	sadd.s32 s21, s3  }
0x9d: {  	[timem:s7], [sflag:s22] =	dma.local [hbm:s5], s20  }
0x9e: {  	_ =	swait.ge [sflag:s22], s20  }
0x9f: {  	s4 =	ssub.s32 $0x0, s20;
	[sflag:s22] =	ssyncset.done $0x0  }
0xa0: {  	[sflag:s22] =	ssyncadd.s32 s4;
	_ =	sdelay $0x1  }
0xa1: {  	s23 =	simm.s32 $0x1B8B  }
0xa2: {  	_ =	swait.ge [sflag:s23], $0x1  }
0xa3: {  	[sflag:s23] =	ssyncset.done $0x0  }
0xa4: {  	s25 =	simm.s32 $0x1B8E;
	s24 =	sld [smem:$0x3FFE];
	[sflag:s23] =	ssyncadd.s32 $0xFFFFFFFF  }
0xa5: {  	s26 =	simm.s32 $execute0_lowered;
	[smem:$0x3FD2] =	sst s25  }
0xa6: {  	s5 =	sshll.u32 s26, $0x1;
	_ =	strace $0x8000004C;
	[dreg:$0x1] =	wrdreg $0xFFFFFFFF  }
0xa7: {  	s28 =	simm.s32 $_size_execute0_lowered;
	s3 =	sadd.s32 s3, s5;
	[dreg:$0x0] =	wrdreg $0x0  }
0xa8: {  	s5 =	sshll.u32 s28, $0x1;
	[dreg:$0x2] =	wrdreg s3  }
0xa9: {  	[dreg:$0x3] =	wrdreg s5  }
0xaa: {  	[dreg:$0x4] =	wrdreg $0xC0  }
0xab: {  	_ =	task [dreg:s7], $0x5FFFF  }
0xac: {  	[dreg:$0x1] =	wrdreg $0xFFFFFFFF  }
0xad: {  	[dreg:$0x0] =	wrdreg $0x60  }
0xae: {  	[dreg:$0x2] =	wrdreg s2  }
0xaf: {  	[dreg:$0x3] =	wrdreg s24  }
0xb0: {  	[dreg:$0x4] =	wrdreg $0xB8000  }
0xb1: {  	[dreg:$0x5] =	wrdreg $0x9  }
0xb2: {  	_ =	task.clear_ibuf [dreg:s7], $0x6FFFF;
	_ =	strace $0x9000004C  }
0xb3: {  	s29 =	simm.s32 $0x9;
	_ =	strace $0x8000004E  }
0xb4: {  	_ =	swait.ge [sflag:s29], $0x1  }
0xb5: {  	[sflag:s29] =	ssyncadd.s32 $0xFFFFFFFF  }
0xb6: {  	_ =	strace $0x9000004E  }
0xb7: {  	_ =	sfence  }
0xb8: {  	s30 =	sld [smem:$0x0];
	_ =	sdelay $0x2  }
0xb9: {  	s31 =	sshll.u32 s1, $0xD;
	s1 =	sshrl.u32 s1, $0x2  }
0xba: {  	s3 =	sand.u32 $0x4000, s31;
	s1 =	sadd.s32 s1, s30  }
0xbb: {  	s0 =	sor.u32 s3, s0;
	s1 =	sshll.u32 s1, $0x11  }
0xbc: {  	s0 =	sor.u32 s1, s0  }
0xbd: {  	s0 =	sadd.s32 $0x8F2B, s0  }
0xbe: {  	[sflag:s0] =	ssyncadd.remote.s32 $0x1  }
0xbf: {  	_ =	sfence.sel $0xFFFF  }
0xc0: {  	[dreg:$0x0] =	wrdreg $0xFFFFFFFF;
	(pc) =	sbr.abs _section_cstart, $3  }
0xc1: {  	[dreg:$0x1] =	wrdreg $0xFFFFFFFF  }
0xc2: {  	_ =	task.clear_ibuf [dreg:s7], $0x2FFFF;
	_ =	strace $0x9FFFFFFF  }
0xc3: {  	(tm) =	ssettm $0x7FFFFFFF  }
tec
execute0_lowered:
.L_overlay_start_1:
0x0: {  	(tag) =	ssettag $0x1  }
0x1: {  	s1 =	rddreg [dreg:$0x0]  }
0x2: {  	s5 =	rddreg [dreg:$0x1]  }
0x3: {  	s0 =	srdreg.scid;
	s3 =	rddreg [dreg:$0x2]  }
0x4: {  	s4 =	simm.s32 $0x0;
	s21 =	simm.s32 $0x80;
	s22 =	simm.s32 $0x1  }
0x5: {  	s23 =	simm.s32 $0x0;
	s12 =	sand.u32 $0x1, s0;
	s0 =	stileid.u32  }
0x6: {  	[smem:$0x7FF] =	sst s4;
	s17 =	sadd.s32 $0x70E00, s5;
	s13 =	smul.u32 $0x280, s0  }
0x7: {  	s2 =	sshll.u32 s12, $0x4;
	s7 =	ssub.s32 $0x2, s12;
	s8 =	smul.u32 $0x50000, s0  }
0x8: {  	s20 =	smul.u32 $0x2800, s12;
	p0 =	seq.s32 s12, $0x0;
	s12 =	simm.s32 $0x76  }
0x9: {  	s6 =	sor.u32 s0, s2;
	s2 =	rddreg [dreg:$0x3];
	_ =	strace $0x8000004D  }
0xa: {  	s26 =	sshrl.u32 s7, $0x1;
	s12 =	simm.s32 @!p0 $0x28;
	s6 =	smul.u32 $0x780, s6  }
0xb: {  	s18 =	ssub.s32 s7, s26;
	s28 =	sshrl.u32 s8, $0x2;
	s14 =	sadd.s32 $0x80, s13  }
0xc: {  	s15 =	sadd.s32 $0x100, s13;
	s16 =	sadd.s32 $0x180, s13;
	s19 =	sadd.s32 $0x200, s13  }
0xd: {  	s13 =	sadd.s32 s13, s20;
	s29 =	sshll.u32 s14, $0x7;
	s30 =	sshll.u32 s15, $0x7  }
0xe: {  	s31 =	sshll.u32 s16, $0x7;
	s9 =	sshll.u32 s19, $0x7;
	s14 =	sadd.s32 s20, s14  }
0xf: {  	s13 =	sshll.u32 s13, $0x4;
	s15 =	sadd.s32 s20, s15;
	s16 =	sadd.s32 s20, s16  }
0x10: {  	s19 =	sadd.s32 s20, s19;
	s18 =	smax.u32 s18, $0x1;
	s20 =	simm.s32 $0x2  }
0x11: {  	s11 =	sadd.s32 s6, s5;
	s5 =	sadd.s32 s28, s3;
	s6 =	sadd.s32 s29, s3  }
0x12: {  	s7 =	sadd.s32 s30, s3;
	s8 =	sadd.s32 s31, s3;
	s9 =	sadd.s32 s9, s3  }
0x13: {  	s14 =	sshll.u32 s14, $0x4;
	s13 =	sadd.s32 s17, s13;
	s15 =	sshll.u32 s15, $0x4  }
0x14: {  	s16 =	sshll.u32 s16, $0x4;
	s19 =	sshll.u32 s19, $0x4;
	s10 =	sadd.s32 $0x61E00, s11  }
0x15: {  	s11 =	sadd.s32 $0x52E00, s11;
	s14 =	sadd.s32 s17, s14;
	s15 =	sadd.s32 s17, s15  }
0x16: {  	v0 =	vimm.f32 $0.0e+00;
	s16 =	sadd.s32 s17, s16;
	s17 =	sadd.s32 s17, s19;
	s19 =	simm.s32 $0x7800  }
.LBB2_1:
0x17: {  	s24 =	simm.s32 $0x0;
	s25 =	simm.s32 $0x200  }
.LBB2_2:
0x18: {  	p0 =	sne.s32 s25, $0xFE00;
	[tilespmem:s24+$0x7870] =	vst v0  }
0x19: {  	[tilespmem:s24+$0x7800] =	vst v0  }
0x1a: {  	[tilespmem:s24+$0x7810] =	vst v0  }
.Ltmp0:
0x1b: {  	[tilespmem:s24+$0x7820] =	vst v0;
	(pc) =	sbr.rel @p0 .LBB2_2-.Ltmp0, $4  }
0x1c: {  	[tilespmem:s24+$0x7830] =	vst v0  }
0x1d: {  	[tilespmem:s24+$0x7840] =	vst v0  }
0x1e: {  	[tilespmem:s24+$0x7850] =	vst v0  }
0x1f: {  	[tilespmem:s24+$0x7860] =	vst v0;
	s24 =	sshra.s32 s25, $0x2;
	s25 =	sadd.s32 $0x200, s25  }
0x20: {  	[tilespmem:s24+$0x7870] =	vst v0  }
0x21: {  	[tilespmem:s24+$0x7800] =	vst v0  }
0x22: {  	[tilespmem:s24+$0x7810] =	vst v0  }
0x23: {  	[tilespmem:s24+$0x7820] =	vst v0  }
0x24: {  	[tilespmem:s24+$0x7830] =	vst v0  }
0x25: {  	[tilespmem:s24+$0x7840] =	vst v0  }
0x26: {  	[tilespmem:s24+$0x7850] =	vst v0  }
0x27: {  	[tilespmem:s24+$0x7860] =	vst v0  }
0x28: {  	[spmem:s5] =	stream.linear.scatter [tilespmem:s19], [sflag:$0x2], $0x4000, $0x38;
	[tilespmem:$0x1F800] =	vst v63  }
0x29: {  	_ =	swait.ge [sflag:s20], $0x4000  }
0x2a: {  	[sflag:s20] =	ssyncset.done $0x0  }
0x2b: {  	[sflag:s20] =	ssyncadd.s32 $0xFFFFC000  }
0x2c: {  	[spmem:s6] =	stream.linear.scatter [tilespmem:s19], [sflag:$0x2], $0x4000, $0x38;
	[tilespmem:$0x1F800] =	vst v63  }
0x2d: {  	_ =	swait.ge [sflag:s20], $0x4000  }
0x2e: {  	[sflag:s20] =	ssyncset.done $0x0  }
0x2f: {  	[sflag:s20] =	ssyncadd.s32 $0xFFFFC000  }
0x30: {  	[spmem:s7] =	stream.linear.scatter [tilespmem:s19], [sflag:$0x2], $0x4000, $0x38;
	[tilespmem:$0x1F800] =	vst v63  }
0x31: {  	_ =	swait.ge [sflag:s20], $0x4000  }
0x32: {  	[sflag:s20] =	ssyncset.done $0x0  }
0x33: {  	[sflag:s20] =	ssyncadd.s32 $0xFFFFC000  }
0x34: {  	[spmem:s8] =	stream.linear.scatter [tilespmem:s19], [sflag:$0x2], $0x4000, $0x38;
	[tilespmem:$0x1F800] =	vst v63  }
0x35: {  	_ =	swait.ge [sflag:s20], $0x4000  }
0x36: {  	[sflag:s20] =	ssyncset.done $0x0  }
0x37: {  	[sflag:s20] =	ssyncadd.s32 $0xFFFFC000  }
0x38: {  	[spmem:s9] =	stream.linear.scatter [tilespmem:s19], [sflag:$0x2], $0x4000, $0x38;
	[tilespmem:$0x1F800] =	vst v63  }
0x39: {  	_ =	swait.ge [sflag:s20], $0x4000  }
0x3a: {  	[sflag:s20] =	ssyncset.done $0x0  }
0x3b: {  	[sflag:s20] =	ssyncadd.s32 $0xFFFFC000  }
0x3c: {  	s24 =	simm.s32 $0x0;
	[bflag:$0x0] =	sbarrier.arrive $0xFFFF  }
0x3d: {  	[tilespmem:s24], [sflag:$0x2] =	stream.linear.gather [hbm4b:s10+s24], $0x3B00, $0x38;
	[tilespmem:$0x1F800] =	vst v63  }
0x3e: {  	_ =	swait.ge [sflag:s20], $0x3B00  }
0x3f: {  	[sflag:s20] =	ssyncset.done $0x0  }
0x40: {  	s25 =	simm.s32 $0x3C00;
	[sflag:s20] =	ssyncadd.s32 $0xFFFFC500  }
0x41: {  	[tilespmem:s25], [sflag:$0x2] =	stream.linear.gather [hbm4b:s11+s24], $0x3B00, $0x38;
	[tilespmem:$0x1F800] =	vst v63  }
0x42: {  	_ =	swait.ge [sflag:s20], $0x3B00  }
0x43: {  	[sflag:s20] =	ssyncset.done $0x0  }
0x44: {  	[sflag:s20] =	ssyncadd.s32 $0xFFFFC500  }
0x45: {  	[tilespmem:s19], [sflag:$0x1] =	stream.indirect.gather [hbm4b:s1+s21], $0x80, s24, s21, $0xb8;
	[tilespmem:$0x1F800] =	vst v63  }
0x46: {  	p0 =	sne.s32 s12, $0x1;
	_ =	swait.ge [sflag:s22], $0x4000  }
.Ltmp1:
0x47: {  	[sflag:s22] =	ssyncset.done $0x0;
	(pc) =	sbr.rel @!p0 .LBB2_5-.Ltmp1, $4  }
0x48: {  	[sflag:s22] =	ssyncadd.s32 $0xFFFFC000  }
0x49: {  	[spmem:s3] =	stream.indirect.scatter.add.f32 [tilespmem:s19], [sflag:$0x2], $0x80, s25, s21, $0xb8;
	[tilespmem:$0x1F800] =	vst v63  }
0x4a: {  	_ =	swait.ge [sflag:s20], $0x4000  }
0x4b: {  	s26 =	sadd.s32 $0xFFFFFFFF, s12;
	[sflag:s20] =	ssyncset.done $0x0  }
.LBB2_4:
0x4c: {  	[sflag:s20] =	ssyncadd.s32 $0xFFFFC000;
	s24 =	sadd.s32 $0x80, s24;
	s25 =	sadd.s32 $0x80, s25  }
0x4d: {  	[tilespmem:s19], [sflag:$0x1] =	stream.indirect.gather [hbm4b:s1+s21], $0x80, s24, s21, $0xb8;
	[tilespmem:$0x1F800] =	vst v63  }
0x4e: {  	p0 =	sne.s32 s26, $0x1;
	s26 =	sadd.s32 $0xFFFFFFFF, s26;
	_ =	swait.ge [sflag:s22], $0x4000  }
.Ltmp2:
0x4f: {  	[sflag:s22] =	ssyncset.done $0x0;
	(pc) =	sbr.rel @p0 .LBB2_4-.Ltmp2, $4  }
0x50: {  	[sflag:s22] =	ssyncadd.s32 $0xFFFFC000  }
0x51: {  	[spmem:s3] =	stream.indirect.scatter.add.f32 [tilespmem:s19], [sflag:$0x2], $0x80, s25, s21, $0xb8;
	[tilespmem:$0x1F800] =	vst v63  }
0x52: {  	_ =	swait.ge [sflag:s20], $0x4000  }
0x53: {  	[sflag:s20] =	ssyncset.done $0x0  }
.LBB2_5:
0x54: {  	[sflag:s20] =	ssyncadd.s32 $0xFFFFC000  }
0x55: {  	[bflag:$0x0] =	sbarrier.arrive $0xFFFF  }
0x56: {  	[tilespmem:s19], [sflag:$0x2] =	stream.linear.gather [spmem:s5], $0x4000, $0x38;
	[tilespmem:$0x1F800] =	vst v63  }
0x57: {  	_ =	swait.ge [sflag:s20], $0x4000  }
0x58: {  	[sflag:s20] =	ssyncset.done $0x0  }
0x59: {  	[sflag:s20] =	ssyncadd.s32 $0xFFFFC000  }
0x5a: {  	[hbm4b:s13+s4] =	stream.linear.scatter [tilespmem:s19], [sflag:$0x2], $0x4000, $0x38;
	[tilespmem:$0x1F800] =	vst v63  }
0x5b: {  	_ =	swait.ge [sflag:s20], $0x4000  }
0x5c: {  	[sflag:s20] =	ssyncset.done $0x0  }
0x5d: {  	[sflag:s20] =	ssyncadd.s32 $0xFFFFC000  }
0x5e: {  	[tilespmem:s19], [sflag:$0x2] =	stream.linear.gather [spmem:s6], $0x4000, $0x38;
	[tilespmem:$0x1F800] =	vst v63  }
0x5f: {  	_ =	swait.ge [sflag:s20], $0x4000  }
0x60: {  	[sflag:s20] =	ssyncset.done $0x0  }
0x61: {  	[sflag:s20] =	ssyncadd.s32 $0xFFFFC000  }
0x62: {  	[hbm4b:s14+s4] =	stream.linear.scatter [tilespmem:s19], [sflag:$0x2], $0x4000, $0x38;
	[tilespmem:$0x1F800] =	vst v63  }
0x63: {  	_ =	swait.ge [sflag:s20], $0x4000  }
0x64: {  	[sflag:s20] =	ssyncset.done $0x0  }
0x65: {  	[sflag:s20] =	ssyncadd.s32 $0xFFFFC000  }
0x66: {  	[tilespmem:s19], [sflag:$0x2] =	stream.linear.gather [spmem:s7], $0x4000, $0x38;
	[tilespmem:$0x1F800] =	vst v63  }
0x67: {  	_ =	swait.ge [sflag:s20], $0x4000  }
0x68: {  	[sflag:s20] =	ssyncset.done $0x0  }
0x69: {  	[sflag:s20] =	ssyncadd.s32 $0xFFFFC000  }
0x6a: {  	[hbm4b:s15+s4] =	stream.linear.scatter [tilespmem:s19], [sflag:$0x2], $0x4000, $0x38;
	[tilespmem:$0x1F800] =	vst v63  }
0x6b: {  	_ =	swait.ge [sflag:s20], $0x4000  }
0x6c: {  	[sflag:s20] =	ssyncset.done $0x0  }
0x6d: {  	[sflag:s20] =	ssyncadd.s32 $0xFFFFC000  }
0x6e: {  	[tilespmem:s19], [sflag:$0x2] =	stream.linear.gather [spmem:s8], $0x4000, $0x38;
	[tilespmem:$0x1F800] =	vst v63  }
0x6f: {  	_ =	swait.ge [sflag:s20], $0x4000  }
0x70: {  	[sflag:s20] =	ssyncset.done $0x0  }
0x71: {  	[sflag:s20] =	ssyncadd.s32 $0xFFFFC000  }
0x72: {  	[hbm4b:s16+s4] =	stream.linear.scatter [tilespmem:s19], [sflag:$0x2], $0x4000, $0x38;
	[tilespmem:$0x1F800] =	vst v63  }
0x73: {  	_ =	swait.ge [sflag:s20], $0x4000  }
0x74: {  	[sflag:s20] =	ssyncset.done $0x0  }
0x75: {  	[sflag:s20] =	ssyncadd.s32 $0xFFFFC000  }
0x76: {  	[tilespmem:s19], [sflag:$0x2] =	stream.linear.gather [spmem:s9], $0x4000, $0x38;
	[tilespmem:$0x1F800] =	vst v63  }
0x77: {  	s23 =	sadd.s32 $0x1, s23;
	_ =	swait.ge [sflag:s20], $0x4000  }
0x78: {  	p0 =	sne.s32 s23, s18;
	[sflag:s20] =	ssyncset.done $0x0  }
.Ltmp3:
0x79: {  	[sflag:s20] =	ssyncadd.s32 $0xFFFFC000;
	(pc) =	sbr.rel @p0 .LBB2_1-.Ltmp3, $4  }
0x7a: {  	[hbm4b:s17+s4] =	stream.linear.scatter [tilespmem:s19], [sflag:$0x2], $0x4000, $0x38;
	[tilespmem:$0x1F800] =	vst v63  }
0x7b: {  	_ =	swait.ge [sflag:s20], $0x4000  }
0x7c: {  	[sflag:s20] =	ssyncset.done $0x0  }
0x7d: {  	[sflag:s20] =	ssyncadd.s32 $0xFFFFC000  }
0x7e: {  	_ =	sfence.sel $0x180000  }
0x7f: {  	[bflag:$0x0] =	sbarrier.arrive $0xFFFF  }
0x80: {  	p0 =	sne.s32 s0, $0x0;
	_ =	strace $0x9000004D  }
0x81: {  	s0 =	sadd.s32 @!p0 $0x100000, s2;
	[bflag:$0x2] =	sbarrier.arrive $0xFFFF  }
0x82: {  	[sflag:s0] =	ssyncadd.tile.s32 @!p0 $0x1;
	_ =	shalt  }
.Lfunc_end2:
_tile_overlayer_lowered:
.L_overlay_start_2:
0x83: {  	(tag) =	ssettag $0x2  }
0x84: {  	s0 =	rddreg [dreg:$0x0];
	s2 =	stileid.u32  }
0x85: {  	s1 =	rddreg [dreg:$0x1];
	p0 =	sne.s32 s2, $0x0  }
0x86: {  	s3 =	rddreg [dreg:$0x2];
	[bflag:$0x3] =	sbarrier.arrive $0xFFFF;
	s2 =	simm.s32 @!p0 $0x1C02  }
0x87: {  	[timem:s3], [sflag:s2] =	dma.local @!p0 [hbm:s0], s1  }
0x88: {  	s0 =	simm.s32 @!p0 $0x2  }
0x89: {  	_ =	swait.ge @!p0 [sflag:s0], s1  }
0x8a: {  	s1 =	ssub.s32 @!p0 $0x0, s1;
	[sflag:s0] =	ssyncset.done @!p0 $0x0  }
0x8b: {  	[sflag:s0] =	ssyncadd.s32 @!p0 s1  }
0x8c: {  	[bflag:$0x3] =	sbarrier.arrive $0xFFFF  }
0x8d: {  	_ =	shalt  }

// kernel: kernel.9.cloned.1.call-start
scs
__scs_entry_jumppad:
0x0: {  	(pc) =	sbr.rel $0x88, $3  }
0x1: {  	(tag) =	ssettag $0x0;
	lr =	simm.s32 $0x1  }
0x2: {  	[smem:$0x3F9B] =	sst lr;
	_ =	strace $0xD0000000  }
0x3: {  	_ = 	snop  }
0x4: {  	_ = 	snop  }
0x5: {  	_ = 	snop  }
0x6: {  	_ = 	snop  }
0x7: {  	_ = 	snop  }
__scs_overlays_trampoline_lowered:
0x8: {  	[smem:$0x3FAA] =	sst s0  }
0x9: {  	[smem:$0x3FAB] =	sst s1  }
0xa: {  	[smem:$0x3FAC] =	sst s2  }
0xb: {  	[smem:$0x3FAD] =	sst s3  }
0xc: {  	[smem:$0x3FAE] =	sst s4  }
0xd: {  	[smem:$0x3FAF] =	sst s5  }
0xe: {  	[smem:$0x3FB0] =	sst s6  }
0xf: {  	[smem:$0x3FB1] =	sst s7  }
0x10: {  	[smem:$0x3FB2] =	sst s8  }
0x11: {  	[smem:$0x3FB3] =	sst s9;
	s0 =	simm.s32 @!p0 $0x0  }
0x12: {  	s1 =	sld [smem:$0x3F99];
	s0 =	simm.s32 @p0 $0x1  }
0x13: {  	[smem:$0x3FB4] =	sst s0;
	s0 =	simm.s32 @!p1 $0x0  }
0x14: {  	s2 =	sld [smem:$0x3F98];
	s0 =	simm.s32 @p1 $0x1  }
0x15: {  	[smem:$0x3FB5] =	sst s0;
	s0 =	simm.s32 @!p2 $0x0  }
0x16: {  	s3 =	sld [smem:$0x3FDB];
	s0 =	simm.s32 @p2 $0x1  }
0x17: {  	s4 =	simm.s32 $0x1BF5;
	[smem:$0x3FB7] =	sst s0  }
0x18: {  	s0 =	sld [smem:$0x3F9A];
	_ =	swait.ge [sflag:s4], $0x0  }
0x19: {  	s7 =	sld [smem:$0x3F9B]  }
0x1a: {  	s8 =	sadd.s32 $0xFFFFE003, lr  }
0x1b: {  	s9 =	sadd.s32 $0xFFFFFEF7, lr;
	s5 =	simm.s32 $0xFFFFFFFF;
	p2 =	slt.u32 s8, $0xFFFFF086  }
0x1c: {  	p1 =	slt.u32 s9, $0xF7A;
	s5 =	simm.s32 @!p2 $0x0  }
0x1d: {  	s5 =	simm.s32 @p1 $0x1;
	p0 =	seq.s32 s7, s2  }
0x1e: {  	s7 =	smul.u32 @!p0 $0xF7A, s2;
	p2 =	seq.s32 @!p0 s5, $0x0  }
0x1f: {  	s9 =	smul.u32 $0xF7A, s1;
	s8 =	simm.s32 @!p0 $0x1BF5;
	p2 =	por !p2, p0  }
0x20: {  	[sflag:s8] =	ssyncset.s32 @!p0 $0xFFFFF086;
	s6 =	sadd.s32 @!p0 s3, s7;
	s7 =	simm.s32 @!p0 $0x108  }
0x21: {  	s3 =	sadd.s32 s3, s9;
	s6 =	sadd.s32 @!p0 $0x88, s6;
	s7 =	simm.s32 @p2 $0x1082  }
0x22: {  	[simem:s7], [sflag:s8] =	dma.local @!p0 [hbm:s6], $0xF7A  }
0x23: {  	s9 =	sor.u32 $0xD0000000, s2;
	s6 =	simm.s32 $0x108;
	_ =	swait.ge @!p0 [sflag:s8], $0x0  }
0x24: {  	s3 =	sadd.s32 $0x88, s3;
	s6 =	simm.s32 @!p1 $0x1082;
	[sflag:s4] =	ssyncset.s32 $0xFFFFF086  }
0x25: {  	[simem:s6], [sflag:s4] =	dma.local [hbm:s3], $0xF7A  }
0x26: {  	[smem:$0x3F9B] =	sst s1;
	(tag) =	ssettag s2;
	_ =	strace s9  }
0x27: {  	s1 =	sld [smem:$0x3FAB]  }
0x28: {  	s2 =	sld [smem:$0x3FAC]  }
0x29: {  	s4 =	sld [smem:$0x3FAE]  }
0x2a: {  	p0 =	seq.s32 s5, $0x0;
	s5 =	sld [smem:$0x3FAF]  }
0x2b: {  	s6 =	sld [smem:$0x3FB0]  }
0x2c: {  	s7 =	sld [smem:$0x3FB1]  }
0x2d: {  	s3 =	simm.s32 $0x108;
	s8 =	sld [smem:$0x3FB2]  }
0x2e: {  	s3 =	simm.s32 @!p0 $0x1082;
	s9 =	sld [smem:$0x3FB3]  }
0x2f: {  	lr =	sadd.s32 s0, s3;
	s0 =	sld [smem:$0x3FAA]  }
0x30: {  	s3 =	sld [smem:$0x3FAD]  }
0x31: {  	[smem:$0x3FB6] =	sst s10  }
0x32: {  	s10 =	sld [smem:$0x3FB4];
	_ =	sdelay $0x3  }
0x33: {  	p0 =	seq.s32 s10, $0x1;
	s10 =	sld [smem:$0x3FB6];
	_ =	sdelay $0x3  }
0x34: {  	[smem:$0x3FB6] =	sst s10  }
0x35: {  	s10 =	sld [smem:$0x3FB5];
	_ =	sdelay $0x3  }
0x36: {  	p1 =	seq.s32 s10, $0x1;
	s10 =	sld [smem:$0x3FB6];
	_ =	sdelay $0x3  }
0x37: {  	[smem:$0x3FB6] =	sst s10  }
0x38: {  	s10 =	sld [smem:$0x3FB7]  }
0x39: {  	_ = 	snop;
	(pc) =	sbr.ind lr, $3  }
0x3a: {  	_ = 	snop  }
0x3b: {  	_ = 	snop  }
0x3c: {  	p2 =	seq.s32 s10, $0x1;
	s10 =	sld [smem:$0x3FB6]  }
0x3d: {  	_ =	shalt  }
0x3e: {  	_ =	shalt  }
0x3f: {  	_ =	shalt  }
0x40: {  	_ =	shalt  }
0x41: {  	_ =	shalt  }
0x42: {  	_ =	shalt  }
0x43: {  	_ =	shalt  }
0x44: {  	_ =	shalt  }
0x45: {  	_ =	shalt  }
0x46: {  	_ =	shalt  }
0x47: {  	_ =	shalt  }
0x48: {  	_ =	shalt  }
0x49: {  	_ =	shalt  }
0x4a: {  	_ =	shalt  }
0x4b: {  	_ =	shalt  }
0x4c: {  	_ =	shalt  }
0x4d: {  	_ =	shalt  }
0x4e: {  	_ =	shalt  }
0x4f: {  	_ =	shalt  }
0x50: {  	_ =	shalt  }
0x51: {  	_ =	shalt  }
0x52: {  	_ =	shalt  }
0x53: {  	_ =	shalt  }
0x54: {  	_ =	shalt  }
0x55: {  	_ =	shalt  }
0x56: {  	_ =	shalt  }
0x57: {  	_ =	shalt  }
0x58: {  	_ =	shalt  }
0x59: {  	_ =	shalt  }
0x5a: {  	_ =	shalt  }
0x5b: {  	_ =	shalt  }
0x5c: {  	_ =	shalt  }
0x5d: {  	_ =	shalt  }
0x5e: {  	_ =	shalt  }
0x5f: {  	_ =	shalt  }
0x60: {  	_ =	shalt  }
0x61: {  	_ =	shalt  }
0x62: {  	_ =	shalt  }
0x63: {  	_ =	shalt  }
0x64: {  	_ =	shalt  }
0x65: {  	_ =	shalt  }
0x66: {  	_ =	shalt  }
0x67: {  	_ =	shalt  }
0x68: {  	_ =	shalt  }
0x69: {  	_ =	shalt  }
0x6a: {  	_ =	shalt  }
0x6b: {  	_ =	shalt  }
0x6c: {  	_ =	shalt  }
0x6d: {  	_ =	shalt  }
0x6e: {  	_ =	shalt  }
0x6f: {  	_ =	shalt  }
0x70: {  	_ =	shalt  }
0x71: {  	_ =	shalt  }
0x72: {  	_ =	shalt  }
0x73: {  	_ =	shalt  }
0x74: {  	_ =	shalt  }
0x75: {  	_ =	shalt  }
0x76: {  	_ =	shalt  }
0x77: {  	_ =	shalt  }
0x78: {  	_ =	shalt  }
0x79: {  	_ =	shalt  }
0x7a: {  	_ =	shalt  }
0x7b: {  	_ =	shalt  }
0x7c: {  	_ =	shalt  }
0x7d: {  	_ =	shalt  }
0x7e: {  	_ =	shalt  }
0x7f: {  	_ =	shalt  }
0x80: {  	_ =	shalt  }
0x81: {  	_ =	shalt  }
0x82: {  	_ =	shalt  }
0x83: {  	_ =	shalt  }
0x84: {  	_ =	shalt  }
0x85: {  	_ =	shalt  }
0x86: {  	_ =	shalt  }
0x87: {  	_ =	shalt  }
.Lfunc_end0:
.L_simem_size_0:
called_computation_lowered:
.L_overlay_start_0:
0x88: {  	s2 =	sld [smem:$0x3FD9]  }
0x89: {  	s3 =	sld [smem:$0x3FFE];
	_ =	sdelay $0x1  }
0x8a: {  	s1 =	srdreg.scid  }
0x8b: {  	s0 =	sand.u32 $0x1, s1  }
0x8c: {  	s17 =	sshll.u32 s0, $0xA;
	s2 =	sadd.s32 s3, s2  }
0x8d: {  	s2 =	sadd.s32 s2, s17  }
0x8e: {  	[smem:$0x3FC2] =	sst s2  }
0x8f: {  	_ = 	snop  }
0x90: {  	s2 =	sld [smem:$0x3FD0];
	(tm) =	ssettm $0x1  }
0x91: {  	s18 =	sld [smem:$0x3FFB];
	_ =	sdelay $0x3  }
0x92: {  	_ =	strace s18  }
0x93: {  	s3 =	sld [smem:$0x3FFC];
	_ =	sdelay $0x3  }
0x94: {  	_ =	strace s3  }
0x95: {  	s3 =	sld [smem:$0x3FFD];
	_ =	sdelay $0x3  }
0x96: {  	_ =	strace s3  }
0x97: {  	_ =	strace $0x8FFFFFFF  }
0x98: {  	s19 =	sld [smem:$0x3FDB];
	_ =	sdelay $0x1  }
0x99: {  	s4 =	simm.s32 $_scs_section_size  }
0x9a: {  	s5 =	simm.s32 $_size__tile_overlayer_lowered;
	s6 =	simm.s32 $_tile_overlayer_lowered  }
0x9b: {  	s22 =	simm.s32 $0x1BFF;
	s21 =	sshll.u32 s6, $0x1;
	s3 =	sadd.s32 s4, s19  }
0x9c: {  	s7 =	simm.s32 $0x0;
	s20 =	sshll.u32 s5, $0x1;
	s5 =	sadd.s32 s21, s3  }
0x9d: {  	[timem:s7], [sflag:s22] =	dma.local [hbm:s5], s20  }
0x9e: {  	_ =	swait.ge [sflag:s22], s20  }
0x9f: {  	s4 =	ssub.s32 $0x0, s20;
	[sflag:s22] =	ssyncset.done $0x0  }
0xa0: {  	[sflag:s22] =	ssyncadd.s32 s4;
	_ =	sdelay $0x1  }
0xa1: {  	s23 =	simm.s32 $0x1B8B  }
0xa2: {  	_ =	swait.ge [sflag:s23], $0x1  }
0xa3: {  	[sflag:s23] =	ssyncset.done $0x0  }
0xa4: {  	s25 =	simm.s32 $0x1B8E;
	s24 =	sld [smem:$0x3FFE];
	[sflag:s23] =	ssyncadd.s32 $0xFFFFFFFF  }
0xa5: {  	s26 =	simm.s32 $execute0_lowered;
	[smem:$0x3FD2] =	sst s25  }
0xa6: {  	s5 =	sshll.u32 s26, $0x1;
	_ =	strace $0x80000046;
	[dreg:$0x1] =	wrdreg $0xFFFFFFFF  }
0xa7: {  	s28 =	simm.s32 $_size_execute0_lowered;
	s3 =	sadd.s32 s3, s5;
	[dreg:$0x0] =	wrdreg $0x0  }
0xa8: {  	s5 =	sshll.u32 s28, $0x1;
	[dreg:$0x2] =	wrdreg s3  }
0xa9: {  	[dreg:$0x3] =	wrdreg s5  }
0xaa: {  	[dreg:$0x4] =	wrdreg $0xC0  }
0xab: {  	_ =	task [dreg:s7], $0x5FFFF  }
0xac: {  	[dreg:$0x1] =	wrdreg $0xFFFFFFFF  }
0xad: {  	[dreg:$0x0] =	wrdreg $0x60  }
0xae: {  	[dreg:$0x2] =	wrdreg s2  }
0xaf: {  	[dreg:$0x3] =	wrdreg s24  }
0xb0: {  	[dreg:$0x4] =	wrdreg $0x68000  }
0xb1: {  	[dreg:$0x5] =	wrdreg $0x9  }
0xb2: {  	_ =	task.clear_ibuf [dreg:s7], $0x6FFFF;
	_ =	strace $0x90000046  }
0xb3: {  	s29 =	simm.s32 $0x9;
	_ =	strace $0x80000048  }
0xb4: {  	_ =	swait.ge [sflag:s29], $0x1  }
0xb5: {  	[sflag:s29] =	ssyncadd.s32 $0xFFFFFFFF  }
0xb6: {  	_ =	strace $0x90000048  }
0xb7: {  	_ =	sfence  }
0xb8: {  	s30 =	sld [smem:$0x0];
	_ =	sdelay $0x2  }
0xb9: {  	s31 =	sshll.u32 s1, $0xD;
	s1 =	sshrl.u32 s1, $0x2  }
0xba: {  	s3 =	sand.u32 $0x4000, s31;
	s1 =	sadd.s32 s1, s30  }
0xbb: {  	s0 =	sor.u32 s3, s0;
	s1 =	sshll.u32 s1, $0x11  }
0xbc: {  	s0 =	sor.u32 s1, s0  }
0xbd: {  	s0 =	sadd.s32 $0x8F2B, s0  }
0xbe: {  	[sflag:s0] =	ssyncadd.remote.s32 $0x1  }
0xbf: {  	_ =	sfence.sel $0xFFFF  }
0xc0: {  	[dreg:$0x0] =	wrdreg $0xFFFFFFFF;
	(pc) =	sbr.abs _section_cstart, $3  }
0xc1: {  	[dreg:$0x1] =	wrdreg $0xFFFFFFFF  }
0xc2: {  	_ =	task.clear_ibuf [dreg:s7], $0x2FFFF;
	_ =	strace $0x9FFFFFFF  }
0xc3: {  	(tm) =	ssettm $0x7FFFFFFF  }
tec
execute0_lowered:
.L_overlay_start_1:
0x0: {  	(tag) =	ssettag $0x1  }
0x1: {  	s9 =	rddreg [dreg:$0x0]  }
0x2: {  	s4 =	rddreg [dreg:$0x1]  }
0x3: {  	s2 =	rddreg [dreg:$0x2]  }
0x4: {  	s3 =	srdreg.scid;
	s1 =	stileid.u32  }
0x5: {  	s0 =	rddreg [dreg:$0x3];
	s8 =	smul.u32 $0x280, s1  }
0x6: {  	s6 =	sand.u32 $0x1, s3;
	s3 =	simm.s32 $0x0;
	s10 =	smul.u32 $0x50000, s1  }
0x7: {  	s14 =	sadd.s32 $0x2E00, s4;
	s5 =	ssub.s32 $0x2, s6;
	[smem:$0x7FF] =	sst s3  }
0x8: {  	s22 =	sshll.u32 s6, $0x4;
	s17 =	smul.u32 $0x2800, s6;
	s7 =	sshrl.u32 s5, $0x1  }
0x9: {  	_ =	strace $0x80000047;
	s23 =	sshrl.u32 s10, $0x2;
	s24 =	sadd.s32 $0x80, s8  }
0xa: {  	s11 =	sor.u32 s1, s22;
	s12 =	sadd.s32 $0x100, s8;
	s13 =	sadd.s32 $0x180, s8  }
0xb: {  	s28 =	sadd.s32 $0x200, s8;
	s15 =	ssub.s32 s5, s7;
	s4 =	sadd.s32 s23, s2  }
0xc: {  	s25 =	sshll.u32 s24, $0x7;
	s26 =	sshll.u32 s12, $0x7;
	s16 =	sshll.u32 s13, $0x7  }
0xd: {  	s18 =	sshll.u32 s28, $0x7;
	s11 =	smul.u32 $0x500, s11;
	s19 =	sadd.s32 s8, s17  }
0xe: {  	s30 =	sadd.s32 s17, s24;
	s12 =	sadd.s32 s17, s12;
	s13 =	sadd.s32 s17, s13  }
0xf: {  	s5 =	sadd.s32 s25, s2;
	s6 =	sadd.s32 s26, s2;
	s7 =	sadd.s32 s16, s2  }
0x10: {  	s8 =	sadd.s32 s18, s2;
	s29 =	sshll.u32 s19, $0x4;
	s31 =	sshll.u32 s30, $0x4  }
0x11: {  	s12 =	sshll.u32 s12, $0x4;
	s13 =	sshll.u32 s13, $0x4;
	s16 =	sadd.s32 s17, s28  }
0x12: {  	s15 =	smax.u32 s15, $0x1;
	s17 =	simm.s32 $0x1;
	s18 =	simm.s32 $0x80  }
0x13: {  	s19 =	simm.s32 $0x0;
	s9 =	sadd.s32 s9, s11;
	s10 =	sadd.s32 s14, s29  }
0x14: {  	s11 =	sadd.s32 s14, s31;
	s12 =	sadd.s32 s14, s12;
	s16 =	sshll.u32 s16, $0x4  }
0x15: {  	v0 =	vimm.f32 $0.0e+00;
	v1 =	vimm.f32 $1.000000000e+00;
	s13 =	sadd.s32 s14, s13;
	s14 =	sadd.s32 s14, s16;
	s16 =	simm.s32 $0x2800  }
.LBB2_1:
0x16: {  	s20 =	simm.s32 $0x0;
	s21 =	simm.s32 $0x200  }
.LBB2_2:
0x17: {  	p0 =	sne.s32 s21, $0xFE00;
	[tilespmem:s20+$0x2870] =	vst v0  }
0x18: {  	[tilespmem:s20+$0x2800] =	vst v0  }
0x19: {  	[tilespmem:s20+$0x2810] =	vst v0  }
.Ltmp0:
0x1a: {  	[tilespmem:s20+$0x2820] =	vst v0;
	(pc) =	sbr.rel @p0 .LBB2_2-.Ltmp0, $4  }
0x1b: {  	[tilespmem:s20+$0x2830] =	vst v0  }
0x1c: {  	[tilespmem:s20+$0x2840] =	vst v0  }
0x1d: {  	[tilespmem:s20+$0x2850] =	vst v0  }
0x1e: {  	[tilespmem:s20+$0x2860] =	vst v0;
	s20 =	sshra.s32 s21, $0x2;
	s21 =	sadd.s32 $0x200, s21  }
0x1f: {  	[tilespmem:s20+$0x2870] =	vst v0  }
0x20: {  	[tilespmem:s20+$0x2800] =	vst v0  }
0x21: {  	[tilespmem:s20+$0x2810] =	vst v0  }
0x22: {  	[tilespmem:s20+$0x2820] =	vst v0  }
0x23: {  	[tilespmem:s20+$0x2830] =	vst v0  }
0x24: {  	[tilespmem:s20+$0x2840] =	vst v0  }
0x25: {  	[tilespmem:s20+$0x2850] =	vst v0  }
0x26: {  	[tilespmem:s20+$0x2860] =	vst v0  }
0x27: {  	[spmem:s4] =	stream.linear.scatter [tilespmem:s16], [sflag:$0x1], $0x4000, $0x38;
	[tilespmem:$0x1A800] =	vst v63  }
0x28: {  	_ =	swait.ge [sflag:s17], $0x4000  }
0x29: {  	[sflag:s17] =	ssyncset.done $0x0  }
0x2a: {  	[sflag:s17] =	ssyncadd.s32 $0xFFFFC000  }
0x2b: {  	[spmem:s5] =	stream.linear.scatter [tilespmem:s16], [sflag:$0x1], $0x4000, $0x38;
	[tilespmem:$0x1A800] =	vst v63  }
0x2c: {  	_ =	swait.ge [sflag:s17], $0x4000  }
0x2d: {  	[sflag:s17] =	ssyncset.done $0x0  }
0x2e: {  	[sflag:s17] =	ssyncadd.s32 $0xFFFFC000  }
0x2f: {  	[spmem:s6] =	stream.linear.scatter [tilespmem:s16], [sflag:$0x1], $0x4000, $0x38;
	[tilespmem:$0x1A800] =	vst v63  }
0x30: {  	_ =	swait.ge [sflag:s17], $0x4000  }
0x31: {  	[sflag:s17] =	ssyncset.done $0x0  }
0x32: {  	[sflag:s17] =	ssyncadd.s32 $0xFFFFC000  }
0x33: {  	[spmem:s7] =	stream.linear.scatter [tilespmem:s16], [sflag:$0x1], $0x4000, $0x38;
	[tilespmem:$0x1A800] =	vst v63  }
0x34: {  	_ =	swait.ge [sflag:s17], $0x4000  }
0x35: {  	[sflag:s17] =	ssyncset.done $0x0  }
0x36: {  	[sflag:s17] =	ssyncadd.s32 $0xFFFFC000  }
0x37: {  	[spmem:s8] =	stream.linear.scatter [tilespmem:s16], [sflag:$0x1], $0x4000, $0x38;
	[tilespmem:$0x1A800] =	vst v63  }
0x38: {  	_ =	swait.ge [sflag:s17], $0x4000  }
0x39: {  	[sflag:s17] =	ssyncset.done $0x0  }
0x3a: {  	[sflag:s17] =	ssyncadd.s32 $0xFFFFC000  }
0x3b: {  	s20 =	simm.s32 $0x0;
	s21 =	simm.s32 $0x200;
	[bflag:$0x0] =	sbarrier.arrive $0xFFFF  }
.LBB2_4:
0x3c: {  	p0 =	sne.s32 s21, $0xFE00;
	[tilespmem:s20+$0x2870] =	vst v1  }
0x3d: {  	[tilespmem:s20+$0x2800] =	vst v1  }
0x3e: {  	[tilespmem:s20+$0x2810] =	vst v1  }
.Ltmp1:
0x3f: {  	[tilespmem:s20+$0x2820] =	vst v1;
	(pc) =	sbr.rel @p0 .LBB2_4-.Ltmp1, $4  }
0x40: {  	[tilespmem:s20+$0x2830] =	vst v1  }
0x41: {  	[tilespmem:s20+$0x2840] =	vst v1  }
0x42: {  	[tilespmem:s20+$0x2850] =	vst v1  }
0x43: {  	[tilespmem:s20+$0x2860] =	vst v1;
	s20 =	sshra.s32 s21, $0x2;
	s21 =	sadd.s32 $0x200, s21  }
0x44: {  	[tilespmem:s20+$0x2870] =	vst v1  }
0x45: {  	[tilespmem:s20+$0x2800] =	vst v1  }
0x46: {  	[tilespmem:s20+$0x2810] =	vst v1  }
0x47: {  	[tilespmem:s20+$0x2820] =	vst v1  }
0x48: {  	[tilespmem:s20+$0x2830] =	vst v1  }
0x49: {  	[tilespmem:s20+$0x2840] =	vst v1  }
0x4a: {  	[tilespmem:s20+$0x2850] =	vst v1  }
0x4b: {  	[tilespmem:s20+$0x2860] =	vst v1;
	s30 =	simm.s32 $0x0  }
0x4c: {  	[tilespmem:s30], [sflag:$0x1] =	stream.linear.gather [hbm4b:s9+s30], $0x2780, $0x38;
	[tilespmem:$0x1A800] =	vst v63  }
0x4d: {  	_ =	swait.ge [sflag:s17], $0x2780  }
0x4e: {  	[sflag:s17] =	ssyncset.done $0x0  }
0x4f: {  	s31 =	simm.s32 $0x0;
	[sflag:s17] =	ssyncadd.s32 $0xFFFFD880  }
0x50: {  	[spmem:s2] =	stream.indirect.scatter.add.f32 [tilespmem:s16], [sflag:$0x1], $0x80, s31, s18, $0xb8;
	[tilespmem:$0x1A800] =	vst v63  }
0x51: {  	_ =	swait.ge [sflag:s17], $0x4000  }
0x52: {  	s20 =	simm.s32 $0x200;
	[sflag:s17] =	ssyncset.done $0x0  }
.LBB2_6:
0x53: {  	s21 =	sshra.s32 s20, $0x2;
	[sflag:s17] =	ssyncadd.s32 $0xFFFFC000;
	p0 =	sne.s32 s20, $0x9C00  }
0x54: {  	[spmem:s2] =	stream.indirect.scatter.add.f32 [tilespmem:s16], [sflag:$0x1], $0x80, s21, s18, $0xb8;
	[tilespmem:$0x1A800] =	vst v63  }
.Ltmp2:
0x55: {  	_ = 	snop;
	(pc) =	sbr.rel @p0 .LBB2_6-.Ltmp2, $4  }
0x56: {  	_ = 	snop  }
0x57: {  	s20 =	sadd.s32 $0x200, s20  }
0x58: {  	_ =	swait.ge [sflag:s17], $0x4000  }
0x59: {  	[sflag:s17] =	ssyncset.done $0x0  }
0x5a: {  	[sflag:s17] =	ssyncadd.s32 $0xFFFFC000  }
0x5b: {  	[bflag:$0x0] =	sbarrier.arrive $0xFFFF  }
0x5c: {  	[tilespmem:s16], [sflag:$0x1] =	stream.linear.gather [spmem:s4], $0x4000, $0x38;
	[tilespmem:$0x1A800] =	vst v63  }
0x5d: {  	_ =	swait.ge [sflag:s17], $0x4000  }
0x5e: {  	[sflag:s17] =	ssyncset.done $0x0  }
0x5f: {  	[sflag:s17] =	ssyncadd.s32 $0xFFFFC000  }
0x60: {  	[hbm4b:s10+s3] =	stream.linear.scatter [tilespmem:s16], [sflag:$0x1], $0x4000, $0x38;
	[tilespmem:$0x1A800] =	vst v63  }
0x61: {  	_ =	swait.ge [sflag:s17], $0x4000  }
0x62: {  	[sflag:s17] =	ssyncset.done $0x0  }
0x63: {  	[sflag:s17] =	ssyncadd.s32 $0xFFFFC000  }
0x64: {  	[tilespmem:s16], [sflag:$0x1] =	stream.linear.gather [spmem:s5], $0x4000, $0x38;
	[tilespmem:$0x1A800] =	vst v63  }
0x65: {  	_ =	swait.ge [sflag:s17], $0x4000  }
0x66: {  	[sflag:s17] =	ssyncset.done $0x0  }
0x67: {  	[sflag:s17] =	ssyncadd.s32 $0xFFFFC000  }
0x68: {  	[hbm4b:s11+s3] =	stream.linear.scatter [tilespmem:s16], [sflag:$0x1], $0x4000, $0x38;
	[tilespmem:$0x1A800] =	vst v63  }
0x69: {  	_ =	swait.ge [sflag:s17], $0x4000  }
0x6a: {  	[sflag:s17] =	ssyncset.done $0x0  }
0x6b: {  	[sflag:s17] =	ssyncadd.s32 $0xFFFFC000  }
0x6c: {  	[tilespmem:s16], [sflag:$0x1] =	stream.linear.gather [spmem:s6], $0x4000, $0x38;
	[tilespmem:$0x1A800] =	vst v63  }
0x6d: {  	_ =	swait.ge [sflag:s17], $0x4000  }
0x6e: {  	[sflag:s17] =	ssyncset.done $0x0  }
0x6f: {  	[sflag:s17] =	ssyncadd.s32 $0xFFFFC000  }
0x70: {  	[hbm4b:s12+s3] =	stream.linear.scatter [tilespmem:s16], [sflag:$0x1], $0x4000, $0x38;
	[tilespmem:$0x1A800] =	vst v63  }
0x71: {  	_ =	swait.ge [sflag:s17], $0x4000  }
0x72: {  	[sflag:s17] =	ssyncset.done $0x0  }
0x73: {  	[sflag:s17] =	ssyncadd.s32 $0xFFFFC000  }
0x74: {  	[tilespmem:s16], [sflag:$0x1] =	stream.linear.gather [spmem:s7], $0x4000, $0x38;
	[tilespmem:$0x1A800] =	vst v63  }
0x75: {  	_ =	swait.ge [sflag:s17], $0x4000  }
0x76: {  	[sflag:s17] =	ssyncset.done $0x0  }
0x77: {  	[sflag:s17] =	ssyncadd.s32 $0xFFFFC000  }
0x78: {  	[hbm4b:s13+s3] =	stream.linear.scatter [tilespmem:s16], [sflag:$0x1], $0x4000, $0x38;
	[tilespmem:$0x1A800] =	vst v63  }
0x79: {  	_ =	swait.ge [sflag:s17], $0x4000  }
0x7a: {  	[sflag:s17] =	ssyncset.done $0x0  }
0x7b: {  	[sflag:s17] =	ssyncadd.s32 $0xFFFFC000  }
0x7c: {  	[tilespmem:s16], [sflag:$0x1] =	stream.linear.gather [spmem:s8], $0x4000, $0x38;
	[tilespmem:$0x1A800] =	vst v63  }
0x7d: {  	s19 =	sadd.s32 $0x1, s19;
	_ =	swait.ge [sflag:s17], $0x4000  }
0x7e: {  	p0 =	sne.s32 s19, s15;
	[sflag:s17] =	ssyncset.done $0x0  }
.Ltmp3:
0x7f: {  	[sflag:s17] =	ssyncadd.s32 $0xFFFFC000;
	(pc) =	sbr.rel @p0 .LBB2_1-.Ltmp3, $4  }
0x80: {  	[hbm4b:s14+s3] =	stream.linear.scatter [tilespmem:s16], [sflag:$0x1], $0x4000, $0x38;
	[tilespmem:$0x1A800] =	vst v63  }
0x81: {  	_ =	swait.ge [sflag:s17], $0x4000  }
0x82: {  	[sflag:s17] =	ssyncset.done $0x0  }
0x83: {  	[sflag:s17] =	ssyncadd.s32 $0xFFFFC000  }
0x84: {  	_ =	sfence.sel $0x180000  }
0x85: {  	[bflag:$0x0] =	sbarrier.arrive $0xFFFF  }
0x86: {  	p0 =	sne.s32 s1, $0x0;
	_ =	strace $0x90000047  }
0x87: {  	s0 =	sadd.s32 @!p0 $0x100000, s0;
	[bflag:$0x2] =	sbarrier.arrive $0xFFFF  }
0x88: {  	[sflag:s0] =	ssyncadd.tile.s32 @!p0 $0x1;
	_ =	shalt  }
.Lfunc_end2:
_tile_overlayer_lowered:
.L_overlay_start_2:
0x89: {  	(tag) =	ssettag $0x2  }
0x8a: {  	s0 =	rddreg [dreg:$0x0];
	s2 =	stileid.u32  }
0x8b: {  	s1 =	rddreg [dreg:$0x1];
	p0 =	sne.s32 s2, $0x0  }
0x8c: {  	s3 =	rddreg [dreg:$0x2];
	[bflag:$0x3] =	sbarrier.arrive $0xFFFF;
	s2 =	simm.s32 @!p0 $0x1C01  }
0x8d: {  	[timem:s3], [sflag:s2] =	dma.local @!p0 [hbm:s0], s1  }
0x8e: {  	s0 =	simm.s32 @!p0 $0x1  }
0x8f: {  	_ =	swait.ge @!p0 [sflag:s0], s1  }
0x90: {  	s1 =	ssub.s32 @!p0 $0x0, s1;
	[sflag:s0] =	ssyncset.done @!p0 $0x0  }
0x91: {  	[sflag:s0] =	ssyncadd.s32 @!p0 s1  }
0x92: {  	[bflag:$0x3] =	sbarrier.arrive $0xFFFF  }
0x93: {  	_ =	shalt  }

</sc_bundles>
